<compile_context>
chip_gen: v7x
topology: tpu7x:2x2x1
jax: 0.10.2.dev20260603
libtpu: 0.0.44.dev20260713+nightly
codegen_flags: <defaults>
</compile_context>

<pallas_src>
import functools

import numpy as np
import jax
import jax.numpy as jnp
from jax import lax
from jax.experimental import pallas as pl
from jax.experimental.pallas import tpu as pltpu
from jax.experimental.pallas import tpu_sc as plsc

_SIZE_VERTEX = 100000
_D = 64


def _build_leaves(size_vertex):
    leaf = []

    def rec(tl, tr, v):
        if tl == tr:
            leaf.append(v)
            return
        tm = (tl + tr) >> 1
        rec(tl, tm, 2 * v)
        rec(tm + 1, tr, 2 * v + 1)

    rec(1, size_vertex + 1, 1)
    return leaf


_LEAF = np.asarray(_build_leaves(_SIZE_VERTEX), dtype=np.int32)
_MAX_BITS = int(_LEAF.max()).bit_length()
_NLEV = _MAX_BITS - 1
_NPAD = 32
_NSUB = 16
_LEAF_PAD = np.zeros((-(-_LEAF.size // 128)) * 128, dtype=np.int32)
_LEAF_PAD[:_LEAF.size] = _LEAF
_LEAF_PAD = _LEAF_PAD.reshape(-1, 128)

_mesh = plsc.VectorSubcoreMesh(
    core_axis_name="c", subcore_axis_name="s", num_cores=1)


def _bcast(x):
    return jnp.broadcast_to(x, (16,))


@functools.partial(
    pl.kernel,
    out_type=jax.ShapeDtypeStruct((16,), jnp.float32),
    mesh=_mesh,
    compiler_params=pltpu.CompilerParams(use_tc_tiling_on_sc=True),
    scratch_types=[
        pltpu.VMEM((8, 128), jnp.int32),
        pltpu.VMEM((1, 128), jnp.int32),
        pltpu.VMEM((_D, 128), jnp.float32),
        pltpu.VMEM((_D, 128), jnp.float32),
        pltpu.VMEM((_D, 128), jnp.float32),
        pltpu.VMEM((16,), jnp.float32),
        pltpu.VMEM((_NPAD, 16), jnp.float32),
        pltpu.VMEM_SHARED((_NPAD, 16), jnp.float32),
        pltpu.SemaphoreType.DMA,
    ],
)
def _hs_path_kernel(wt_hbm, enct_hbm, leaf_hbm, scal_hbm, out_hbm,
                    scal_v, leaf_v, w0_v, w1_v, e_v, fac_v, allfac_v,
                    shared, sem):
    sid = lax.axis_index("s")

    pltpu.sync_copy(scal_hbm, scal_v)
    svec = scal_v[0, pl.ds(0, 16)]
    vi = svec[0]
    vj = svec[1]

    pltpu.async_copy(leaf_hbm.at[pl.ds(vi >> 7, 1)], leaf_v, sem).wait()
    lch = pl.multiple_of(((vi & 127) >> 4) * 16, 16)
    lvec = leaf_v[0, pl.ds(lch, 16)]
    lm = vi & 15
    nn = lvec[15]
    for i in range(15):
        nn = jnp.where(lm == i, lvec[i], nn)

    sh = (_MAX_BITS - 1) - sid
    pa = lax.shift_right_logical(nn, sh)
    ca = lax.shift_right_logical(nn, sh - 1)
    is_b = sid == 0
    pb = jnp.where(is_b, lax.shift_right_logical(nn, 1), 0)
    cb = jnp.where(is_b, nn, 0)

    wb0 = pl.multiple_of((pa >> 7) * 128, 128)
    wb1 = pl.multiple_of((pb >> 7) * 128, 128)
    eb = pl.multiple_of((vj >> 7) * 128, 128)
    cp0 = pltpu.async_copy(wt_hbm.at[:, pl.ds(wb0, 128)], w0_v, sem)
    cp1 = pltpu.async_copy(wt_hbm.at[:, pl.ds(wb1, 128)], w1_v, sem)
    cpe = pltpu.async_copy(enct_hbm.at[:, pl.ds(eb, 128)], e_v, sem)

    choh = pl.multiple_of(((vj & 127) >> 4) * 16, 16)
    ch0 = pl.multiple_of(((pa & 127) >> 4) * 16, 16)
    ch1 = pl.multiple_of(((pb & 127) >> 4) * 16, 16)
    lane0 = _bcast(pa & 15)
    lane1 = _bcast(pb & 15)
    laneh = _bcast(vj & 15)
    cp0.wait()
    cp1.wait()
    cpe.wait()

    d0 = None
    d1 = None
    for c in range(_D):
        hc = e_v[c, pl.ds(choh, 16)]
        w0c = w0_v[c, pl.ds(ch0, 16)]
        w1c = w1_v[c, pl.ds(ch1, 16)]
        w0b = w0c.at[lane0].get(mode="promise_in_bounds")
        w1b = w1c.at[lane1].get(mode="promise_in_bounds")
        t0 = hc * w0b
        t1 = hc * w1b
        d0 = t0 if d0 is None else d0 + t0
        d1 = t1 if d1 is None else d1 + t1

    dd0 = d0.at[laneh].get(mode="promise_in_bounds")
    dd1 = d1.at[laneh].get(mode="promise_in_bounds")
    m0 = _bcast(jnp.where(ca % 2 == 0, 1, -1)).astype(jnp.float32)
    m1 = _bcast(jnp.where(cb % 2 == 0, 1, -1)).astype(jnp.float32)
    va0 = _bcast((pa >= 2).astype(jnp.int32)).astype(jnp.float32)
    va1 = _bcast(((pb >= 2) & is_b).astype(jnp.int32)).astype(jnp.float32)
    f0 = va0 * (1.0 / (1.0 + jnp.exp(-(m0 * dd0)))) + (1.0 - va0)
    f1 = va1 * (1.0 / (1.0 + jnp.exp(-(m1 * dd1)))) + (1.0 - va1)

    fac_v[pl.ds(0, 16)] = f0
    pltpu.sync_copy(fac_v, shared.at[sid])
    fac_v[pl.ds(0, 16)] = f1
    pltpu.sync_copy(fac_v, shared.at[sid + _NSUB])
    plsc.subcore_barrier()

    @pl.when(sid == 0)
    def _():
        pltpu.sync_copy(shared, allfac_v)
        prod = allfac_v[0, pl.ds(0, 16)]
        for r in range(1, _NPAD):
            prod = prod * allfac_v[r, pl.ds(0, 16)]
        fac_v[pl.ds(0, 16)] = prod
        pltpu.sync_copy(fac_v, out_hbm)


def kernel(encoder, W, v_i, v_j):
    vi = jnp.asarray(v_i, jnp.int32)
    vj = jnp.asarray(v_j, jnp.int32)
    row = lax.broadcasted_iota(jnp.int32, (8, 128), 0)
    lane = lax.broadcasted_iota(jnp.int32, (8, 128), 1)
    scal = jnp.where((row == 0) & (lane == 0), vi,
                     jnp.where((row == 0) & (lane == 1), vj, 0))
    out = _hs_path_kernel(W.T, encoder.T, jnp.asarray(_LEAF_PAD), scal)
    return out[0:1]

# --- scband reference (transcript-rebuilt; emitter-appended) ---
"""Pipeline reference for scband-hierarchial-model-86569360818845 (READ-ONLY COPY).

The authoritative reference and input builder live on the scoring server;
editing this copy changes nothing except your own understanding.
"""

import jax, jax.numpy as jnp
import numpy as np

SIZE_VERTEX = 100000
D = 64


def build(size_vertex):
    leaf = []

    def tree_construction(tl, tr, v):
        if tl == tr:
            leaf.append(v)
            return
        tm = (tl + tr) >> 1
        tree_construction(tl, tm, 2 * v)
        tree_construction(tm + 1, tr, 2 * v + 1)

    tree_construction(1, size_vertex + 1, 1)
    return leaf


def path_root_v(vertex):
    path = []
    while vertex != 1:
        path.append(vertex)
        vertex //= 2
    return path[::-1]


def setup_inputs(seed: int = 0):
    key = jax.random.key(seed)
    k1, k2 = jax.random.split(key)
    encoder = jax.random.uniform(k1, (SIZE_VERTEX, D), dtype=jnp.float32)
    W = jax.random.uniform(k2, (4 * SIZE_VERTEX, D), dtype=jnp.float32)
    return {"encoder": encoder, "W": W, "v_i": 12345, "v_j": 54321}


def reference(encoder, W, v_i, v_j):
    # h = one_hot(v_j) @ encoder  ==  embedding gather
    h = jnp.take(encoder, v_j, axis=0)
    leaf = build(SIZE_VERTEX)
    leaf_arr = jnp.asarray(np.array(leaf, dtype=np.int32))
    new_node = jnp.take(leaf_arr, v_i)
    max_bits = int(max(leaf)).bit_length()
    p = jnp.array([1.0], dtype=jnp.float32)

    def body(i, p):
        s = (max_bits - 2 - i).astype(new_node.dtype)
        parent = jax.lax.shift_right_logical(new_node, s + 1)
        child = jax.lax.shift_right_logical(new_node, s)
        mult = jnp.where(child % 2 == 0, 1.0, -1.0).astype(jnp.float32)
        factor = jax.nn.sigmoid(mult * jnp.dot(jnp.take(W, parent, axis=0), h))
        return jnp.where(parent >= 2, p * factor, p)

    p = jax.lax.fori_loop(0, max_bits - 1, body, p)
    return p

if __name__ == "__main__":
    import jax
    _d = setup_inputs()
    print(jax.jit(kernel)(*tuple(_d.values())))

</pallas_src>

<mosaic_0001>
#map = affine_map<(d0, d1) -> (0, 0)>
#map1 = affine_map<(d0, d1) -> (0)>
module attributes {stable_mosaic.version = 14 : i64} {
  func.func @_hs_path_kernel(%arg0: i32, %arg1: i32, %arg2: memref<64x400000xf32, #tpu.memory_space<hbm>>, %arg3: memref<64x100000xf32, #tpu.memory_space<hbm>>, %arg4: memref<782x128xi32, #tpu.memory_space<hbm>>, %arg5: memref<8x128xi32, #tpu.memory_space<hbm>>, %arg6: memref<16xf32, #tpu.memory_space<hbm>>, %arg7: memref<8x128xi32, #tpu.memory_space<vmem>>, %arg8: memref<1x128xi32, #tpu.memory_space<vmem>>, %arg9: memref<64x128xf32, #tpu.memory_space<vmem>>, %arg10: memref<64x128xf32, #tpu.memory_space<vmem>>, %arg11: memref<64x128xf32, #tpu.memory_space<vmem>>, %arg12: memref<16xf32, #tpu.memory_space<vmem>>, %arg13: memref<32x16xf32, #tpu.memory_space<vmem>>, %arg14: memref<32x16xf32, #tpu.memory_space<vmem_shared>>, %arg15: memref<!tpu.dma_semaphore, #tpu.memory_space<semaphore_mem>>) attributes {dimension_semantics = [#tpu.dimension_semantics<core_parallel>, #tpu.dimension_semantics<subcore_parallel>], iteration_bounds = array<i64: 1, 16>, scalar_prefetch = 0 : i64, scratch_operands = 9 : i64, tpu.core_type = #tpu.core_type<sc_vector_subcore>, window_params = [{transform_indices = #map}, {transform_indices = #map}, {transform_indices = #map}, {transform_indices = #map}, {transform_indices = #map1}]} {
    "tpu.region"() ({
      %run_scoped3A = tpu.sem_alloc : memref<!tpu.dma_semaphore, #tpu.memory_space<semaphore_mem>>
      tpu.enqueue_dma source(%arg5 : memref<8x128xi32, #tpu.memory_space<hbm>>) target(%arg7 : memref<8x128xi32, #tpu.memory_space<vmem>>) target_semaphore(%run_scoped3A : memref<!tpu.dma_semaphore, #tpu.memory_space<semaphore_mem>>)
      tpu.wait_dma2 semaphore(%run_scoped3A : memref<!tpu.dma_semaphore, #tpu.memory_space<semaphore_mem>>) src(%arg5 : memref<8x128xi32, #tpu.memory_space<hbm>>) dst(%arg7 : memref<8x128xi32, #tpu.memory_space<vmem>>)
      tpu.yield
    }) : () -> ()
    %get3A = arith.constant 0 : i32
    %get3A_0 = arith.index_cast %get3A : i32 to index
    %get3A_1 = arith.constant 0 : index
    %get3A_2 = tpu.vector_load %arg7[%get3A_0, %get3A_1] {strides = array<i32>} : memref<8x128xi32, #tpu.memory_space<vmem>>, vector<1x16xi32>,
    %get3A_3 = vector.shape_cast %get3A_2 : vector<1x16xi32> to vector<16xi32>
    %slice3A = vector.extract_strided_slice %get3A_3 {offsets = [0], sizes = [1], strides = [1]} : vector<16xi32> to vector<1xi32>
    %squeeze3A = vector.extract %slice3A[0] : i32 from vector<1xi32>
    %slice3A_4 = vector.extract_strided_slice %get3A_3 {offsets = [1], sizes = [1], strides = [1]} : vector<16xi32> to vector<1xi32>
    %squeeze3A_5 = vector.extract %slice3A_4[0] : i32 from vector<1xi32>
    %shift_right_arithmetic3A = arith.constant 7 : i32
    %shift_right_arithmetic3A_6 = arith.shrsi %squeeze3A, %shift_right_arithmetic3A : i32
    %dma_start3A = arith.constant 0 : i32
    %dma_start3A_7 = tpu.memref_slice %arg4[%shift_right_arithmetic3A_6, %dma_start3A] : memref<782x128xi32, #tpu.memory_space<hbm>> -> memref<1x128xi32, #tpu.memory_space<hbm>>
    %dma_start3A_8 = arith.constant 0 : i32
    %dma_start3A_9 = tpu.memref_slice %arg4[%shift_right_arithmetic3A_6, %dma_start3A_8] : memref<782x128xi32, #tpu.memory_space<hbm>> -> memref<1x128xi32, #tpu.memory_space<hbm>>
    tpu.enqueue_dma source(%dma_start3A_9 : memref<1x128xi32, #tpu.memory_space<hbm>>) target(%arg8 : memref<1x128xi32, #tpu.memory_space<vmem>>) target_semaphore(%arg15 : memref<!tpu.dma_semaphore, #tpu.memory_space<semaphore_mem>>)
    %dma_wait3A = arith.constant 0 : i32
    %dma_wait3A_10 = tpu.memref_slice %arg4[%shift_right_arithmetic3A_6, %dma_wait3A] : memref<782x128xi32, #tpu.memory_space<hbm>> -> memref<1x128xi32, #tpu.memory_space<hbm>>
    %dma_wait3A_11 = arith.constant 0 : i32
    %dma_wait3A_12 = tpu.memref_slice %arg4[%shift_right_arithmetic3A_6, %dma_wait3A_11] : memref<782x128xi32, #tpu.memory_space<hbm>> -> memref<1x128xi32, #tpu.memory_space<hbm>>
    tpu.wait_dma2 semaphore(%arg15 : memref<!tpu.dma_semaphore, #tpu.memory_space<semaphore_mem>>) src(%dma_wait3A_12 : memref<1x128xi32, #tpu.memory_space<hbm>>) dst(%arg8 : memref<1x128xi32, #tpu.memory_space<vmem>>)
    %and3A = arith.constant 127 : i32
    %and3A_13 = arith.andi %squeeze3A, %and3A : i32
    %shift_right_arithmetic3A_14 = arith.constant 4 : i32
    %shift_right_arithmetic3A_15 = arith.shrsi %and3A_13, %shift_right_arithmetic3A_14 : i32
    %mul3A = arith.constant 16 : i32
    %mul3A_16 = arith.muli %shift_right_arithmetic3A_15, %mul3A : i32
    %multiple_of3A = tpu.assume_multiple %mul3A_16, 16 : i32
    %get3A_17 = arith.constant 0 : i32
    %get3A_18 = arith.index_cast %get3A_17 : i32 to index
    %get3A_19 = arith.index_cast %multiple_of3A : i32 to index
    %get3A_20 = tpu.vector_load %arg8[%get3A_18, %get3A_19] {strides = array<i32>} : memref<1x128xi32, #tpu.memory_space<vmem>>, vector<1x16xi32>,
    %get3A_21 = vector.shape_cast %get3A_20 : vector<1x16xi32> to vector<16xi32>
    %and3A_22 = arith.constant 15 : i32
    %and3A_23 = arith.andi %squeeze3A, %and3A_22 : i32
    %slice3A_24 = vector.extract_strided_slice %get3A_21 {offsets = [15], sizes = [1], strides = [1]} : vector<16xi32> to vector<1xi32>
    %squeeze3A_25 = vector.extract %slice3A_24[0] : i32 from vector<1xi32>
    %eq3A = arith.constant 0 : i32
    %eq3A_26 = arith.cmpi eq, %and3A_23, %eq3A : i32
    %slice3A_27 = vector.extract_strided_slice %get3A_21 {offsets = [0], sizes = [1], strides = [1]} : vector<16xi32> to vector<1xi32>
    %squeeze3A_28 = vector.extract %slice3A_27[0] : i32 from vector<1xi32>
    %select_n3A = arith.select %eq3A_26, %squeeze3A_28, %squeeze3A_25 : i32
    %eq3A_29 = arith.constant 1 : i32
    %eq3A_30 = arith.cmpi eq, %and3A_23, %eq3A_29 : i32
    %slice3A_31 = vector.extract_strided_slice %get3A_21 {offsets = [1], sizes = [1], strides = [1]} : vector<16xi32> to vector<1xi32>
    %squeeze3A_32 = vector.extract %slice3A_31[0] : i32 from vector<1xi32>
    %select_n3A_33 = arith.select %eq3A_30, %squeeze3A_32, %select_n3A : i32
    %eq3A_34 = arith.constant 2 : i32
    %eq3A_35 = arith.cmpi eq, %and3A_23, %eq3A_34 : i32
    %slice3A_36 = vector.extract_strided_slice %get3A_21 {offsets = [2], sizes = [1], strides = [1]} : vector<16xi32> to vector<1xi32>
    %squeeze3A_37 = vector.extract %slice3A_36[0] : i32 from vector<1xi32>
    %select_n3A_38 = arith.select %eq3A_35, %squeeze3A_37, %select_n3A_33 : i32
    %eq3A_39 = arith.constant 3 : i32
    %eq3A_40 = arith.cmpi eq, %and3A_23, %eq3A_39 : i32
    %slice3A_41 = vector.extract_strided_slice %get3A_21 {offsets = [3], sizes = [1], strides = [1]} : vector<16xi32> to vector<1xi32>
    %squeeze3A_42 = vector.extract %slice3A_41[0] : i32 from vector<1xi32>
    %select_n3A_43 = arith.select %eq3A_40, %squeeze3A_42, %select_n3A_38 : i32
    %eq3A_44 = arith.constant 4 : i32
    %eq3A_45 = arith.cmpi eq, %and3A_23, %eq3A_44 : i32
    %slice3A_46 = vector.extract_strided_slice %get3A_21 {offsets = [4], sizes = [1], strides = [1]} : vector<16xi32> to vector<1xi32>
    %squeeze3A_47 = vector.extract %slice3A_46[0] : i32 from vector<1xi32>
    %select_n3A_48 = arith.select %eq3A_45, %squeeze3A_47, %select_n3A_43 : i32
    %eq3A_49 = arith.constant 5 : i32
    %eq3A_50 = arith.cmpi eq, %and3A_23, %eq3A_49 : i32
    %slice3A_51 = vector.extract_strided_slice %get3A_21 {offsets = [5], sizes = [1], strides = [1]} : vector<16xi32> to vector<1xi32>
    %squeeze3A_52 = vector.extract %slice3A_51[0] : i32 from vector<1xi32>
    %select_n3A_53 = arith.select %eq3A_50, %squeeze3A_52, %select_n3A_48 : i32
    %eq3A_54 = arith.constant 6 : i32
    %eq3A_55 = arith.cmpi eq, %and3A_23, %eq3A_54 : i32
    %slice3A_56 = vector.extract_strided_slice %get3A_21 {offsets = [6], sizes = [1], strides = [1]} : vector<16xi32> to vector<1xi32>
    %squeeze3A_57 = vector.extract %slice3A_56[0] : i32 from vector<1xi32>
    %select_n3A_58 = arith.select %eq3A_55, %squeeze3A_57, %select_n3A_53 : i32
    %eq3A_59 = arith.constant 7 : i32
    %eq3A_60 = arith.cmpi eq, %and3A_23, %eq3A_59 : i32
    %slice3A_61 = vector.extract_strided_slice %get3A_21 {offsets = [7], sizes = [1], strides = [1]} : vector<16xi32> to vector<1xi32>
    %squeeze3A_62 = vector.extract %slice3A_61[0] : i32 from vector<1xi32>
    %select_n3A_63 = arith.select %eq3A_60, %squeeze3A_62, %select_n3A_58 : i32
    %eq3A_64 = arith.constant 8 : i32
    %eq3A_65 = arith.cmpi eq, %and3A_23, %eq3A_64 : i32
    %slice3A_66 = vector.extract_strided_slice %get3A_21 {offsets = [8], sizes = [1], strides = [1]} : vector<16xi32> to vector<1xi32>
    %squeeze3A_67 = vector.extract %slice3A_66[0] : i32 from vector<1xi32>
    %select_n3A_68 = arith.select %eq3A_65, %squeeze3A_67, %select_n3A_63 : i32
    %eq3A_69 = arith.constant 9 : i32
    %eq3A_70 = arith.cmpi eq, %and3A_23, %eq3A_69 : i32
    %slice3A_71 = vector.extract_strided_slice %get3A_21 {offsets = [9], sizes = [1], strides = [1]} : vector<16xi32> to vector<1xi32>
    %squeeze3A_72 = vector.extract %slice3A_71[0] : i32 from vector<1xi32>
    %select_n3A_73 = arith.select %eq3A_70, %squeeze3A_72, %select_n3A_68 : i32
    %eq3A_74 = arith.constant 10 : i32
    %eq3A_75 = arith.cmpi eq, %and3A_23, %eq3A_74 : i32
    %slice3A_76 = vector.extract_strided_slice %get3A_21 {offsets = [10], sizes = [1], strides = [1]} : vector<16xi32> to vector<1xi32>
    %squeeze3A_77 = vector.extract %slice3A_76[0] : i32 from vector<1xi32>
    %select_n3A_78 = arith.select %eq3A_75, %squeeze3A_77, %select_n3A_73 : i32
    %eq3A_79 = arith.constant 11 : i32
    %eq3A_80 = arith.cmpi eq, %and3A_23, %eq3A_79 : i32
    %slice3A_81 = vector.extract_strided_slice %get3A_21 {offsets = [11], sizes = [1], strides = [1]} : vector<16xi32> to vector<1xi32>
    %squeeze3A_82 = vector.extract %slice3A_81[0] : i32 from vector<1xi32>
    %select_n3A_83 = arith.select %eq3A_80, %squeeze3A_82, %select_n3A_78 : i32
    %eq3A_84 = arith.constant 12 : i32
    %eq3A_85 = arith.cmpi eq, %and3A_23, %eq3A_84 : i32
    %slice3A_86 = vector.extract_strided_slice %get3A_21 {offsets = [12], sizes = [1], strides = [1]} : vector<16xi32> to vector<1xi32>
    %squeeze3A_87 = vector.extract %slice3A_86[0] : i32 from vector<1xi32>
    %select_n3A_88 = arith.select %eq3A_85, %squeeze3A_87, %select_n3A_83 : i32
    %eq3A_89 = arith.constant 13 : i32
    %eq3A_90 = arith.cmpi eq, %and3A_23, %eq3A_89 : i32
    %slice3A_91 = vector.extract_strided_slice %get3A_21 {offsets = [13], sizes = [1], strides = [1]} : vector<16xi32> to vector<1xi32>
    %squeeze3A_92 = vector.extract %slice3A_91[0] : i32 from vector<1xi32>
    %select_n3A_93 = arith.select %eq3A_90, %squeeze3A_92, %select_n3A_88 : i32
    %eq3A_94 = arith.constant 14 : i32
    %eq3A_95 = arith.cmpi eq, %and3A_23, %eq3A_94 : i32
    %slice3A_96 = vector.extract_strided_slice %get3A_21 {offsets = [14], sizes = [1], strides = [1]} : vector<16xi32> to vector<1xi32>
    %squeeze3A_97 = vector.extract %slice3A_96[0] : i32 from vector<1xi32>
    %select_n3A_98 = arith.select %eq3A_95, %squeeze3A_97, %select_n3A_93 : i32
    %sub3A = arith.constant 17 : i32
    %sub3A_99 = arith.subi %sub3A, %arg1 : i32
    %shift_right_logical3A = arith.shrui %select_n3A_98, %sub3A_99 : i32
    %sub3A_100 = arith.constant 1 : i32
    %sub3A_101 = arith.subi %sub3A_99, %sub3A_100 : i32
    %shift_right_logical3A_102 = arith.shrui %select_n3A_98, %sub3A_101 : i32
    %eq3A_103 = arith.constant 0 : i32
    %eq3A_104 = arith.cmpi eq, %arg1, %eq3A_103 : i32
    %shift_right_logical3A_105 = arith.constant 1 : i32
    %shift_right_logical3A_106 = arith.shrui %select_n3A_98, %shift_right_logical3A_105 : i32
    %jit3A = arith.constant 0 : i32
    %select_n3A_107 = arith.select %eq3A_104, %shift_right_logical3A_106, %jit3A : i32
    %jit3A_108 = arith.constant 0 : i32
    %select_n3A_109 = arith.select %eq3A_104, %select_n3A_98, %jit3A_108 : i32
    %shift_right_arithmetic3A_110 = arith.constant 7 : i32
    %shift_right_arithmetic3A_111 = arith.shrsi %shift_right_logical3A, %shift_right_arithmetic3A_110 : i32
    %mul3A_112 = arith.constant 128 : i32
    %mul3A_113 = arith.muli %shift_right_arithmetic3A_111, %mul3A_112 : i32
    %multiple_of3A_114 = tpu.assume_multiple %mul3A_113, 128 : i32
    %shift_right_arithmetic3A_115 = arith.constant 7 : i32
    %shift_right_arithmetic3A_116 = arith.shrsi %select_n3A_107, %shift_right_arithmetic3A_115 : i32
    %mul3A_117 = arith.constant 128 : i32
    %mul3A_118 = arith.muli %shift_right_arithmetic3A_116, %mul3A_117 : i32
    %multiple_of3A_119 = tpu.assume_multiple %mul3A_118, 128 : i32
    %shift_right_arithmetic3A_120 = arith.constant 7 : i32
    %shift_right_arithmetic3A_121 = arith.shrsi %squeeze3A_5, %shift_right_arithmetic3A_120 : i32
    %mul3A_122 = arith.constant 128 : i32
    %mul3A_123 = arith.muli %shift_right_arithmetic3A_121, %mul3A_122 : i32
    %multiple_of3A_124 = tpu.assume_multiple %mul3A_123, 128 : i32
    %dma_start3A_125 = arith.constant 0 : i32
    %dma_start3A_126 = tpu.memref_slice %arg2[%dma_start3A_125, %multiple_of3A_114] : memref<64x400000xf32, #tpu.memory_space<hbm>> -> memref<64x128xf32, #tpu.memory_space<hbm>>
    %dma_start3A_127 = arith.constant 0 : i32
    %dma_start3A_128 = tpu.memref_slice %arg2[%dma_start3A_127, %multiple_of3A_114] : memref<64x400000xf32, #tpu.memory_space<hbm>> -> memref<64x128xf32, #tpu.memory_space<hbm>>
    tpu.enqueue_dma source(%dma_start3A_128 : memref<64x128xf32, #tpu.memory_space<hbm>>) target(%arg9 : memref<64x128xf32, #tpu.memory_space<vmem>>) target_semaphore(%arg15 : memref<!tpu.dma_semaphore, #tpu.memory_space<semaphore_mem>>)
    %dma_start3A_129 = arith.constant 0 : i32
    %dma_start3A_130 = tpu.memref_slice %arg2[%dma_start3A_129, %multiple_of3A_119] : memref<64x400000xf32, #tpu.memory_space<hbm>> -> memref<64x128xf32, #tpu.memory_space<hbm>>
    %dma_start3A_131 = arith.constant 0 : i32
    %dma_start3A_132 = tpu.memref_slice %arg2[%dma_start3A_131, %multiple_of3A_119] : memref<64x400000xf32, #tpu.memory_space<hbm>> -> memref<64x128xf32, #tpu.memory_space<hbm>>
    tpu.enqueue_dma source(%dma_start3A_132 : memref<64x128xf32, #tpu.memory_space<hbm>>) target(%arg10 : memref<64x128xf32, #tpu.memory_space<vmem>>) target_semaphore(%arg15 : memref<!tpu.dma_semaphore, #tpu.memory_space<semaphore_mem>>)
    %dma_start3A_133 = arith.constant 0 : i32
    %dma_start3A_134 = tpu.memref_slice %arg3[%dma_start3A_133, %multiple_of3A_124] : memref<64x100000xf32, #tpu.memory_space<hbm>> -> memref<64x128xf32, #tpu.memory_space<hbm>>
    %dma_start3A_135 = arith.constant 0 : i32
    %dma_start3A_136 = tpu.memref_slice %arg3[%dma_start3A_135, %multiple_of3A_124] : memref<64x100000xf32, #tpu.memory_space<hbm>> -> memref<64x128xf32, #tpu.memory_space<hbm>>
    tpu.enqueue_dma source(%dma_start3A_136 : memref<64x128xf32, #tpu.memory_space<hbm>>) target(%arg11 : memref<64x128xf32, #tpu.memory_space<vmem>>) target_semaphore(%arg15 : memref<!tpu.dma_semaphore, #tpu.memory_space<semaphore_mem>>)
    %and3A_137 = arith.constant 127 : i32
    %and3A_138 = arith.andi %squeeze3A_5, %and3A_137 : i32
    %shift_right_arithmetic3A_139 = arith.constant 4 : i32
    %shift_right_arithmetic3A_140 = arith.shrsi %and3A_138, %shift_right_arithmetic3A_139 : i32
    %mul3A_141 = arith.constant 16 : i32
    %mul3A_142 = arith.muli %shift_right_arithmetic3A_140, %mul3A_141 : i32
    %multiple_of3A_143 = tpu.assume_multiple %mul3A_142, 16 : i32
    %and3A_144 = arith.constant 127 : i32
    %and3A_145 = arith.andi %shift_right_logical3A, %and3A_144 : i32
    %shift_right_arithmetic3A_146 = arith.constant 4 : i32
    %shift_right_arithmetic3A_147 = arith.shrsi %and3A_145, %shift_right_arithmetic3A_146 : i32
    %mul3A_148 = arith.constant 16 : i32
    %mul3A_149 = arith.muli %shift_right_arithmetic3A_147, %mul3A_148 : i32
    %multiple_of3A_150 = tpu.assume_multiple %mul3A_149, 16 : i32
    %and3A_151 = arith.constant 127 : i32
    %and3A_152 = arith.andi %select_n3A_107, %and3A_151 : i32
    %shift_right_arithmetic3A_153 = arith.constant 4 : i32
    %shift_right_arithmetic3A_154 = arith.shrsi %and3A_152, %shift_right_arithmetic3A_153 : i32
    %mul3A_155 = arith.constant 16 : i32
    %mul3A_156 = arith.muli %shift_right_arithmetic3A_154, %mul3A_155 : i32
    %multiple_of3A_157 = tpu.assume_multiple %mul3A_156, 16 : i32
    %and3A_158 = arith.constant 15 : i32
    %and3A_159 = arith.andi %shift_right_logical3A, %and3A_158 : i32
    %broadcast_in_dim3A = vector.broadcast %and3A_159 : i32 to vector<16xi32>
    %and3A_160 = arith.constant 15 : i32
    %and3A_161 = arith.andi %select_n3A_107, %and3A_160 : i32
    %broadcast_in_dim3A_162 = vector.broadcast %and3A_161 : i32 to vector<16xi32>
    %and3A_163 = arith.constant 15 : i32
    %and3A_164 = arith.andi %squeeze3A_5, %and3A_163 : i32
    %broadcast_in_dim3A_165 = vector.broadcast %and3A_164 : i32 to vector<16xi32>
    %dma_wait3A_166 = arith.constant 0 : i32
    %dma_wait3A_167 = tpu.memref_slice %arg2[%dma_wait3A_166, %multiple_of3A_114] : memref<64x400000xf32, #tpu.memory_space<hbm>> -> memref<64x128xf32, #tpu.memory_space<hbm>>
    %dma_wait3A_168 = arith.constant 0 : i32
    %dma_wait3A_169 = tpu.memref_slice %arg2[%dma_wait3A_168, %multiple_of3A_114] : memref<64x400000xf32, #tpu.memory_space<hbm>> -> memref<64x128xf32, #tpu.memory_space<hbm>>
    tpu.wait_dma2 semaphore(%arg15 : memref<!tpu.dma_semaphore, #tpu.memory_space<semaphore_mem>>) src(%dma_wait3A_169 : memref<64x128xf32, #tpu.memory_space<hbm>>) dst(%arg9 : memref<64x128xf32, #tpu.memory_space<vmem>>)
    %dma_wait3A_170 = arith.constant 0 : i32
    %dma_wait3A_171 = tpu.memref_slice %arg2[%dma_wait3A_170, %multiple_of3A_119] : memref<64x400000xf32, #tpu.memory_space<hbm>> -> memref<64x128xf32, #tpu.memory_space<hbm>>
    %dma_wait3A_172 = arith.constant 0 : i32
    %dma_wait3A_173 = tpu.memref_slice %arg2[%dma_wait3A_172, %multiple_of3A_119] : memref<64x400000xf32, #tpu.memory_space<hbm>> -> memref<64x128xf32, #tpu.memory_space<hbm>>
    tpu.wait_dma2 semaphore(%arg15 : memref<!tpu.dma_semaphore, #tpu.memory_space<semaphore_mem>>) src(%dma_wait3A_173 : memref<64x128xf32, #tpu.memory_space<hbm>>) dst(%arg10 : memref<64x128xf32, #tpu.memory_space<vmem>>)
    %dma_wait3A_174 = arith.constant 0 : i32
    %dma_wait3A_175 = tpu.memref_slice %arg3[%dma_wait3A_174, %multiple_of3A_124] : memref<64x100000xf32, #tpu.memory_space<hbm>> -> memref<64x128xf32, #tpu.memory_space<hbm>>
    %dma_wait3A_176 = arith.constant 0 : i32
    %dma_wait3A_177 = tpu.memref_slice %arg3[%dma_wait3A_176, %multiple_of3A_124] : memref<64x100000xf32, #tpu.memory_space<hbm>> -> memref<64x128xf32, #tpu.memory_space<hbm>>
    tpu.wait_dma2 semaphore(%arg15 : memref<!tpu.dma_semaphore, #tpu.memory_space<semaphore_mem>>) src(%dma_wait3A_177 : memref<64x128xf32, #tpu.memory_space<hbm>>) dst(%arg11 : memref<64x128xf32, #tpu.memory_space<vmem>>)
    %get3A_178 = arith.constant 0 : i32
    %get3A_179 = arith.index_cast %get3A_178 : i32 to index
    %get3A_180 = arith.index_cast %multiple_of3A_143 : i32 to index
    %get3A_181 = tpu.vector_load %arg11[%get3A_179, %get3A_180] {strides = array<i32>} : memref<64x128xf32, #tpu.memory_space<vmem>>, vector<1x16xf32>,
    %get3A_182 = vector.shape_cast %get3A_181 : vector<1x16xf32> to vector<16xf32>
    %get3A_183 = arith.constant 0 : i32
    %get3A_184 = arith.index_cast %get3A_183 : i32 to index
    %get3A_185 = arith.index_cast %multiple_of3A_150 : i32 to index
    %get3A_186 = tpu.vector_load %arg9[%get3A_184, %get3A_185] {strides = array<i32>} : memref<64x128xf32, #tpu.memory_space<vmem>>, vector<1x16xf32>,
    %get3A_187 = vector.shape_cast %get3A_186 : vector<1x16xf32> to vector<16xf32>
    %get3A_188 = arith.constant 0 : i32
    %get3A_189 = arith.index_cast %get3A_188 : i32 to index
    %get3A_190 = arith.index_cast %multiple_of3A_157 : i32 to index
    %get3A_191 = tpu.vector_load %arg10[%get3A_189, %get3A_190] {strides = array<i32>} : memref<64x128xf32, #tpu.memory_space<vmem>>, vector<1x16xf32>,
    %get3A_192 = vector.shape_cast %get3A_191 : vector<1x16xf32> to vector<16xf32>
    %lt3A = arith.constant 0 : i32
    %lt3A_193 = vector.broadcast %lt3A : i32 to vector<16xi32>
    %lt3A_194 = arith.cmpi slt, %broadcast_in_dim3A, %lt3A_193 : vector<16xi32>
    %add3A = arith.constant 16 : i32
    %add3A_195 = vector.broadcast %add3A : i32 to vector<16xi32>
    %add3A_196 = arith.addi %broadcast_in_dim3A, %add3A_195 : vector<16xi32>
    %select_n3A_197 = arith.select %lt3A_194, %add3A_196, %broadcast_in_dim3A : vector<16xi1>, vector<16xi32>
    %broadcast_in_dim3A_198 = vector.shape_cast %select_n3A_197 : vector<16xi32> to vector<16x1xi32>
    %gather3A = vector.shape_cast %broadcast_in_dim3A_198 : vector<16x1xi32> to vector<16xi32>
    %gather3A_199 = tpu.dynamic_gather %get3A_187[%gather3A] in [0] : vector<16xf32>, vector<16xi32> -> vector<16xf32>
    %lt3A_200 = arith.constant 0 : i32
    %lt3A_201 = vector.broadcast %lt3A_200 : i32 to vector<16xi32>
    %lt3A_202 = arith.cmpi slt, %broadcast_in_dim3A_162, %lt3A_201 : vector<16xi32>
    %add3A_203 = arith.constant 16 : i32
    %add3A_204 = vector.broadcast %add3A_203 : i32 to vector<16xi32>
    %add3A_205 = arith.addi %broadcast_in_dim3A_162, %add3A_204 : vector<16xi32>
    %select_n3A_206 = arith.select %lt3A_202, %add3A_205, %broadcast_in_dim3A_162 : vector<16xi1>, vector<16xi32>
    %broadcast_in_dim3A_207 = vector.shape_cast %select_n3A_206 : vector<16xi32> to vector<16x1xi32>
    %gather3A_208 = vector.shape_cast %broadcast_in_dim3A_207 : vector<16x1xi32> to vector<16xi32>
    %gather3A_209 = tpu.dynamic_gather %get3A_192[%gather3A_208] in [0] : vector<16xf32>, vector<16xi32> -> vector<16xf32>
    %mul3A_210 = arith.mulf %get3A_182, %gather3A_199 : vector<16xf32>
    %mul3A_211 = arith.mulf %get3A_182, %gather3A_209 : vector<16xf32>
    %get3A_212 = arith.constant 1 : i32
    %get3A_213 = arith.index_cast %get3A_212 : i32 to index
    %get3A_214 = arith.index_cast %multiple_of3A_143 : i32 to index
    %get3A_215 = tpu.vector_load %arg11[%get3A_213, %get3A_214] {strides = array<i32>} : memref<64x128xf32, #tpu.memory_space<vmem>>, vector<1x16xf32>,
    %get3A_216 = vector.shape_cast %get3A_215 : vector<1x16xf32> to vector<16xf32>
    %get3A_217 = arith.constant 1 : i32
    %get3A_218 = arith.index_cast %get3A_217 : i32 to index
    %get3A_219 = arith.index_cast %multiple_of3A_150 : i32 to index
    %get3A_220 = tpu.vector_load %arg9[%get3A_218, %get3A_219] {strides = array<i32>} : memref<64x128xf32, #tpu.memory_space<vmem>>, vector<1x16xf32>,
    %get3A_221 = vector.shape_cast %get3A_220 : vector<1x16xf32> to vector<16xf32>
    %get3A_222 = arith.constant 1 : i32
    %get3A_223 = arith.index_cast %get3A_222 : i32 to index
    %get3A_224 = arith.index_cast %multiple_of3A_157 : i32 to index
    %get3A_225 = tpu.vector_load %arg10[%get3A_223, %get3A_224] {strides = array<i32>} : memref<64x128xf32, #tpu.memory_space<vmem>>, vector<1x16xf32>,
    %get3A_226 = vector.shape_cast %get3A_225 : vector<1x16xf32> to vector<16xf32>
    %lt3A_227 = arith.constant 0 : i32
    %lt3A_228 = vector.broadcast %lt3A_227 : i32 to vector<16xi32>
    %lt3A_229 = arith.cmpi slt, %broadcast_in_dim3A, %lt3A_228 : vector<16xi32>
    %add3A_230 = arith.constant 16 : i32
    %add3A_231 = vector.broadcast %add3A_230 : i32 to vector<16xi32>
    %add3A_232 = arith.addi %broadcast_in_dim3A, %add3A_231 : vector<16xi32>
    %select_n3A_233 = arith.select %lt3A_229, %add3A_232, %broadcast_in_dim3A : vector<16xi1>, vector<16xi32>
    %broadcast_in_dim3A_234 = vector.shape_cast %select_n3A_233 : vector<16xi32> to vector<16x1xi32>
    %gather3A_235 = vector.shape_cast %broadcast_in_dim3A_234 : vector<16x1xi32> to vector<16xi32>
    %gather3A_236 = tpu.dynamic_gather %get3A_221[%gather3A_235] in [0] : vector<16xf32>, vector<16xi32> -> vector<16xf32>
    %lt3A_237 = arith.constant 0 : i32
    %lt3A_238 = vector.broadcast %lt3A_237 : i32 to vector<16xi32>
    %lt3A_239 = arith.cmpi slt, %broadcast_in_dim3A_162, %lt3A_238 : vector<16xi32>
    %add3A_240 = arith.constant 16 : i32
    %add3A_241 = vector.broadcast %add3A_240 : i32 to vector<16xi32>
    %add3A_242 = arith.addi %broadcast_in_dim3A_162, %add3A_241 : vector<16xi32>
    %select_n3A_243 = arith.select %lt3A_239, %add3A_242, %broadcast_in_dim3A_162 : vector<16xi1>, vector<16xi32>
    %broadcast_in_dim3A_244 = vector.shape_cast %select_n3A_243 : vector<16xi32> to vector<16x1xi32>
    %gather3A_245 = vector.shape_cast %broadcast_in_dim3A_244 : vector<16x1xi32> to vector<16xi32>
    %gather3A_246 = tpu.dynamic_gather %get3A_226[%gather3A_245] in [0] : vector<16xf32>, vector<16xi32> -> vector<16xf32>
    %mul3A_247 = arith.mulf %get3A_216, %gather3A_236 : vector<16xf32>
    %mul3A_248 = arith.mulf %get3A_216, %gather3A_246 : vector<16xf32>
    %add3A_249 = arith.addf %mul3A_210, %mul3A_247 : vector<16xf32>
    %add3A_250 = arith.addf %mul3A_211, %mul3A_248 : vector<16xf32>
    %get3A_251 = arith.constant 2 : i32
    %get3A_252 = arith.index_cast %get3A_251 : i32 to index
    %get3A_253 = arith.index_cast %multiple_of3A_143 : i32 to index
    %get3A_254 = tpu.vector_load %arg11[%get3A_252, %get3A_253] {strides = array<i32>} : memref<64x128xf32, #tpu.memory_space<vmem>>, vector<1x16xf32>,
    %get3A_255 = vector.shape_cast %get3A_254 : vector<1x16xf32> to vector<16xf32>
    %get3A_256 = arith.constant 2 : i32
    %get3A_257 = arith.index_cast %get3A_256 : i32 to index
    %get3A_258 = arith.index_cast %multiple_of3A_150 : i32 to index
    %get3A_259 = tpu.vector_load %arg9[%get3A_257, %get3A_258] {strides = array<i32>} : memref<64x128xf32, #tpu.memory_space<vmem>>, vector<1x16xf32>,
    %get3A_260 = vector.shape_cast %get3A_259 : vector<1x16xf32> to vector<16xf32>
    %get3A_261 = arith.constant 2 : i32
    %get3A_262 = arith.index_cast %get3A_261 : i32 to index
    %get3A_263 = arith.index_cast %multiple_of3A_157 : i32 to index
    %get3A_264 = tpu.vector_load %arg10[%get3A_262, %get3A_263] {strides = array<i32>} : memref<64x128xf32, #tpu.memory_space<vmem>>, vector<1x16xf32>,
    %get3A_265 = vector.shape_cast %get3A_264 : vector<1x16xf32> to vector<16xf32>
    %lt3A_266 = arith.constant 0 : i32
    %lt3A_267 = vector.broadcast %lt3A_266 : i32 to vector<16xi32>
    %lt3A_268 = arith.cmpi slt, %broadcast_in_dim3A, %lt3A_267 : vector<16xi32>
    %add3A_269 = arith.constant 16 : i32
    %add3A_270 = vector.broadcast %add3A_269 : i32 to vector<16xi32>
    %add3A_271 = arith.addi %broadcast_in_dim3A, %add3A_270 : vector<16xi32>
    %select_n3A_272 = arith.select %lt3A_268, %add3A_271, %broadcast_in_dim3A : vector<16xi1>, vector<16xi32>
    %broadcast_in_dim3A_273 = vector.shape_cast %select_n3A_272 : vector<16xi32> to vector<16x1xi32>
    %gather3A_274 = vector.shape_cast %broadcast_in_dim3A_273 : vector<16x1xi32> to vector<16xi32>
    %gather3A_275 = tpu.dynamic_gather %get3A_260[%gather3A_274] in [0] : vector<16xf32>, vector<16xi32> -> vector<16xf32>
    %lt3A_276 = arith.constant 0 : i32
    %lt3A_277 = vector.broadcast %lt3A_276 : i32 to vector<16xi32>
    %lt3A_278 = arith.cmpi slt, %broadcast_in_dim3A_162, %lt3A_277 : vector<16xi32>
    %add3A_279 = arith.constant 16 : i32
    %add3A_280 = vector.broadcast %add3A_279 : i32 to vector<16xi32>
    %add3A_281 = arith.addi %broadcast_in_dim3A_162, %add3A_280 : vector<16xi32>
    %select_n3A_282 = arith.select %lt3A_278, %add3A_281, %broadcast_in_dim3A_162 : vector<16xi1>, vector<16xi32>
    %broadcast_in_dim3A_283 = vector.shape_cast %select_n3A_282 : vector<16xi32> to vector<16x1xi32>
    %gather3A_284 = vector.shape_cast %broadcast_in_dim3A_283 : vector<16x1xi32> to vector<16xi32>
    %gather3A_285 = tpu.dynamic_gather %get3A_265[%gather3A_284] in [0] : vector<16xf32>, vector<16xi32> -> vector<16xf32>
    %mul3A_286 = arith.mulf %get3A_255, %gather3A_275 : vector<16xf32>
    %mul3A_287 = arith.mulf %get3A_255, %gather3A_285 : vector<16xf32>
    %add3A_288 = arith.addf %add3A_249, %mul3A_286 : vector<16xf32>
    %add3A_289 = arith.addf %add3A_250, %mul3A_287 : vector<16xf32>
    %get3A_290 = arith.constant 3 : i32
    %get3A_291 = arith.index_cast %get3A_290 : i32 to index
    %get3A_292 = arith.index_cast %multiple_of3A_143 : i32 to index
    %get3A_293 = tpu.vector_load %arg11[%get3A_291, %get3A_292] {strides = array<i32>} : memref<64x128xf32, #tpu.memory_space<vmem>>, vector<1x16xf32>,
    %get3A_294 = vector.shape_cast %get3A_293 : vector<1x16xf32> to vector<16xf32>
    %get3A_295 = arith.constant 3 : i32
    %get3A_296 = arith.index_cast %get3A_295 : i32 to index
    %get3A_297 = arith.index_cast %multiple_of3A_150 : i32 to index
    %get3A_298 = tpu.vector_load %arg9[%get3A_296, %get3A_297] {strides = array<i32>} : memref<64x128xf32, #tpu.memory_space<vmem>>, vector<1x16xf32>,
    %get3A_299 = vector.shape_cast %get3A_298 : vector<1x16xf32> to vector<16xf32>
    %get3A_300 = arith.constant 3 : i32
    %get3A_301 = arith.index_cast %get3A_300 : i32 to index
    %get3A_302 = arith.index_cast %multiple_of3A_157 : i32 to index
    %get3A_303 = tpu.vector_load %arg10[%get3A_301, %get3A_302] {strides = array<i32>} : memref<64x128xf32, #tpu.memory_space<vmem>>, vector<1x16xf32>,
    %get3A_304 = vector.shape_cast %get3A_303 : vector<1x16xf32> to vector<16xf32>
    %lt3A_305 = arith.constant 0 : i32
    %lt3A_306 = vector.broadcast %lt3A_305 : i32 to vector<16xi32>
    %lt3A_307 = arith.cmpi slt, %broadcast_in_dim3A, %lt3A_306 : vector<16xi32>
    %add3A_308 = arith.constant 16 : i32
    %add3A_309 = vector.broadcast %add3A_308 : i32 to vector<16xi32>
    %add3A_310 = arith.addi %broadcast_in_dim3A, %add3A_309 : vector<16xi32>
    %select_n3A_311 = arith.select %lt3A_307, %add3A_310, %broadcast_in_dim3A : vector<16xi1>, vector<16xi32>
    %broadcast_in_dim3A_312 = vector.shape_cast %select_n3A_311 : vector<16xi32> to vector<16x1xi32>
    %gather3A_313 = vector.shape_cast %broadcast_in_dim3A_312 : vector<16x1xi32> to vector<16xi32>
    %gather3A_314 = tpu.dynamic_gather %get3A_299[%gather3A_313] in [0] : vector<16xf32>, vector<16xi32> -> vector<16xf32>
    %lt3A_315 = arith.constant 0 : i32
    %lt3A_316 = vector.broadcast %lt3A_315 : i32 to vector<16xi32>
    %lt3A_317 = arith.cmpi slt, %broadcast_in_dim3A_162, %lt3A_316 : vector<16xi32>
    %add3A_318 = arith.constant 16 : i32
    %add3A_319 = vector.broadcast %add3A_318 : i32 to vector<16xi32>
    %add3A_320 = arith.addi %broadcast_in_dim3A_162, %add3A_319 : vector<16xi32>
    %select_n3A_321 = arith.select %lt3A_317, %add3A_320, %broadcast_in_dim3A_162 : vector<16xi1>, vector<16xi32>
    %broadcast_in_dim3A_322 = vector.shape_cast %select_n3A_321 : vector<16xi32> to vector<16x1xi32>
    %gather3A_323 = vector.shape_cast %broadcast_in_dim3A_322 : vector<16x1xi32> to vector<16xi32>
    %gather3A_324 = tpu.dynamic_gather %get3A_304[%gather3A_323] in [0] : vector<16xf32>, vector<16xi32> -> vector<16xf32>
    %mul3A_325 = arith.mulf %get3A_294, %gather3A_314 : vector<16xf32>
    %mul3A_326 = arith.mulf %get3A_294, %gather3A_324 : vector<16xf32>
    %add3A_327 = arith.addf %add3A_288, %mul3A_325 : vector<16xf32>
    %add3A_328 = arith.addf %add3A_289, %mul3A_326 : vector<16xf32>
    %get3A_329 = arith.constant 4 : i32
    %get3A_330 = arith.index_cast %get3A_329 : i32 to index
    %get3A_331 = arith.index_cast %multiple_of3A_143 : i32 to index
    %get3A_332 = tpu.vector_load %arg11[%get3A_330, %get3A_331] {strides = array<i32>} : memref<64x128xf32, #tpu.memory_space<vmem>>, vector<1x16xf32>,
    %get3A_333 = vector.shape_cast %get3A_332 : vector<1x16xf32> to vector<16xf32>
    %get3A_334 = arith.constant 4 : i32
    %get3A_335 = arith.index_cast %get3A_334 : i32 to index
    %get3A_336 = arith.index_cast %multiple_of3A_150 : i32 to index
    %get3A_337 = tpu.vector_load %arg9[%get3A_335, %get3A_336] {strides = array<i32>} : memref<64x128xf32, #tpu.memory_space<vmem>>, vector<1x16xf32>,
    %get3A_338 = vector.shape_cast %get3A_337 : vector<1x16xf32> to vector<16xf32>
    %get3A_339 = arith.constant 4 : i32
    %get3A_340 = arith.index_cast %get3A_339 : i32 to index
    %get3A_341 = arith.index_cast %multiple_of3A_157 : i32 to index
    %get3A_342 = tpu.vector_load %arg10[%get3A_340, %get3A_341] {strides = array<i32>} : memref<64x128xf32, #tpu.memory_space<vmem>>, vector<1x16xf32>,
    %get3A_343 = vector.shape_cast %get3A_342 : vector<1x16xf32> to vector<16xf32>
    %lt3A_344 = arith.constant 0 : i32
    %lt3A_345 = vector.broadcast %lt3A_344 : i32 to vector<16xi32>
    %lt3A_346 = arith.cmpi slt, %broadcast_in_dim3A, %lt3A_345 : vector<16xi32>
    %add3A_347 = arith.constant 16 : i32
    %add3A_348 = vector.broadcast %add3A_347 : i32 to vector<16xi32>
    %add3A_349 = arith.addi %broadcast_in_dim3A, %add3A_348 : vector<16xi32>
    %select_n3A_350 = arith.select %lt3A_346, %add3A_349, %broadcast_in_dim3A : vector<16xi1>, vector<16xi32>
    %broadcast_in_dim3A_351 = vector.shape_cast %select_n3A_350 : vector<16xi32> to vector<16x1xi32>
    %gather3A_352 = vector.shape_cast %broadcast_in_dim3A_351 : vector<16x1xi32> to vector<16xi32>
    %gather3A_353 = tpu.dynamic_gather %get3A_338[%gather3A_352] in [0] : vector<16xf32>, vector<16xi32> -> vector<16xf32>
    %lt3A_354 = arith.constant 0 : i32
    %lt3A_355 = vector.broadcast %lt3A_354 : i32 to vector<16xi32>
    %lt3A_356 = arith.cmpi slt, %broadcast_in_dim3A_162, %lt3A_355 : vector<16xi32>
    %add3A_357 = arith.constant 16 : i32
    %add3A_358 = vector.broadcast %add3A_357 : i32 to vector<16xi32>
    %add3A_359 = arith.addi %broadcast_in_dim3A_162, %add3A_358 : vector<16xi32>
    %select_n3A_360 = arith.select %lt3A_356, %add3A_359, %broadcast_in_dim3A_162 : vector<16xi1>, vector<16xi32>
    %broadcast_in_dim3A_361 = vector.shape_cast %select_n3A_360 : vector<16xi32> to vector<16x1xi32>
    %gather3A_362 = vector.shape_cast %broadcast_in_dim3A_361 : vector<16x1xi32> to vector<16xi32>
    %gather3A_363 = tpu.dynamic_gather %get3A_343[%gather3A_362] in [0] : vector<16xf32>, vector<16xi32> -> vector<16xf32>
    %mul3A_364 = arith.mulf %get3A_333, %gather3A_353 : vector<16xf32>
    %mul3A_365 = arith.mulf %get3A_333, %gather3A_363 : vector<16xf32>
    %add3A_366 = arith.addf %add3A_327, %mul3A_364 : vector<16xf32>
    %add3A_367 = arith.addf %add3A_328, %mul3A_365 : vector<16xf32>
    %get3A_368 = arith.constant 5 : i32
    %get3A_369 = arith.index_cast %get3A_368 : i32 to index
    %get3A_370 = arith.index_cast %multiple_of3A_143 : i32 to index
    %get3A_371 = tpu.vector_load %arg11[%get3A_369, %get3A_370] {strides = array<i32>} : memref<64x128xf32, #tpu.memory_space<vmem>>, vector<1x16xf32>,
    %get3A_372 = vector.shape_cast %get3A_371 : vector<1x16xf32> to vector<16xf32>
    %get3A_373 = arith.constant 5 : i32
    %get3A_374 = arith.index_cast %get3A_373 : i32 to index
    %get3A_375 = arith.index_cast %multiple_of3A_150 : i32 to index
    %get3A_376 = tpu.vector_load %arg9[%get3A_374, %get3A_375] {strides = array<i32>} : memref<64x128xf32, #tpu.memory_space<vmem>>, vector<1x16xf32>,
    %get3A_377 = vector.shape_cast %get3A_376 : vector<1x16xf32> to vector<16xf32>
    %get3A_378 = arith.constant 5 : i32
    %get3A_379 = arith.index_cast %get3A_378 : i32 to index
    %get3A_380 = arith.index_cast %multiple_of3A_157 : i32 to index
    %get3A_381 = tpu.vector_load %arg10[%get3A_379, %get3A_380] {strides = array<i32>} : memref<64x128xf32, #tpu.memory_space<vmem>>, vector<1x16xf32>,
    %get3A_382 = vector.shape_cast %get3A_381 : vector<1x16xf32> to vector<16xf32>
    %lt3A_383 = arith.constant 0 : i32
    %lt3A_384 = vector.broadcast %lt3A_383 : i32 to vector<16xi32>
    %lt3A_385 = arith.cmpi slt, %broadcast_in_dim3A, %lt3A_384 : vector<16xi32>
    %add3A_386 = arith.constant 16 : i32
    %add3A_387 = vector.broadcast %add3A_386 : i32 to vector<16xi32>
    %add3A_388 = arith.addi %broadcast_in_dim3A, %add3A_387 : vector<16xi32>
    %select_n3A_389 = arith.select %lt3A_385, %add3A_388, %broadcast_in_dim3A : vector<16xi1>, vector<16xi32>
    %broadcast_in_dim3A_390 = vector.shape_cast %select_n3A_389 : vector<16xi32> to vector<16x1xi32>
    %gather3A_391 = vector.shape_cast %broadcast_in_dim3A_390 : vector<16x1xi32> to vector<16xi32>
    %gather3A_392 = tpu.dynamic_gather %get3A_377[%gather3A_391] in [0] : vector<16xf32>, vector<16xi32> -> vector<16xf32>
    %lt3A_393 = arith.constant 0 : i32
    %lt3A_394 = vector.broadcast %lt3A_393 : i32 to vector<16xi32>
    %lt3A_395 = arith.cmpi slt, %broadcast_in_dim3A_162, %lt3A_394 : vector<16xi32>
    %add3A_396 = arith.constant 16 : i32
    %add3A_397 = vector.broadcast %add3A_396 : i32 to vector<16xi32>
    %add3A_398 = arith.addi %broadcast_in_dim3A_162, %add3A_397 : vector<16xi32>
    %select_n3A_399 = arith.select %lt3A_395, %add3A_398, %broadcast_in_dim3A_162 : vector<16xi1>, vector<16xi32>
    %broadcast_in_dim3A_400 = vector.shape_cast %select_n3A_399 : vector<16xi32> to vector<16x1xi32>
    %gather3A_401 = vector.shape_cast %broadcast_in_dim3A_400 : vector<16x1xi32> to vector<16xi32>
    %gather3A_402 = tpu.dynamic_gather %get3A_382[%gather3A_401] in [0] : vector<16xf32>, vector<16xi32> -> vector<16xf32>
    %mul3A_403 = arith.mulf %get3A_372, %gather3A_392 : vector<16xf32>
    %mul3A_404 = arith.mulf %get3A_372, %gather3A_402 : vector<16xf32>
    %add3A_405 = arith.addf %add3A_366, %mul3A_403 : vector<16xf32>
    %add3A_406 = arith.addf %add3A_367, %mul3A_404 : vector<16xf32>
    %get3A_407 = arith.constant 6 : i32
    %get3A_408 = arith.index_cast %get3A_407 : i32 to index
    %get3A_409 = arith.index_cast %multiple_of3A_143 : i32 to index
    %get3A_410 = tpu.vector_load %arg11[%get3A_408, %get3A_409] {strides = array<i32>} : memref<64x128xf32, #tpu.memory_space<vmem>>, vector<1x16xf32>,
    %get3A_411 = vector.shape_cast %get3A_410 : vector<1x16xf32> to vector<16xf32>
    %get3A_412 = arith.constant 6 : i32
    %get3A_413 = arith.index_cast %get3A_412 : i32 to index
    %get3A_414 = arith.index_cast %multiple_of3A_150 : i32 to index
    %get3A_415 = tpu.vector_load %arg9[%get3A_413, %get3A_414] {strides = array<i32>} : memref<64x128xf32, #tpu.memory_space<vmem>>, vector<1x16xf32>,
    %get3A_416 = vector.shape_cast %get3A_415 : vector<1x16xf32> to vector<16xf32>
    %get3A_417 = arith.constant 6 : i32
    %get3A_418 = arith.index_cast %get3A_417 : i32 to index
    %get3A_419 = arith.index_cast %multiple_of3A_157 : i32 to index
    %get3A_420 = tpu.vector_load %arg10[%get3A_418, %get3A_419] {strides = array<i32>} : memref<64x128xf32, #tpu.memory_space<vmem>>, vector<1x16xf32>,
    %get3A_421 = vector.shape_cast %get3A_420 : vector<1x16xf32> to vector<16xf32>
    %lt3A_422 = arith.constant 0 : i32
    %lt3A_423 = vector.broadcast %lt3A_422 : i32 to vector<16xi32>
    %lt3A_424 = arith.cmpi slt, %broadcast_in_dim3A, %lt3A_423 : vector<16xi32>
    %add3A_425 = arith.constant 16 : i32
    %add3A_426 = vector.broadcast %add3A_425 : i32 to vector<16xi32>
    %add3A_427 = arith.addi %broadcast_in_dim3A, %add3A_426 : vector<16xi32>
    %select_n3A_428 = arith.select %lt3A_424, %add3A_427, %broadcast_in_dim3A : vector<16xi1>, vector<16xi32>
    %broadcast_in_dim3A_429 = vector.shape_cast %select_n3A_428 : vector<16xi32> to vector<16x1xi32>
    %gather3A_430 = vector.shape_cast %broadcast_in_dim3A_429 : vector<16x1xi32> to vector<16xi32>
    %gather3A_431 = tpu.dynamic_gather %get3A_416[%gather3A_430] in [0] : vector<16xf32>, vector<16xi32> -> vector<16xf32>
    %lt3A_432 = arith.constant 0 : i32
    %lt3A_433 = vector.broadcast %lt3A_432 : i32 to vector<16xi32>
    %lt3A_434 = arith.cmpi slt, %broadcast_in_dim3A_162, %lt3A_433 : vector<16xi32>
    %add3A_435 = arith.constant 16 : i32
    %add3A_436 = vector.broadcast %add3A_435 : i32 to vector<16xi32>
    %add3A_437 = arith.addi %broadcast_in_dim3A_162, %add3A_436 : vector<16xi32>
    %select_n3A_438 = arith.select %lt3A_434, %add3A_437, %broadcast_in_dim3A_162 : vector<16xi1>, vector<16xi32>
    %broadcast_in_dim3A_439 = vector.shape_cast %select_n3A_438 : vector<16xi32> to vector<16x1xi32>
    %gather3A_440 = vector.shape_cast %broadcast_in_dim3A_439 : vector<16x1xi32> to vector<16xi32>
    %gather3A_441 = tpu.dynamic_gather %get3A_421[%gather3A_440] in [0] : vector<16xf32>, vector<16xi32> -> vector<16xf32>
    %mul3A_442 = arith.mulf %get3A_411, %gather3A_431 : vector<16xf32>
    %mul3A_443 = arith.mulf %get3A_411, %gather3A_441 : vector<16xf32>
    %add3A_444 = arith.addf %add3A_405, %mul3A_442 : vector<16xf32>
    %add3A_445 = arith.addf %add3A_406, %mul3A_443 : vector<16xf32>
    %get3A_446 = arith.constant 7 : i32
    %get3A_447 = arith.index_cast %get3A_446 : i32 to index
    %get3A_448 = arith.index_cast %multiple_of3A_143 : i32 to index
    %get3A_449 = tpu.vector_load %arg11[%get3A_447, %get3A_448] {strides = array<i32>} : memref<64x128xf32, #tpu.memory_space<vmem>>, vector<1x16xf32>,
    %get3A_450 = vector.shape_cast %get3A_449 : vector<1x16xf32> to vector<16xf32>
    %get3A_451 = arith.constant 7 : i32
    %get3A_452 = arith.index_cast %get3A_451 : i32 to index
    %get3A_453 = arith.index_cast %multiple_of3A_150 : i32 to index
    %get3A_454 = tpu.vector_load %arg9[%get3A_452, %get3A_453] {strides = array<i32>} : memref<64x128xf32, #tpu.memory_space<vmem>>, vector<1x16xf32>,
    %get3A_455 = vector.shape_cast %get3A_454 : vector<1x16xf32> to vector<16xf32>
    %get3A_456 = arith.constant 7 : i32
    %get3A_457 = arith.index_cast %get3A_456 : i32 to index
    %get3A_458 = arith.index_cast %multiple_of3A_157 : i32 to index
    %get3A_459 = tpu.vector_load %arg10[%get3A_457, %get3A_458] {strides = array<i32>} : memref<64x128xf32, #tpu.memory_space<vmem>>, vector<1x16xf32>,
    %get3A_460 = vector.shape_cast %get3A_459 : vector<1x16xf32> to vector<16xf32>
    %lt3A_461 = arith.constant 0 : i32
    %lt3A_462 = vector.broadcast %lt3A_461 : i32 to vector<16xi32>
    %lt3A_463 = arith.cmpi slt, %broadcast_in_dim3A, %lt3A_462 : vector<16xi32>
    %add3A_464 = arith.constant 16 : i32
    %add3A_465 = vector.broadcast %add3A_464 : i32 to vector<16xi32>
    %add3A_466 = arith.addi %broadcast_in_dim3A, %add3A_465 : vector<16xi32>
    %select_n3A_467 = arith.select %lt3A_463, %add3A_466, %broadcast_in_dim3A : vector<16xi1>, vector<16xi32>
    %broadcast_in_dim3A_468 = vector.shape_cast %select_n3A_467 : vector<16xi32> to vector<16x1xi32>
    %gather3A_469 = vector.shape_cast %broadcast_in_dim3A_468 : vector<16x1xi32> to vector<16xi32>
    %gather3A_470 = tpu.dynamic_gather %get3A_455[%gather3A_469] in [0] : vector<16xf32>, vector<16xi32> -> vector<16xf32>
    %lt3A_471 = arith.constant 0 : i32
    %lt3A_472 = vector.broadcast %lt3A_471 : i32 to vector<16xi32>
    %lt3A_473 = arith.cmpi slt, %broadcast_in_dim3A_162, %lt3A_472 : vector<16xi32>
    %add3A_474 = arith.constant 16 : i32
    %add3A_475 = vector.broadcast %add3A_474 : i32 to vector<16xi32>
    %add3A_476 = arith.addi %broadcast_in_dim3A_162, %add3A_475 : vector<16xi32>
    %select_n3A_477 = arith.select %lt3A_473, %add3A_476, %broadcast_in_dim3A_162 : vector<16xi1>, vector<16xi32>
    %broadcast_in_dim3A_478 = vector.shape_cast %select_n3A_477 : vector<16xi32> to vector<16x1xi32>
    %gather3A_479 = vector.shape_cast %broadcast_in_dim3A_478 : vector<16x1xi32> to vector<16xi32>
    %gather3A_480 = tpu.dynamic_gather %get3A_460[%gather3A_479] in [0] : vector<16xf32>, vector<16xi32> -> vector<16xf32>
    %mul3A_481 = arith.mulf %get3A_450, %gather3A_470 : vector<16xf32>
    %mul3A_482 = arith.mulf %get3A_450, %gather3A_480 : vector<16xf32>
    %add3A_483 = arith.addf %add3A_444, %mul3A_481 : vector<16xf32>
    %add3A_484 = arith.addf %add3A_445, %mul3A_482 : vector<16xf32>
    %get3A_485 = arith.constant 8 : i32
    %get3A_486 = arith.index_cast %get3A_485 : i32 to index
    %get3A_487 = arith.index_cast %multiple_of3A_143 : i32 to index
    %get3A_488 = tpu.vector_load %arg11[%get3A_486, %get3A_487] {strides = array<i32>} : memref<64x128xf32, #tpu.memory_space<vmem>>, vector<1x16xf32>,
    %get3A_489 = vector.shape_cast %get3A_488 : vector<1x16xf32> to vector<16xf32>
    %get3A_490 = arith.constant 8 : i32
    %get3A_491 = arith.index_cast %get3A_490 : i32 to index
    %get3A_492 = arith.index_cast %multiple_of3A_150 : i32 to index
    %get3A_493 = tpu.vector_load %arg9[%get3A_491, %get3A_492] {strides = array<i32>} : memref<64x128xf32, #tpu.memory_space<vmem>>, vector<1x16xf32>,
    %get3A_494 = vector.shape_cast %get3A_493 : vector<1x16xf32> to vector<16xf32>
    %get3A_495 = arith.constant 8 : i32
    %get3A_496 = arith.index_cast %get3A_495 : i32 to index
    %get3A_497 = arith.index_cast %multiple_of3A_157 : i32 to index
    %get3A_498 = tpu.vector_load %arg10[%get3A_496, %get3A_497] {strides = array<i32>} : memref<64x128xf32, #tpu.memory_space<vmem>>, vector<1x16xf32>,
    %get3A_499 = vector.shape_cast %get3A_498 : vector<1x16xf32> to vector<16xf32>
    %lt3A_500 = arith.constant 0 : i32
    %lt3A_501 = vector.broadcast %lt3A_500 : i32 to vector<16xi32>
    %lt3A_502 = arith.cmpi slt, %broadcast_in_dim3A, %lt3A_501 : vector<16xi32>
    %add3A_503 = arith.constant 16 : i32
    %add3A_504 = vector.broadcast %add3A_503 : i32 to vector<16xi32>
    %add3A_505 = arith.addi %broadcast_in_dim3A, %add3A_504 : vector<16xi32>
    %select_n3A_506 = arith.select %lt3A_502, %add3A_505, %broadcast_in_dim3A : vector<16xi1>, vector<16xi32>
    %broadcast_in_dim3A_507 = vector.shape_cast %select_n3A_506 : vector<16xi32> to vector<16x1xi32>
    %gather3A_508 = vector.shape_cast %broadcast_in_dim3A_507 : vector<16x1xi32> to vector<16xi32>
    %gather3A_509 = tpu.dynamic_gather %get3A_494[%gather3A_508] in [0] : vector<16xf32>, vector<16xi32> -> vector<16xf32>
    %lt3A_510 = arith.constant 0 : i32
    %lt3A_511 = vector.broadcast %lt3A_510 : i32 to vector<16xi32>
    %lt3A_512 = arith.cmpi slt, %broadcast_in_dim3A_162, %lt3A_511 : vector<16xi32>
    %add3A_513 = arith.constant 16 : i32
    %add3A_514 = vector.broadcast %add3A_513 : i32 to vector<16xi32>
    %add3A_515 = arith.addi %broadcast_in_dim3A_162, %add3A_514 : vector<16xi32>
    %select_n3A_516 = arith.select %lt3A_512, %add3A_515, %broadcast_in_dim3A_162 : vector<16xi1>, vector<16xi32>
    %broadcast_in_dim3A_517 = vector.shape_cast %select_n3A_516 : vector<16xi32> to vector<16x1xi32>
    %gather3A_518 = vector.shape_cast %broadcast_in_dim3A_517 : vector<16x1xi32> to vector<16xi32>
    %gather3A_519 = tpu.dynamic_gather %get3A_499[%gather3A_518] in [0] : vector<16xf32>, vector<16xi32> -> vector<16xf32>
    %mul3A_520 = arith.mulf %get3A_489, %gather3A_509 : vector<16xf32>
    %mul3A_521 = arith.mulf %get3A_489, %gather3A_519 : vector<16xf32>
    %add3A_522 = arith.addf %add3A_483, %mul3A_520 : vector<16xf32>
    %add3A_523 = arith.addf %add3A_484, %mul3A_521 : vector<16xf32>
    %get3A_524 = arith.constant 9 : i32
    %get3A_525 = arith.index_cast %get3A_524 : i32 to index
    %get3A_526 = arith.index_cast %multiple_of3A_143 : i32 to index
    %get3A_527 = tpu.vector_load %arg11[%get3A_525, %get3A_526] {strides = array<i32>} : memref<64x128xf32, #tpu.memory_space<vmem>>, vector<1x16xf32>,
    %get3A_528 = vector.shape_cast %get3A_527 : vector<1x16xf32> to vector<16xf32>
    %get3A_529 = arith.constant 9 : i32
    %get3A_530 = arith.index_cast %get3A_529 : i32 to index
    %get3A_531 = arith.index_cast %multiple_of3A_150 : i32 to index
    %get3A_532 = tpu.vector_load %arg9[%get3A_530, %get3A_531] {strides = array<i32>} : memref<64x128xf32, #tpu.memory_space<vmem>>, vector<1x16xf32>,
    %get3A_533 = vector.shape_cast %get3A_532 : vector<1x16xf32> to vector<16xf32>
    %get3A_534 = arith.constant 9 : i32
    %get3A_535 = arith.index_cast %get3A_534 : i32 to index
    %get3A_536 = arith.index_cast %multiple_of3A_157 : i32 to index
    %get3A_537 = tpu.vector_load %arg10[%get3A_535, %get3A_536] {strides = array<i32>} : memref<64x128xf32, #tpu.memory_space<vmem>>, vector<1x16xf32>,
    %get3A_538 = vector.shape_cast %get3A_537 : vector<1x16xf32> to vector<16xf32>
    %lt3A_539 = arith.constant 0 : i32
    %lt3A_540 = vector.broadcast %lt3A_539 : i32 to vector<16xi32>
    %lt3A_541 = arith.cmpi slt, %broadcast_in_dim3A, %lt3A_540 : vector<16xi32>
    %add3A_542 = arith.constant 16 : i32
    %add3A_543 = vector.broadcast %add3A_542 : i32 to vector<16xi32>
    %add3A_544 = arith.addi %broadcast_in_dim3A, %add3A_543 : vector<16xi32>
    %select_n3A_545 = arith.select %lt3A_541, %add3A_544, %broadcast_in_dim3A : vector<16xi1>, vector<16xi32>
    %broadcast_in_dim3A_546 = vector.shape_cast %select_n3A_545 : vector<16xi32> to vector<16x1xi32>
    %gather3A_547 = vector.shape_cast %broadcast_in_dim3A_546 : vector<16x1xi32> to vector<16xi32>
    %gather3A_548 = tpu.dynamic_gather %get3A_533[%gather3A_547] in [0] : vector<16xf32>, vector<16xi32> -> vector<16xf32>
    %lt3A_549 = arith.constant 0 : i32
    %lt3A_550 = vector.broadcast %lt3A_549 : i32 to vector<16xi32>
    %lt3A_551 = arith.cmpi slt, %broadcast_in_dim3A_162, %lt3A_550 : vector<16xi32>
    %add3A_552 = arith.constant 16 : i32
    %add3A_553 = vector.broadcast %add3A_552 : i32 to vector<16xi32>
    %add3A_554 = arith.addi %broadcast_in_dim3A_162, %add3A_553 : vector<16xi32>
    %select_n3A_555 = arith.select %lt3A_551, %add3A_554, %broadcast_in_dim3A_162 : vector<16xi1>, vector<16xi32>
    %broadcast_in_dim3A_556 = vector.shape_cast %select_n3A_555 : vector<16xi32> to vector<16x1xi32>
    %gather3A_557 = vector.shape_cast %broadcast_in_dim3A_556 : vector<16x1xi32> to vector<16xi32>
    %gather3A_558 = tpu.dynamic_gather %get3A_538[%gather3A_557] in [0] : vector<16xf32>, vector<16xi32> -> vector<16xf32>
    %mul3A_559 = arith.mulf %get3A_528, %gather3A_548 : vector<16xf32>
    %mul3A_560 = arith.mulf %get3A_528, %gather3A_558 : vector<16xf32>
    %add3A_561 = arith.addf %add3A_522, %mul3A_559 : vector<16xf32>
    %add3A_562 = arith.addf %add3A_523, %mul3A_560 : vector<16xf32>
    %get3A_563 = arith.constant 10 : i32
    %get3A_564 = arith.index_cast %get3A_563 : i32 to index
    %get3A_565 = arith.index_cast %multiple_of3A_143 : i32 to index
    %get3A_566 = tpu.vector_load %arg11[%get3A_564, %get3A_565] {strides = array<i32>} : memref<64x128xf32, #tpu.memory_space<vmem>>, vector<1x16xf32>,
    %get3A_567 = vector.shape_cast %get3A_566 : vector<1x16xf32> to vector<16xf32>
    %get3A_568 = arith.constant 10 : i32
    %get3A_569 = arith.index_cast %get3A_568 : i32 to index
    %get3A_570 = arith.index_cast %multiple_of3A_150 : i32 to index
    %get3A_571 = tpu.vector_load %arg9[%get3A_569, %get3A_570] {strides = array<i32>} : memref<64x128xf32, #tpu.memory_space<vmem>>, vector<1x16xf32>,
    %get3A_572 = vector.shape_cast %get3A_571 : vector<1x16xf32> to vector<16xf32>
    %get3A_573 = arith.constant 10 : i32
    %get3A_574 = arith.index_cast %get3A_573 : i32 to index
    %get3A_575 = arith.index_cast %multiple_of3A_157 : i32 to index
    %get3A_576 = tpu.vector_load %arg10[%get3A_574, %get3A_575] {strides = array<i32>} : memref<64x128xf32, #tpu.memory_space<vmem>>, vector<1x16xf32>,
    %get3A_577 = vector.shape_cast %get3A_576 : vector<1x16xf32> to vector<16xf32>
    %lt3A_578 = arith.constant 0 : i32
    %lt3A_579 = vector.broadcast %lt3A_578 : i32 to vector<16xi32>
    %lt3A_580 = arith.cmpi slt, %broadcast_in_dim3A, %lt3A_579 : vector<16xi32>
    %add3A_581 = arith.constant 16 : i32
    %add3A_582 = vector.broadcast %add3A_581 : i32 to vector<16xi32>
    %add3A_583 = arith.addi %broadcast_in_dim3A, %add3A_582 : vector<16xi32>
    %select_n3A_584 = arith.select %lt3A_580, %add3A_583, %broadcast_in_dim3A : vector<16xi1>, vector<16xi32>
    %broadcast_in_dim3A_585 = vector.shape_cast %select_n3A_584 : vector<16xi32> to vector<16x1xi32>
    %gather3A_586 = vector.shape_cast %broadcast_in_dim3A_585 : vector<16x1xi32> to vector<16xi32>
    %gather3A_587 = tpu.dynamic_gather %get3A_572[%gather3A_586] in [0] : vector<16xf32>, vector<16xi32> -> vector<16xf32>
    %lt3A_588 = arith.constant 0 : i32
    %lt3A_589 = vector.broadcast %lt3A_588 : i32 to vector<16xi32>
    %lt3A_590 = arith.cmpi slt, %broadcast_in_dim3A_162, %lt3A_589 : vector<16xi32>
    %add3A_591 = arith.constant 16 : i32
    %add3A_592 = vector.broadcast %add3A_591 : i32 to vector<16xi32>
    %add3A_593 = arith.addi %broadcast_in_dim3A_162, %add3A_592 : vector<16xi32>
    %select_n3A_594 = arith.select %lt3A_590, %add3A_593, %broadcast_in_dim3A_162 : vector<16xi1>, vector<16xi32>
    %broadcast_in_dim3A_595 = vector.shape_cast %select_n3A_594 : vector<16xi32> to vector<16x1xi32>
    %gather3A_596 = vector.shape_cast %broadcast_in_dim3A_595 : vector<16x1xi32> to vector<16xi32>
    %gather3A_597 = tpu.dynamic_gather %get3A_577[%gather3A_596] in [0] : vector<16xf32>, vector<16xi32> -> vector<16xf32>
    %mul3A_598 = arith.mulf %get3A_567, %gather3A_587 : vector<16xf32>
    %mul3A_599 = arith.mulf %get3A_567, %gather3A_597 : vector<16xf32>
    %add3A_600 = arith.addf %add3A_561, %mul3A_598 : vector<16xf32>
    %add3A_601 = arith.addf %add3A_562, %mul3A_599 : vector<16xf32>
    %get3A_602 = arith.constant 11 : i32
    %get3A_603 = arith.index_cast %get3A_602 : i32 to index
    %get3A_604 = arith.index_cast %multiple_of3A_143 : i32 to index
    %get3A_605 = tpu.vector_load %arg11[%get3A_603, %get3A_604] {strides = array<i32>} : memref<64x128xf32, #tpu.memory_space<vmem>>, vector<1x16xf32>,
    %get3A_606 = vector.shape_cast %get3A_605 : vector<1x16xf32> to vector<16xf32>
    %get3A_607 = arith.constant 11 : i32
    %get3A_608 = arith.index_cast %get3A_607 : i32 to index
    %get3A_609 = arith.index_cast %multiple_of3A_150 : i32 to index
    %get3A_610 = tpu.vector_load %arg9[%get3A_608, %get3A_609] {strides = array<i32>} : memref<64x128xf32, #tpu.memory_space<vmem>>, vector<1x16xf32>,
    %get3A_611 = vector.shape_cast %get3A_610 : vector<1x16xf32> to vector<16xf32>
    %get3A_612 = arith.constant 11 : i32
    %get3A_613 = arith.index_cast %get3A_612 : i32 to index
    %get3A_614 = arith.index_cast %multiple_of3A_157 : i32 to index
    %get3A_615 = tpu.vector_load %arg10[%get3A_613, %get3A_614] {strides = array<i32>} : memref<64x128xf32, #tpu.memory_space<vmem>>, vector<1x16xf32>,
    %get3A_616 = vector.shape_cast %get3A_615 : vector<1x16xf32> to vector<16xf32>
    %lt3A_617 = arith.constant 0 : i32
    %lt3A_618 = vector.broadcast %lt3A_617 : i32 to vector<16xi32>
    %lt3A_619 = arith.cmpi slt, %broadcast_in_dim3A, %lt3A_618 : vector<16xi32>
    %add3A_620 = arith.constant 16 : i32
    %add3A_621 = vector.broadcast %add3A_620 : i32 to vector<16xi32>
    %add3A_622 = arith.addi %broadcast_in_dim3A, %add3A_621 : vector<16xi32>
    %select_n3A_623 = arith.select %lt3A_619, %add3A_622, %broadcast_in_dim3A : vector<16xi1>, vector<16xi32>
    %broadcast_in_dim3A_624 = vector.shape_cast %select_n3A_623 : vector<16xi32> to vector<16x1xi32>
    %gather3A_625 = vector.shape_cast %broadcast_in_dim3A_624 : vector<16x1xi32> to vector<16xi32>
    %gather3A_626 = tpu.dynamic_gather %get3A_611[%gather3A_625] in [0] : vector<16xf32>, vector<16xi32> -> vector<16xf32>
    %lt3A_627 = arith.constant 0 : i32
    %lt3A_628 = vector.broadcast %lt3A_627 : i32 to vector<16xi32>
    %lt3A_629 = arith.cmpi slt, %broadcast_in_dim3A_162, %lt3A_628 : vector<16xi32>
    %add3A_630 = arith.constant 16 : i32
    %add3A_631 = vector.broadcast %add3A_630 : i32 to vector<16xi32>
    %add3A_632 = arith.addi %broadcast_in_dim3A_162, %add3A_631 : vector<16xi32>
    %select_n3A_633 = arith.select %lt3A_629, %add3A_632, %broadcast_in_dim3A_162 : vector<16xi1>, vector<16xi32>
    %broadcast_in_dim3A_634 = vector.shape_cast %select_n3A_633 : vector<16xi32> to vector<16x1xi32>
    %gather3A_635 = vector.shape_cast %broadcast_in_dim3A_634 : vector<16x1xi32> to vector<16xi32>
    %gather3A_636 = tpu.dynamic_gather %get3A_616[%gather3A_635] in [0] : vector<16xf32>, vector<16xi32> -> vector<16xf32>
    %mul3A_637 = arith.mulf %get3A_606, %gather3A_626 : vector<16xf32>
    %mul3A_638 = arith.mulf %get3A_606, %gather3A_636 : vector<16xf32>
    %add3A_639 = arith.addf %add3A_600, %mul3A_637 : vector<16xf32>
    %add3A_640 = arith.addf %add3A_601, %mul3A_638 : vector<16xf32>
    %get3A_641 = arith.constant 12 : i32
    %get3A_642 = arith.index_cast %get3A_641 : i32 to index
    %get3A_643 = arith.index_cast %multiple_of3A_143 : i32 to index
    %get3A_644 = tpu.vector_load %arg11[%get3A_642, %get3A_643] {strides = array<i32>} : memref<64x128xf32, #tpu.memory_space<vmem>>, vector<1x16xf32>,
    %get3A_645 = vector.shape_cast %get3A_644 : vector<1x16xf32> to vector<16xf32>
    %get3A_646 = arith.constant 12 : i32
    %get3A_647 = arith.index_cast %get3A_646 : i32 to index
    %get3A_648 = arith.index_cast %multiple_of3A_150 : i32 to index
    %get3A_649 = tpu.vector_load %arg9[%get3A_647, %get3A_648] {strides = array<i32>} : memref<64x128xf32, #tpu.memory_space<vmem>>, vector<1x16xf32>,
    %get3A_650 = vector.shape_cast %get3A_649 : vector<1x16xf32> to vector<16xf32>
    %get3A_651 = arith.constant 12 : i32
    %get3A_652 = arith.index_cast %get3A_651 : i32 to index
    %get3A_653 = arith.index_cast %multiple_of3A_157 : i32 to index
    %get3A_654 = tpu.vector_load %arg10[%get3A_652, %get3A_653] {strides = array<i32>} : memref<64x128xf32, #tpu.memory_space<vmem>>, vector<1x16xf32>,
    %get3A_655 = vector.shape_cast %get3A_654 : vector<1x16xf32> to vector<16xf32>
    %lt3A_656 = arith.constant 0 : i32
    %lt3A_657 = vector.broadcast %lt3A_656 : i32 to vector<16xi32>
    %lt3A_658 = arith.cmpi slt, %broadcast_in_dim3A, %lt3A_657 : vector<16xi32>
    %add3A_659 = arith.constant 16 : i32
    %add3A_660 = vector.broadcast %add3A_659 : i32 to vector<16xi32>
    %add3A_661 = arith.addi %broadcast_in_dim3A, %add3A_660 : vector<16xi32>
    %select_n3A_662 = arith.select %lt3A_658, %add3A_661, %broadcast_in_dim3A : vector<16xi1>, vector<16xi32>
    %broadcast_in_dim3A_663 = vector.shape_cast %select_n3A_662 : vector<16xi32> to vector<16x1xi32>
    %gather3A_664 = vector.shape_cast %broadcast_in_dim3A_663 : vector<16x1xi32> to vector<16xi32>
    %gather3A_665 = tpu.dynamic_gather %get3A_650[%gather3A_664] in [0] : vector<16xf32>, vector<16xi32> -> vector<16xf32>
    %lt3A_666 = arith.constant 0 : i32
    %lt3A_667 = vector.broadcast %lt3A_666 : i32 to vector<16xi32>
    %lt3A_668 = arith.cmpi slt, %broadcast_in_dim3A_162, %lt3A_667 : vector<16xi32>
    %add3A_669 = arith.constant 16 : i32
    %add3A_670 = vector.broadcast %add3A_669 : i32 to vector<16xi32>
    %add3A_671 = arith.addi %broadcast_in_dim3A_162, %add3A_670 : vector<16xi32>
    %select_n3A_672 = arith.select %lt3A_668, %add3A_671, %broadcast_in_dim3A_162 : vector<16xi1>, vector<16xi32>
    %broadcast_in_dim3A_673 = vector.shape_cast %select_n3A_672 : vector<16xi32> to vector<16x1xi32>
    %gather3A_674 = vector.shape_cast %broadcast_in_dim3A_673 : vector<16x1xi32> to vector<16xi32>
    %gather3A_675 = tpu.dynamic_gather %get3A_655[%gather3A_674] in [0] : vector<16xf32>, vector<16xi32> -> vector<16xf32>
    %mul3A_676 = arith.mulf %get3A_645, %gather3A_665 : vector<16xf32>
    %mul3A_677 = arith.mulf %get3A_645, %gather3A_675 : vector<16xf32>
    %add3A_678 = arith.addf %add3A_639, %mul3A_676 : vector<16xf32>
    %add3A_679 = arith.addf %add3A_640, %mul3A_677 : vector<16xf32>
    %get3A_680 = arith.constant 13 : i32
    %get3A_681 = arith.index_cast %get3A_680 : i32 to index
    %get3A_682 = arith.index_cast %multiple_of3A_143 : i32 to index
    %get3A_683 = tpu.vector_load %arg11[%get3A_681, %get3A_682] {strides = array<i32>} : memref<64x128xf32, #tpu.memory_space<vmem>>, vector<1x16xf32>,
    %get3A_684 = vector.shape_cast %get3A_683 : vector<1x16xf32> to vector<16xf32>
    %get3A_685 = arith.constant 13 : i32
    %get3A_686 = arith.index_cast %get3A_685 : i32 to index
    %get3A_687 = arith.index_cast %multiple_of3A_150 : i32 to index
    %get3A_688 = tpu.vector_load %arg9[%get3A_686, %get3A_687] {strides = array<i32>} : memref<64x128xf32, #tpu.memory_space<vmem>>, vector<1x16xf32>,
    %get3A_689 = vector.shape_cast %get3A_688 : vector<1x16xf32> to vector<16xf32>
    %get3A_690 = arith.constant 13 : i32
    %get3A_691 = arith.index_cast %get3A_690 : i32 to index
    %get3A_692 = arith.index_cast %multiple_of3A_157 : i32 to index
    %get3A_693 = tpu.vector_load %arg10[%get3A_691, %get3A_692] {strides = array<i32>} : memref<64x128xf32, #tpu.memory_space<vmem>>, vector<1x16xf32>,
    %get3A_694 = vector.shape_cast %get3A_693 : vector<1x16xf32> to vector<16xf32>
    %lt3A_695 = arith.constant 0 : i32
    %lt3A_696 = vector.broadcast %lt3A_695 : i32 to vector<16xi32>
    %lt3A_697 = arith.cmpi slt, %broadcast_in_dim3A, %lt3A_696 : vector<16xi32>
    %add3A_698 = arith.constant 16 : i32
    %add3A_699 = vector.broadcast %add3A_698 : i32 to vector<16xi32>
    %add3A_700 = arith.addi %broadcast_in_dim3A, %add3A_699 : vector<16xi32>
    %select_n3A_701 = arith.select %lt3A_697, %add3A_700, %broadcast_in_dim3A : vector<16xi1>, vector<16xi32>
    %broadcast_in_dim3A_702 = vector.shape_cast %select_n3A_701 : vector<16xi32> to vector<16x1xi32>
    %gather3A_703 = vector.shape_cast %broadcast_in_dim3A_702 : vector<16x1xi32> to vector<16xi32>
    %gather3A_704 = tpu.dynamic_gather %get3A_689[%gather3A_703] in [0] : vector<16xf32>, vector<16xi32> -> vector<16xf32>
    %lt3A_705 = arith.constant 0 : i32
    %lt3A_706 = vector.broadcast %lt3A_705 : i32 to vector<16xi32>
    %lt3A_707 = arith.cmpi slt, %broadcast_in_dim3A_162, %lt3A_706 : vector<16xi32>
    %add3A_708 = arith.constant 16 : i32
    %add3A_709 = vector.broadcast %add3A_708 : i32 to vector<16xi32>
    %add3A_710 = arith.addi %broadcast_in_dim3A_162, %add3A_709 : vector<16xi32>
    %select_n3A_711 = arith.select %lt3A_707, %add3A_710, %broadcast_in_dim3A_162 : vector<16xi1>, vector<16xi32>
    %broadcast_in_dim3A_712 = vector.shape_cast %select_n3A_711 : vector<16xi32> to vector<16x1xi32>
    %gather3A_713 = vector.shape_cast %broadcast_in_dim3A_712 : vector<16x1xi32> to vector<16xi32>
    %gather3A_714 = tpu.dynamic_gather %get3A_694[%gather3A_713] in [0] : vector<16xf32>, vector<16xi32> -> vector<16xf32>
    %mul3A_715 = arith.mulf %get3A_684, %gather3A_704 : vector<16xf32>
    %mul3A_716 = arith.mulf %get3A_684, %gather3A_714 : vector<16xf32>
    %add3A_717 = arith.addf %add3A_678, %mul3A_715 : vector<16xf32>
    %add3A_718 = arith.addf %add3A_679, %mul3A_716 : vector<16xf32>
    %get3A_719 = arith.constant 14 : i32
    %get3A_720 = arith.index_cast %get3A_719 : i32 to index
    %get3A_721 = arith.index_cast %multiple_of3A_143 : i32 to index
    %get3A_722 = tpu.vector_load %arg11[%get3A_720, %get3A_721] {strides = array<i32>} : memref<64x128xf32, #tpu.memory_space<vmem>>, vector<1x16xf32>,
    %get3A_723 = vector.shape_cast %get3A_722 : vector<1x16xf32> to vector<16xf32>
    %get3A_724 = arith.constant 14 : i32
    %get3A_725 = arith.index_cast %get3A_724 : i32 to index
    %get3A_726 = arith.index_cast %multiple_of3A_150 : i32 to index
    %get3A_727 = tpu.vector_load %arg9[%get3A_725, %get3A_726] {strides = array<i32>} : memref<64x128xf32, #tpu.memory_space<vmem>>, vector<1x16xf32>,
    %get3A_728 = vector.shape_cast %get3A_727 : vector<1x16xf32> to vector<16xf32>
    %get3A_729 = arith.constant 14 : i32
    %get3A_730 = arith.index_cast %get3A_729 : i32 to index
    %get3A_731 = arith.index_cast %multiple_of3A_157 : i32 to index
    %get3A_732 = tpu.vector_load %arg10[%get3A_730, %get3A_731] {strides = array<i32>} : memref<64x128xf32, #tpu.memory_space<vmem>>, vector<1x16xf32>,
    %get3A_733 = vector.shape_cast %get3A_732 : vector<1x16xf32> to vector<16xf32>
    %lt3A_734 = arith.constant 0 : i32
    %lt3A_735 = vector.broadcast %lt3A_734 : i32 to vector<16xi32>
    %lt3A_736 = arith.cmpi slt, %broadcast_in_dim3A, %lt3A_735 : vector<16xi32>
    %add3A_737 = arith.constant 16 : i32
    %add3A_738 = vector.broadcast %add3A_737 : i32 to vector<16xi32>
    %add3A_739 = arith.addi %broadcast_in_dim3A, %add3A_738 : vector<16xi32>
    %select_n3A_740 = arith.select %lt3A_736, %add3A_739, %broadcast_in_dim3A : vector<16xi1>, vector<16xi32>
    %broadcast_in_dim3A_741 = vector.shape_cast %select_n3A_740 : vector<16xi32> to vector<16x1xi32>
    %gather3A_742 = vector.shape_cast %broadcast_in_dim3A_741 : vector<16x1xi32> to vector<16xi32>
    %gather3A_743 = tpu.dynamic_gather %get3A_728[%gather3A_742] in [0] : vector<16xf32>, vector<16xi32> -> vector<16xf32>
    %lt3A_744 = arith.constant 0 : i32
    %lt3A_745 = vector.broadcast %lt3A_744 : i32 to vector<16xi32>
    %lt3A_746 = arith.cmpi slt, %broadcast_in_dim3A_162, %lt3A_745 : vector<16xi32>
    %add3A_747 = arith.constant 16 : i32
    %add3A_748 = vector.broadcast %add3A_747 : i32 to vector<16xi32>
    %add3A_749 = arith.addi %broadcast_in_dim3A_162, %add3A_748 : vector<16xi32>
    %select_n3A_750 = arith.select %lt3A_746, %add3A_749, %broadcast_in_dim3A_162 : vector<16xi1>, vector<16xi32>
    %broadcast_in_dim3A_751 = vector.shape_cast %select_n3A_750 : vector<16xi32> to vector<16x1xi32>
    %gather3A_752 = vector.shape_cast %broadcast_in_dim3A_751 : vector<16x1xi32> to vector<16xi32>
    %gather3A_753 = tpu.dynamic_gather %get3A_733[%gather3A_752] in [0] : vector<16xf32>, vector<16xi32> -> vector<16xf32>
    %mul3A_754 = arith.mulf %get3A_723, %gather3A_743 : vector<16xf32>
    %mul3A_755 = arith.mulf %get3A_723, %gather3A_753 : vector<16xf32>
    %add3A_756 = arith.addf %add3A_717, %mul3A_754 : vector<16xf32>
    %add3A_757 = arith.addf %add3A_718, %mul3A_755 : vector<16xf32>
    %get3A_758 = arith.constant 15 : i32
    %get3A_759 = arith.index_cast %get3A_758 : i32 to index
    %get3A_760 = arith.index_cast %multiple_of3A_143 : i32 to index
    %get3A_761 = tpu.vector_load %arg11[%get3A_759, %get3A_760] {strides = array<i32>} : memref<64x128xf32, #tpu.memory_space<vmem>>, vector<1x16xf32>,
    %get3A_762 = vector.shape_cast %get3A_761 : vector<1x16xf32> to vector<16xf32>
    %get3A_763 = arith.constant 15 : i32
    %get3A_764 = arith.index_cast %get3A_763 : i32 to index
    %get3A_765 = arith.index_cast %multiple_of3A_150 : i32 to index
    %get3A_766 = tpu.vector_load %arg9[%get3A_764, %get3A_765] {strides = array<i32>} : memref<64x128xf32, #tpu.memory_space<vmem>>, vector<1x16xf32>,
    %get3A_767 = vector.shape_cast %get3A_766 : vector<1x16xf32> to vector<16xf32>
    %get3A_768 = arith.constant 15 : i32
    %get3A_769 = arith.index_cast %get3A_768 : i32 to index
    %get3A_770 = arith.index_cast %multiple_of3A_157 : i32 to index
    %get3A_771 = tpu.vector_load %arg10[%get3A_769, %get3A_770] {strides = array<i32>} : memref<64x128xf32, #tpu.memory_space<vmem>>, vector<1x16xf32>,
    %get3A_772 = vector.shape_cast %get3A_771 : vector<1x16xf32> to vector<16xf32>
    %lt3A_773 = arith.constant 0 : i32
    %lt3A_774 = vector.broadcast %lt3A_773 : i32 to vector<16xi32>
    %lt3A_775 = arith.cmpi slt, %broadcast_in_dim3A, %lt3A_774 : vector<16xi32>
    %add3A_776 = arith.constant 16 : i32
    %add3A_777 = vector.broadcast %add3A_776 : i32 to vector<16xi32>
    %add3A_778 = arith.addi %broadcast_in_dim3A, %add3A_777 : vector<16xi32>
    %select_n3A_779 = arith.select %lt3A_775, %add3A_778, %broadcast_in_dim3A : vector<16xi1>, vector<16xi32>
    %broadcast_in_dim3A_780 = vector.shape_cast %select_n3A_779 : vector<16xi32> to vector<16x1xi32>
    %gather3A_781 = vector.shape_cast %broadcast_in_dim3A_780 : vector<16x1xi32> to vector<16xi32>
    %gather3A_782 = tpu.dynamic_gather %get3A_767[%gather3A_781] in [0] : vector<16xf32>, vector<16xi32> -> vector<16xf32>
    %lt3A_783 = arith.constant 0 : i32
    %lt3A_784 = vector.broadcast %lt3A_783 : i32 to vector<16xi32>
    %lt3A_785 = arith.cmpi slt, %broadcast_in_dim3A_162, %lt3A_784 : vector<16xi32>
    %add3A_786 = arith.constant 16 : i32
    %add3A_787 = vector.broadcast %add3A_786 : i32 to vector<16xi32>
    %add3A_788 = arith.addi %broadcast_in_dim3A_162, %add3A_787 : vector<16xi32>
    %select_n3A_789 = arith.select %lt3A_785, %add3A_788, %broadcast_in_dim3A_162 : vector<16xi1>, vector<16xi32>
    %broadcast_in_dim3A_790 = vector.shape_cast %select_n3A_789 : vector<16xi32> to vector<16x1xi32>
    %gather3A_791 = vector.shape_cast %broadcast_in_dim3A_790 : vector<16x1xi32> to vector<16xi32>
    %gather3A_792 = tpu.dynamic_gather %get3A_772[%gather3A_791] in [0] : vector<16xf32>, vector<16xi32> -> vector<16xf32>
    %mul3A_793 = arith.mulf %get3A_762, %gather3A_782 : vector<16xf32>
    %mul3A_794 = arith.mulf %get3A_762, %gather3A_792 : vector<16xf32>
    %add3A_795 = arith.addf %add3A_756, %mul3A_793 : vector<16xf32>
    %add3A_796 = arith.addf %add3A_757, %mul3A_794 : vector<16xf32>
    %get3A_797 = arith.constant 16 : i32
    %get3A_798 = arith.index_cast %get3A_797 : i32 to index
    %get3A_799 = arith.index_cast %multiple_of3A_143 : i32 to index
    %get3A_800 = tpu.vector_load %arg11[%get3A_798, %get3A_799] {strides = array<i32>} : memref<64x128xf32, #tpu.memory_space<vmem>>, vector<1x16xf32>,
    %get3A_801 = vector.shape_cast %get3A_800 : vector<1x16xf32> to vector<16xf32>
    %get3A_802 = arith.constant 16 : i32
    %get3A_803 = arith.index_cast %get3A_802 : i32 to index
    %get3A_804 = arith.index_cast %multiple_of3A_150 : i32 to index
    %get3A_805 = tpu.vector_load %arg9[%get3A_803, %get3A_804] {strides = array<i32>} : memref<64x128xf32, #tpu.memory_space<vmem>>, vector<1x16xf32>,
    %get3A_806 = vector.shape_cast %get3A_805 : vector<1x16xf32> to vector<16xf32>
    %get3A_807 = arith.constant 16 : i32
    %get3A_808 = arith.index_cast %get3A_807 : i32 to index
    %get3A_809 = arith.index_cast %multiple_of3A_157 : i32 to index
    %get3A_810 = tpu.vector_load %arg10[%get3A_808, %get3A_809] {strides = array<i32>} : memref<64x128xf32, #tpu.memory_space<vmem>>, vector<1x16xf32>,
    %get3A_811 = vector.shape_cast %get3A_810 : vector<1x16xf32> to vector<16xf32>
    %lt3A_812 = arith.constant 0 : i32
    %lt3A_813 = vector.broadcast %lt3A_812 : i32 to vector<16xi32>
    %lt3A_814 = arith.cmpi slt, %broadcast_in_dim3A, %lt3A_813 : vector<16xi32>
    %add3A_815 = arith.constant 16 : i32
    %add3A_816 = vector.broadcast %add3A_815 : i32 to vector<16xi32>
    %add3A_817 = arith.addi %broadcast_in_dim3A, %add3A_816 : vector<16xi32>
    %select_n3A_818 = arith.select %lt3A_814, %add3A_817, %broadcast_in_dim3A : vector<16xi1>, vector<16xi32>
    %broadcast_in_dim3A_819 = vector.shape_cast %select_n3A_818 : vector<16xi32> to vector<16x1xi32>
    %gather3A_820 = vector.shape_cast %broadcast_in_dim3A_819 : vector<16x1xi32> to vector<16xi32>
    %gather3A_821 = tpu.dynamic_gather %get3A_806[%gather3A_820] in [0] : vector<16xf32>, vector<16xi32> -> vector<16xf32>
    %lt3A_822 = arith.constant 0 : i32
    %lt3A_823 = vector.broadcast %lt3A_822 : i32 to vector<16xi32>
    %lt3A_824 = arith.cmpi slt, %broadcast_in_dim3A_162, %lt3A_823 : vector<16xi32>
    %add3A_825 = arith.constant 16 : i32
    %add3A_826 = vector.broadcast %add3A_825 : i32 to vector<16xi32>
    %add3A_827 = arith.addi %broadcast_in_dim3A_162, %add3A_826 : vector<16xi32>
    %select_n3A_828 = arith.select %lt3A_824, %add3A_827, %broadcast_in_dim3A_162 : vector<16xi1>, vector<16xi32>
    %broadcast_in_dim3A_829 = vector.shape_cast %select_n3A_828 : vector<16xi32> to vector<16x1xi32>
    %gather3A_830 = vector.shape_cast %broadcast_in_dim3A_829 : vector<16x1xi32> to vector<16xi32>
    %gather3A_831 = tpu.dynamic_gather %get3A_811[%gather3A_830] in [0] : vector<16xf32>, vector<16xi32> -> vector<16xf32>
    %mul3A_832 = arith.mulf %get3A_801, %gather3A_821 : vector<16xf32>
    %mul3A_833 = arith.mulf %get3A_801, %gather3A_831 : vector<16xf32>
    %add3A_834 = arith.addf %add3A_795, %mul3A_832 : vector<16xf32>
    %add3A_835 = arith.addf %add3A_796, %mul3A_833 : vector<16xf32>
    %get3A_836 = arith.constant 17 : i32
    %get3A_837 = arith.index_cast %get3A_836 : i32 to index
    %get3A_838 = arith.index_cast %multiple_of3A_143 : i32 to index
    %get3A_839 = tpu.vector_load %arg11[%get3A_837, %get3A_838] {strides = array<i32>} : memref<64x128xf32, #tpu.memory_space<vmem>>, vector<1x16xf32>,
    %get3A_840 = vector.shape_cast %get3A_839 : vector<1x16xf32> to vector<16xf32>
    %get3A_841 = arith.constant 17 : i32
    %get3A_842 = arith.index_cast %get3A_841 : i32 to index
    %get3A_843 = arith.index_cast %multiple_of3A_150 : i32 to index
    %get3A_844 = tpu.vector_load %arg9[%get3A_842, %get3A_843] {strides = array<i32>} : memref<64x128xf32, #tpu.memory_space<vmem>>, vector<1x16xf32>,
    %get3A_845 = vector.shape_cast %get3A_844 : vector<1x16xf32> to vector<16xf32>
    %get3A_846 = arith.constant 17 : i32
    %get3A_847 = arith.index_cast %get3A_846 : i32 to index
    %get3A_848 = arith.index_cast %multiple_of3A_157 : i32 to index
    %get3A_849 = tpu.vector_load %arg10[%get3A_847, %get3A_848] {strides = array<i32>} : memref<64x128xf32, #tpu.memory_space<vmem>>, vector<1x16xf32>,
    %get3A_850 = vector.shape_cast %get3A_849 : vector<1x16xf32> to vector<16xf32>
    %lt3A_851 = arith.constant 0 : i32
    %lt3A_852 = vector.broadcast %lt3A_851 : i32 to vector<16xi32>
    %lt3A_853 = arith.cmpi slt, %broadcast_in_dim3A, %lt3A_852 : vector<16xi32>
    %add3A_854 = arith.constant 16 : i32
    %add3A_855 = vector.broadcast %add3A_854 : i32 to vector<16xi32>
    %add3A_856 = arith.addi %broadcast_in_dim3A, %add3A_855 : vector<16xi32>
    %select_n3A_857 = arith.select %lt3A_853, %add3A_856, %broadcast_in_dim3A : vector<16xi1>, vector<16xi32>
    %broadcast_in_dim3A_858 = vector.shape_cast %select_n3A_857 : vector<16xi32> to vector<16x1xi32>
    %gather3A_859 = vector.shape_cast %broadcast_in_dim3A_858 : vector<16x1xi32> to vector<16xi32>
    %gather3A_860 = tpu.dynamic_gather %get3A_845[%gather3A_859] in [0] : vector<16xf32>, vector<16xi32> -> vector<16xf32>
    %lt3A_861 = arith.constant 0 : i32
    %lt3A_862 = vector.broadcast %lt3A_861 : i32 to vector<16xi32>
    %lt3A_863 = arith.cmpi slt, %broadcast_in_dim3A_162, %lt3A_862 : vector<16xi32>
    %add3A_864 = arith.constant 16 : i32
    %add3A_865 = vector.broadcast %add3A_864 : i32 to vector<16xi32>
    %add3A_866 = arith.addi %broadcast_in_dim3A_162, %add3A_865 : vector<16xi32>
    %select_n3A_867 = arith.select %lt3A_863, %add3A_866, %broadcast_in_dim3A_162 : vector<16xi1>, vector<16xi32>
    %broadcast_in_dim3A_868 = vector.shape_cast %select_n3A_867 : vector<16xi32> to vector<16x1xi32>
    %gather3A_869 = vector.shape_cast %broadcast_in_dim3A_868 : vector<16x1xi32> to vector<16xi32>
    %gather3A_870 = tpu.dynamic_gather %get3A_850[%gather3A_869] in [0] : vector<16xf32>, vector<16xi32> -> vector<16xf32>
    %mul3A_871 = arith.mulf %get3A_840, %gather3A_860 : vector<16xf32>
    %mul3A_872 = arith.mulf %get3A_840, %gather3A_870 : vector<16xf32>
    %add3A_873 = arith.addf %add3A_834, %mul3A_871 : vector<16xf32>
    %add3A_874 = arith.addf %add3A_835, %mul3A_872 : vector<16xf32>
    %get3A_875 = arith.constant 18 : i32
    %get3A_876 = arith.index_cast %get3A_875 : i32 to index
    %get3A_877 = arith.index_cast %multiple_of3A_143 : i32 to index
    %get3A_878 = tpu.vector_load %arg11[%get3A_876, %get3A_877] {strides = array<i32>} : memref<64x128xf32, #tpu.memory_space<vmem>>, vector<1x16xf32>,
    %get3A_879 = vector.shape_cast %get3A_878 : vector<1x16xf32> to vector<16xf32>
    %get3A_880 = arith.constant 18 : i32
    %get3A_881 = arith.index_cast %get3A_880 : i32 to index
    %get3A_882 = arith.index_cast %multiple_of3A_150 : i32 to index
    %get3A_883 = tpu.vector_load %arg9[%get3A_881, %get3A_882] {strides = array<i32>} : memref<64x128xf32, #tpu.memory_space<vmem>>, vector<1x16xf32>,
    %get3A_884 = vector.shape_cast %get3A_883 : vector<1x16xf32> to vector<16xf32>
    %get3A_885 = arith.constant 18 : i32
    %get3A_886 = arith.index_cast %get3A_885 : i32 to index
    %get3A_887 = arith.index_cast %multiple_of3A_157 : i32 to index
    %get3A_888 = tpu.vector_load %arg10[%get3A_886, %get3A_887] {strides = array<i32>} : memref<64x128xf32, #tpu.memory_space<vmem>>, vector<1x16xf32>,
    %get3A_889 = vector.shape_cast %get3A_888 : vector<1x16xf32> to vector<16xf32>
    %lt3A_890 = arith.constant 0 : i32
    %lt3A_891 = vector.broadcast %lt3A_890 : i32 to vector<16xi32>
    %lt3A_892 = arith.cmpi slt, %broadcast_in_dim3A, %lt3A_891 : vector<16xi32>
    %add3A_893 = arith.constant 16 : i32
    %add3A_894 = vector.broadcast %add3A_893 : i32 to vector<16xi32>
    %add3A_895 = arith.addi %broadcast_in_dim3A, %add3A_894 : vector<16xi32>
    %select_n3A_896 = arith.select %lt3A_892, %add3A_895, %broadcast_in_dim3A : vector<16xi1>, vector<16xi32>
    %broadcast_in_dim3A_897 = vector.shape_cast %select_n3A_896 : vector<16xi32> to vector<16x1xi32>
    %gather3A_898 = vector.shape_cast %broadcast_in_dim3A_897 : vector<16x1xi32> to vector<16xi32>
    %gather3A_899 = tpu.dynamic_gather %get3A_884[%gather3A_898] in [0] : vector<16xf32>, vector<16xi32> -> vector<16xf32>
    %lt3A_900 = arith.constant 0 : i32
    %lt3A_901 = vector.broadcast %lt3A_900 : i32 to vector<16xi32>
    %lt3A_902 = arith.cmpi slt, %broadcast_in_dim3A_162, %lt3A_901 : vector<16xi32>
    %add3A_903 = arith.constant 16 : i32
    %add3A_904 = vector.broadcast %add3A_903 : i32 to vector<16xi32>
    %add3A_905 = arith.addi %broadcast_in_dim3A_162, %add3A_904 : vector<16xi32>
    %select_n3A_906 = arith.select %lt3A_902, %add3A_905, %broadcast_in_dim3A_162 : vector<16xi1>, vector<16xi32>
    %broadcast_in_dim3A_907 = vector.shape_cast %select_n3A_906 : vector<16xi32> to vector<16x1xi32>
    %gather3A_908 = vector.shape_cast %broadcast_in_dim3A_907 : vector<16x1xi32> to vector<16xi32>
    %gather3A_909 = tpu.dynamic_gather %get3A_889[%gather3A_908] in [0] : vector<16xf32>, vector<16xi32> -> vector<16xf32>
    %mul3A_910 = arith.mulf %get3A_879, %gather3A_899 : vector<16xf32>
    %mul3A_911 = arith.mulf %get3A_879, %gather3A_909 : vector<16xf32>
    %add3A_912 = arith.addf %add3A_873, %mul3A_910 : vector<16xf32>
    %add3A_913 = arith.addf %add3A_874, %mul3A_911 : vector<16xf32>
    %get3A_914 = arith.constant 19 : i32
    %get3A_915 = arith.index_cast %get3A_914 : i32 to index
    %get3A_916 = arith.index_cast %multiple_of3A_143 : i32 to index
    %get3A_917 = tpu.vector_load %arg11[%get3A_915, %get3A_916] {strides = array<i32>} : memref<64x128xf32, #tpu.memory_space<vmem>>, vector<1x16xf32>,
    %get3A_918 = vector.shape_cast %get3A_917 : vector<1x16xf32> to vector<16xf32>
    %get3A_919 = arith.constant 19 : i32
    %get3A_920 = arith.index_cast %get3A_919 : i32 to index
    %get3A_921 = arith.index_cast %multiple_of3A_150 : i32 to index
    %get3A_922 = tpu.vector_load %arg9[%get3A_920, %get3A_921] {strides = array<i32>} : memref<64x128xf32, #tpu.memory_space<vmem>>, vector<1x16xf32>,
    %get3A_923 = vector.shape_cast %get3A_922 : vector<1x16xf32> to vector<16xf32>
    %get3A_924 = arith.constant 19 : i32
    %get3A_925 = arith.index_cast %get3A_924 : i32 to index
    %get3A_926 = arith.index_cast %multiple_of3A_157 : i32 to index
    %get3A_927 = tpu.vector_load %arg10[%get3A_925, %get3A_926] {strides = array<i32>} : memref<64x128xf32, #tpu.memory_space<vmem>>, vector<1x16xf32>,
    %get3A_928 = vector.shape_cast %get3A_927 : vector<1x16xf32> to vector<16xf32>
    %lt3A_929 = arith.constant 0 : i32
    %lt3A_930 = vector.broadcast %lt3A_929 : i32 to vector<16xi32>
    %lt3A_931 = arith.cmpi slt, %broadcast_in_dim3A, %lt3A_930 : vector<16xi32>
    %add3A_932 = arith.constant 16 : i32
    %add3A_933 = vector.broadcast %add3A_932 : i32 to vector<16xi32>
    %add3A_934 = arith.addi %broadcast_in_dim3A, %add3A_933 : vector<16xi32>
    %select_n3A_935 = arith.select %lt3A_931, %add3A_934, %broadcast_in_dim3A : vector<16xi1>, vector<16xi32>
    %broadcast_in_dim3A_936 = vector.shape_cast %select_n3A_935 : vector<16xi32> to vector<16x1xi32>
    %gather3A_937 = vector.shape_cast %broadcast_in_dim3A_936 : vector<16x1xi32> to vector<16xi32>
    %gather3A_938 = tpu.dynamic_gather %get3A_923[%gather3A_937] in [0] : vector<16xf32>, vector<16xi32> -> vector<16xf32>
    %lt3A_939 = arith.constant 0 : i32
    %lt3A_940 = vector.broadcast %lt3A_939 : i32 to vector<16xi32>
    %lt3A_941 = arith.cmpi slt, %broadcast_in_dim3A_162, %lt3A_940 : vector<16xi32>
    %add3A_942 = arith.constant 16 : i32
    %add3A_943 = vector.broadcast %add3A_942 : i32 to vector<16xi32>
    %add3A_944 = arith.addi %broadcast_in_dim3A_162, %add3A_943 : vector<16xi32>
    %select_n3A_945 = arith.select %lt3A_941, %add3A_944, %broadcast_in_dim3A_162 : vector<16xi1>, vector<16xi32>
    %broadcast_in_dim3A_946 = vector.shape_cast %select_n3A_945 : vector<16xi32> to vector<16x1xi32>
    %gather3A_947 = vector.shape_cast %broadcast_in_dim3A_946 : vector<16x1xi32> to vector<16xi32>
    %gather3A_948 = tpu.dynamic_gather %get3A_928[%gather3A_947] in [0] : vector<16xf32>, vector<16xi32> -> vector<16xf32>
    %mul3A_949 = arith.mulf %get3A_918, %gather3A_938 : vector<16xf32>
    %mul3A_950 = arith.mulf %get3A_918, %gather3A_948 : vector<16xf32>
    %add3A_951 = arith.addf %add3A_912, %mul3A_949 : vector<16xf32>
    %add3A_952 = arith.addf %add3A_913, %mul3A_950 : vector<16xf32>
    %get3A_953 = arith.constant 20 : i32
    %get3A_954 = arith.index_cast %get3A_953 : i32 to index
    %get3A_955 = arith.index_cast %multiple_of3A_143 : i32 to index
    %get3A_956 = tpu.vector_load %arg11[%get3A_954, %get3A_955] {strides = array<i32>} : memref<64x128xf32, #tpu.memory_space<vmem>>, vector<1x16xf32>,
    %get3A_957 = vector.shape_cast %get3A_956 : vector<1x16xf32> to vector<16xf32>
    %get3A_958 = arith.constant 20 : i32
    %get3A_959 = arith.index_cast %get3A_958 : i32 to index
    %get3A_960 = arith.index_cast %multiple_of3A_150 : i32 to index
    %get3A_961 = tpu.vector_load %arg9[%get3A_959, %get3A_960] {strides = array<i32>} : memref<64x128xf32, #tpu.memory_space<vmem>>, vector<1x16xf32>,
    %get3A_962 = vector.shape_cast %get3A_961 : vector<1x16xf32> to vector<16xf32>
    %get3A_963 = arith.constant 20 : i32
    %get3A_964 = arith.index_cast %get3A_963 : i32 to index
    %get3A_965 = arith.index_cast %multiple_of3A_157 : i32 to index
    %get3A_966 = tpu.vector_load %arg10[%get3A_964, %get3A_965] {strides = array<i32>} : memref<64x128xf32, #tpu.memory_space<vmem>>, vector<1x16xf32>,
    %get3A_967 = vector.shape_cast %get3A_966 : vector<1x16xf32> to vector<16xf32>
    %lt3A_968 = arith.constant 0 : i32
    %lt3A_969 = vector.broadcast %lt3A_968 : i32 to vector<16xi32>
    %lt3A_970 = arith.cmpi slt, %broadcast_in_dim3A, %lt3A_969 : vector<16xi32>
    %add3A_971 = arith.constant 16 : i32
    %add3A_972 = vector.broadcast %add3A_971 : i32 to vector<16xi32>
    %add3A_973 = arith.addi %broadcast_in_dim3A, %add3A_972 : vector<16xi32>
    %select_n3A_974 = arith.select %lt3A_970, %add3A_973, %broadcast_in_dim3A : vector<16xi1>, vector<16xi32>
    %broadcast_in_dim3A_975 = vector.shape_cast %select_n3A_974 : vector<16xi32> to vector<16x1xi32>
    %gather3A_976 = vector.shape_cast %broadcast_in_dim3A_975 : vector<16x1xi32> to vector<16xi32>
    %gather3A_977 = tpu.dynamic_gather %get3A_962[%gather3A_976] in [0] : vector<16xf32>, vector<16xi32> -> vector<16xf32>
    %lt3A_978 = arith.constant 0 : i32
    %lt3A_979 = vector.broadcast %lt3A_978 : i32 to vector<16xi32>
    %lt3A_980 = arith.cmpi slt, %broadcast_in_dim3A_162, %lt3A_979 : vector<16xi32>
    %add3A_981 = arith.constant 16 : i32
    %add3A_982 = vector.broadcast %add3A_981 : i32 to vector<16xi32>
    %add3A_983 = arith.addi %broadcast_in_dim3A_162, %add3A_982 : vector<16xi32>
    %select_n3A_984 = arith.select %lt3A_980, %add3A_983, %broadcast_in_dim3A_162 : vector<16xi1>, vector<16xi32>
    %broadcast_in_dim3A_985 = vector.shape_cast %select_n3A_984 : vector<16xi32> to vector<16x1xi32>
    %gather3A_986 = vector.shape_cast %broadcast_in_dim3A_985 : vector<16x1xi32> to vector<16xi32>
    %gather3A_987 = tpu.dynamic_gather %get3A_967[%gather3A_986] in [0] : vector<16xf32>, vector<16xi32> -> vector<16xf32>
    %mul3A_988 = arith.mulf %get3A_957, %gather3A_977 : vector<16xf32>
    %mul3A_989 = arith.mulf %get3A_957, %gather3A_987 : vector<16xf32>
    %add3A_990 = arith.addf %add3A_951, %mul3A_988 : vector<16xf32>
    %add3A_991 = arith.addf %add3A_952, %mul3A_989 : vector<16xf32>
    %get3A_992 = arith.constant 21 : i32
    %get3A_993 = arith.index_cast %get3A_992 : i32 to index
    %get3A_994 = arith.index_cast %multiple_of3A_143 : i32 to index
    %get3A_995 = tpu.vector_load %arg11[%get3A_993, %get3A_994] {strides = array<i32>} : memref<64x128xf32, #tpu.memory_space<vmem>>, vector<1x16xf32>,
    %get3A_996 = vector.shape_cast %get3A_995 : vector<1x16xf32> to vector<16xf32>
    %get3A_997 = arith.constant 21 : i32
    %get3A_998 = arith.index_cast %get3A_997 : i32 to index
    %get3A_999 = arith.index_cast %multiple_of3A_150 : i32 to index
    %get3A_1000 = tpu.vector_load %arg9[%get3A_998, %get3A_999] {strides = array<i32>} : memref<64x128xf32, #tpu.memory_space<vmem>>, vector<1x16xf32>,
    %get3A_1001 = vector.shape_cast %get3A_1000 : vector<1x16xf32> to vector<16xf32>
    %get3A_1002 = arith.constant 21 : i32
    %get3A_1003 = arith.index_cast %get3A_1002 : i32 to index
    %get3A_1004 = arith.index_cast %multiple_of3A_157 : i32 to index
    %get3A_1005 = tpu.vector_load %arg10[%get3A_1003, %get3A_1004] {strides = array<i32>} : memref<64x128xf32, #tpu.memory_space<vmem>>, vector<1x16xf32>,
    %get3A_1006 = vector.shape_cast %get3A_1005 : vector<1x16xf32> to vector<16xf32>
    %lt3A_1007 = arith.constant 0 : i32
    %lt3A_1008 = vector.broadcast %lt3A_1007 : i32 to vector<16xi32>
    %lt3A_1009 = arith.cmpi slt, %broadcast_in_dim3A, %lt3A_1008 : vector<16xi32>
    %add3A_1010 = arith.constant 16 : i32
    %add3A_1011 = vector.broadcast %add3A_1010 : i32 to vector<16xi32>
    %add3A_1012 = arith.addi %broadcast_in_dim3A, %add3A_1011 : vector<16xi32>
    %select_n3A_1013 = arith.select %lt3A_1009, %add3A_1012, %broadcast_in_dim3A : vector<16xi1>, vector<16xi32>
    %broadcast_in_dim3A_1014 = vector.shape_cast %select_n3A_1013 : vector<16xi32> to vector<16x1xi32>
    %gather3A_1015 = vector.shape_cast %broadcast_in_dim3A_1014 : vector<16x1xi32> to vector<16xi32>
    %gather3A_1016 = tpu.dynamic_gather %get3A_1001[%gather3A_1015] in [0] : vector<16xf32>, vector<16xi32> -> vector<16xf32>
    %lt3A_1017 = arith.constant 0 : i32
    %lt3A_1018 = vector.broadcast %lt3A_1017 : i32 to vector<16xi32>
    %lt3A_1019 = arith.cmpi slt, %broadcast_in_dim3A_162, %lt3A_1018 : vector<16xi32>
    %add3A_1020 = arith.constant 16 : i32
    %add3A_1021 = vector.broadcast %add3A_1020 : i32 to vector<16xi32>
    %add3A_1022 = arith.addi %broadcast_in_dim3A_162, %add3A_1021 : vector<16xi32>
    %select_n3A_1023 = arith.select %lt3A_1019, %add3A_1022, %broadcast_in_dim3A_162 : vector<16xi1>, vector<16xi32>
    %broadcast_in_dim3A_1024 = vector.shape_cast %select_n3A_1023 : vector<16xi32> to vector<16x1xi32>
    %gather3A_1025 = vector.shape_cast %broadcast_in_dim3A_1024 : vector<16x1xi32> to vector<16xi32>
    %gather3A_1026 = tpu.dynamic_gather %get3A_1006[%gather3A_1025] in [0] : vector<16xf32>, vector<16xi32> -> vector<16xf32>
    %mul3A_1027 = arith.mulf %get3A_996, %gather3A_1016 : vector<16xf32>
    %mul3A_1028 = arith.mulf %get3A_996, %gather3A_1026 : vector<16xf32>
    %add3A_1029 = arith.addf %add3A_990, %mul3A_1027 : vector<16xf32>
    %add3A_1030 = arith.addf %add3A_991, %mul3A_1028 : vector<16xf32>
    %get3A_1031 = arith.constant 22 : i32
    %get3A_1032 = arith.index_cast %get3A_1031 : i32 to index
    %get3A_1033 = arith.index_cast %multiple_of3A_143 : i32 to index
    %get3A_1034 = tpu.vector_load %arg11[%get3A_1032, %get3A_1033] {strides = array<i32>} : memref<64x128xf32, #tpu.memory_space<vmem>>, vector<1x16xf32>,
    %get3A_1035 = vector.shape_cast %get3A_1034 : vector<1x16xf32> to vector<16xf32>
    %get3A_1036 = arith.constant 22 : i32
    %get3A_1037 = arith.index_cast %get3A_1036 : i32 to index
    %get3A_1038 = arith.index_cast %multiple_of3A_150 : i32 to index
    %get3A_1039 = tpu.vector_load %arg9[%get3A_1037, %get3A_1038] {strides = array<i32>} : memref<64x128xf32, #tpu.memory_space<vmem>>, vector<1x16xf32>,
    %get3A_1040 = vector.shape_cast %get3A_1039 : vector<1x16xf32> to vector<16xf32>
    %get3A_1041 = arith.constant 22 : i32
    %get3A_1042 = arith.index_cast %get3A_1041 : i32 to index
    %get3A_1043 = arith.index_cast %multiple_of3A_157 : i32 to index
    %get3A_1044 = tpu.vector_load %arg10[%get3A_1042, %get3A_1043] {strides = array<i32>} : memref<64x128xf32, #tpu.memory_space<vmem>>, vector<1x16xf32>,
    %get3A_1045 = vector.shape_cast %get3A_1044 : vector<1x16xf32> to vector<16xf32>
    %lt3A_1046 = arith.constant 0 : i32
    %lt3A_1047 = vector.broadcast %lt3A_1046 : i32 to vector<16xi32>
    %lt3A_1048 = arith.cmpi slt, %broadcast_in_dim3A, %lt3A_1047 : vector<16xi32>
    %add3A_1049 = arith.constant 16 : i32
    %add3A_1050 = vector.broadcast %add3A_1049 : i32 to vector<16xi32>
    %add3A_1051 = arith.addi %broadcast_in_dim3A, %add3A_1050 : vector<16xi32>
    %select_n3A_1052 = arith.select %lt3A_1048, %add3A_1051, %broadcast_in_dim3A : vector<16xi1>, vector<16xi32>
    %broadcast_in_dim3A_1053 = vector.shape_cast %select_n3A_1052 : vector<16xi32> to vector<16x1xi32>
    %gather3A_1054 = vector.shape_cast %broadcast_in_dim3A_1053 : vector<16x1xi32> to vector<16xi32>
    %gather3A_1055 = tpu.dynamic_gather %get3A_1040[%gather3A_1054] in [0] : vector<16xf32>, vector<16xi32> -> vector<16xf32>
    %lt3A_1056 = arith.constant 0 : i32
    %lt3A_1057 = vector.broadcast %lt3A_1056 : i32 to vector<16xi32>
    %lt3A_1058 = arith.cmpi slt, %broadcast_in_dim3A_162, %lt3A_1057 : vector<16xi32>
    %add3A_1059 = arith.constant 16 : i32
    %add3A_1060 = vector.broadcast %add3A_1059 : i32 to vector<16xi32>
    %add3A_1061 = arith.addi %broadcast_in_dim3A_162, %add3A_1060 : vector<16xi32>
    %select_n3A_1062 = arith.select %lt3A_1058, %add3A_1061, %broadcast_in_dim3A_162 : vector<16xi1>, vector<16xi32>
    %broadcast_in_dim3A_1063 = vector.shape_cast %select_n3A_1062 : vector<16xi32> to vector<16x1xi32>
    %gather3A_1064 = vector.shape_cast %broadcast_in_dim3A_1063 : vector<16x1xi32> to vector<16xi32>
    %gather3A_1065 = tpu.dynamic_gather %get3A_1045[%gather3A_1064] in [0] : vector<16xf32>, vector<16xi32> -> vector<16xf32>
    %mul3A_1066 = arith.mulf %get3A_1035, %gather3A_1055 : vector<16xf32>
    %mul3A_1067 = arith.mulf %get3A_1035, %gather3A_1065 : vector<16xf32>
    %add3A_1068 = arith.addf %add3A_1029, %mul3A_1066 : vector<16xf32>
    %add3A_1069 = arith.addf %add3A_1030, %mul3A_1067 : vector<16xf32>
    %get3A_1070 = arith.constant 23 : i32
    %get3A_1071 = arith.index_cast %get3A_1070 : i32 to index
    %get3A_1072 = arith.index_cast %multiple_of3A_143 : i32 to index
    %get3A_1073 = tpu.vector_load %arg11[%get3A_1071, %get3A_1072] {strides = array<i32>} : memref<64x128xf32, #tpu.memory_space<vmem>>, vector<1x16xf32>,
    %get3A_1074 = vector.shape_cast %get3A_1073 : vector<1x16xf32> to vector<16xf32>
    %get3A_1075 = arith.constant 23 : i32
    %get3A_1076 = arith.index_cast %get3A_1075 : i32 to index
    %get3A_1077 = arith.index_cast %multiple_of3A_150 : i32 to index
    %get3A_1078 = tpu.vector_load %arg9[%get3A_1076, %get3A_1077] {strides = array<i32>} : memref<64x128xf32, #tpu.memory_space<vmem>>, vector<1x16xf32>,
    %get3A_1079 = vector.shape_cast %get3A_1078 : vector<1x16xf32> to vector<16xf32>
    %get3A_1080 = arith.constant 23 : i32
    %get3A_1081 = arith.index_cast %get3A_1080 : i32 to index
    %get3A_1082 = arith.index_cast %multiple_of3A_157 : i32 to index
    %get3A_1083 = tpu.vector_load %arg10[%get3A_1081, %get3A_1082] {strides = array<i32>} : memref<64x128xf32, #tpu.memory_space<vmem>>, vector<1x16xf32>,
    %get3A_1084 = vector.shape_cast %get3A_1083 : vector<1x16xf32> to vector<16xf32>
    %lt3A_1085 = arith.constant 0 : i32
    %lt3A_1086 = vector.broadcast %lt3A_1085 : i32 to vector<16xi32>
    %lt3A_1087 = arith.cmpi slt, %broadcast_in_dim3A, %lt3A_1086 : vector<16xi32>
    %add3A_1088 = arith.constant 16 : i32
    %add3A_1089 = vector.broadcast %add3A_1088 : i32 to vector<16xi32>
    %add3A_1090 = arith.addi %broadcast_in_dim3A, %add3A_1089 : vector<16xi32>
    %select_n3A_1091 = arith.select %lt3A_1087, %add3A_1090, %broadcast_in_dim3A : vector<16xi1>, vector<16xi32>
    %broadcast_in_dim3A_1092 = vector.shape_cast %select_n3A_1091 : vector<16xi32> to vector<16x1xi32>
    %gather3A_1093 = vector.shape_cast %broadcast_in_dim3A_1092 : vector<16x1xi32> to vector<16xi32>
    %gather3A_1094 = tpu.dynamic_gather %get3A_1079[%gather3A_1093] in [0] : vector<16xf32>, vector<16xi32> -> vector<16xf32>
    %lt3A_1095 = arith.constant 0 : i32
    %lt3A_1096 = vector.broadcast %lt3A_1095 : i32 to vector<16xi32>
    %lt3A_1097 = arith.cmpi slt, %broadcast_in_dim3A_162, %lt3A_1096 : vector<16xi32>
    %add3A_1098 = arith.constant 16 : i32
    %add3A_1099 = vector.broadcast %add3A_1098 : i32 to vector<16xi32>
    %add3A_1100 = arith.addi %broadcast_in_dim3A_162, %add3A_1099 : vector<16xi32>
    %select_n3A_1101 = arith.select %lt3A_1097, %add3A_1100, %broadcast_in_dim3A_162 : vector<16xi1>, vector<16xi32>
    %broadcast_in_dim3A_1102 = vector.shape_cast %select_n3A_1101 : vector<16xi32> to vector<16x1xi32>
    %gather3A_1103 = vector.shape_cast %broadcast_in_dim3A_1102 : vector<16x1xi32> to vector<16xi32>
    %gather3A_1104 = tpu.dynamic_gather %get3A_1084[%gather3A_1103] in [0] : vector<16xf32>, vector<16xi32> -> vector<16xf32>
    %mul3A_1105 = arith.mulf %get3A_1074, %gather3A_1094 : vector<16xf32>
    %mul3A_1106 = arith.mulf %get3A_1074, %gather3A_1104 : vector<16xf32>
    %add3A_1107 = arith.addf %add3A_1068, %mul3A_1105 : vector<16xf32>
    %add3A_1108 = arith.addf %add3A_1069, %mul3A_1106 : vector<16xf32>
    %get3A_1109 = arith.constant 24 : i32
    %get3A_1110 = arith.index_cast %get3A_1109 : i32 to index
    %get3A_1111 = arith.index_cast %multiple_of3A_143 : i32 to index
    %get3A_1112 = tpu.vector_load %arg11[%get3A_1110, %get3A_1111] {strides = array<i32>} : memref<64x128xf32, #tpu.memory_space<vmem>>, vector<1x16xf32>,
    %get3A_1113 = vector.shape_cast %get3A_1112 : vector<1x16xf32> to vector<16xf32>
    %get3A_1114 = arith.constant 24 : i32
    %get3A_1115 = arith.index_cast %get3A_1114 : i32 to index
    %get3A_1116 = arith.index_cast %multiple_of3A_150 : i32 to index
    %get3A_1117 = tpu.vector_load %arg9[%get3A_1115, %get3A_1116] {strides = array<i32>} : memref<64x128xf32, #tpu.memory_space<vmem>>, vector<1x16xf32>,
    %get3A_1118 = vector.shape_cast %get3A_1117 : vector<1x16xf32> to vector<16xf32>
    %get3A_1119 = arith.constant 24 : i32
    %get3A_1120 = arith.index_cast %get3A_1119 : i32 to index
    %get3A_1121 = arith.index_cast %multiple_of3A_157 : i32 to index
    %get3A_1122 = tpu.vector_load %arg10[%get3A_1120, %get3A_1121] {strides = array<i32>} : memref<64x128xf32, #tpu.memory_space<vmem>>, vector<1x16xf32>,
    %get3A_1123 = vector.shape_cast %get3A_1122 : vector<1x16xf32> to vector<16xf32>
    %lt3A_1124 = arith.constant 0 : i32
    %lt3A_1125 = vector.broadcast %lt3A_1124 : i32 to vector<16xi32>
    %lt3A_1126 = arith.cmpi slt, %broadcast_in_dim3A, %lt3A_1125 : vector<16xi32>
    %add3A_1127 = arith.constant 16 : i32
    %add3A_1128 = vector.broadcast %add3A_1127 : i32 to vector<16xi32>
    %add3A_1129 = arith.addi %broadcast_in_dim3A, %add3A_1128 : vector<16xi32>
    %select_n3A_1130 = arith.select %lt3A_1126, %add3A_1129, %broadcast_in_dim3A : vector<16xi1>, vector<16xi32>
    %broadcast_in_dim3A_1131 = vector.shape_cast %select_n3A_1130 : vector<16xi32> to vector<16x1xi32>
    %gather3A_1132 = vector.shape_cast %broadcast_in_dim3A_1131 : vector<16x1xi32> to vector<16xi32>
    %gather3A_1133 = tpu.dynamic_gather %get3A_1118[%gather3A_1132] in [0] : vector<16xf32>, vector<16xi32> -> vector<16xf32>
    %lt3A_1134 = arith.constant 0 : i32
    %lt3A_1135 = vector.broadcast %lt3A_1134 : i32 to vector<16xi32>
    %lt3A_1136 = arith.cmpi slt, %broadcast_in_dim3A_162, %lt3A_1135 : vector<16xi32>
    %add3A_1137 = arith.constant 16 : i32
    %add3A_1138 = vector.broadcast %add3A_1137 : i32 to vector<16xi32>
    %add3A_1139 = arith.addi %broadcast_in_dim3A_162, %add3A_1138 : vector<16xi32>
    %select_n3A_1140 = arith.select %lt3A_1136, %add3A_1139, %broadcast_in_dim3A_162 : vector<16xi1>, vector<16xi32>
    %broadcast_in_dim3A_1141 = vector.shape_cast %select_n3A_1140 : vector<16xi32> to vector<16x1xi32>
    %gather3A_1142 = vector.shape_cast %broadcast_in_dim3A_1141 : vector<16x1xi32> to vector<16xi32>
    %gather3A_1143 = tpu.dynamic_gather %get3A_1123[%gather3A_1142] in [0] : vector<16xf32>, vector<16xi32> -> vector<16xf32>
    %mul3A_1144 = arith.mulf %get3A_1113, %gather3A_1133 : vector<16xf32>
    %mul3A_1145 = arith.mulf %get3A_1113, %gather3A_1143 : vector<16xf32>
    %add3A_1146 = arith.addf %add3A_1107, %mul3A_1144 : vector<16xf32>
    %add3A_1147 = arith.addf %add3A_1108, %mul3A_1145 : vector<16xf32>
    %get3A_1148 = arith.constant 25 : i32
    %get3A_1149 = arith.index_cast %get3A_1148 : i32 to index
    %get3A_1150 = arith.index_cast %multiple_of3A_143 : i32 to index
    %get3A_1151 = tpu.vector_load %arg11[%get3A_1149, %get3A_1150] {strides = array<i32>} : memref<64x128xf32, #tpu.memory_space<vmem>>, vector<1x16xf32>,
    %get3A_1152 = vector.shape_cast %get3A_1151 : vector<1x16xf32> to vector<16xf32>
    %get3A_1153 = arith.constant 25 : i32
    %get3A_1154 = arith.index_cast %get3A_1153 : i32 to index
    %get3A_1155 = arith.index_cast %multiple_of3A_150 : i32 to index
    %get3A_1156 = tpu.vector_load %arg9[%get3A_1154, %get3A_1155] {strides = array<i32>} : memref<64x128xf32, #tpu.memory_space<vmem>>, vector<1x16xf32>,
    %get3A_1157 = vector.shape_cast %get3A_1156 : vector<1x16xf32> to vector<16xf32>
    %get3A_1158 = arith.constant 25 : i32
    %get3A_1159 = arith.index_cast %get3A_1158 : i32 to index
    %get3A_1160 = arith.index_cast %multiple_of3A_157 : i32 to index
    %get3A_1161 = tpu.vector_load %arg10[%get3A_1159, %get3A_1160] {strides = array<i32>} : memref<64x128xf32, #tpu.memory_space<vmem>>, vector<1x16xf32>,
    %get3A_1162 = vector.shape_cast %get3A_1161 : vector<1x16xf32> to vector<16xf32>
    %lt3A_1163 = arith.constant 0 : i32
    %lt3A_1164 = vector.broadcast %lt3A_1163 : i32 to vector<16xi32>
    %lt3A_1165 = arith.cmpi slt, %broadcast_in_dim3A, %lt3A_1164 : vector<16xi32>
    %add3A_1166 = arith.constant 16 : i32
    %add3A_1167 = vector.broadcast %add3A_1166 : i32 to vector<16xi32>
    %add3A_1168 = arith.addi %broadcast_in_dim3A, %add3A_1167 : vector<16xi32>
    %select_n3A_1169 = arith.select %lt3A_1165, %add3A_1168, %broadcast_in_dim3A : vector<16xi1>, vector<16xi32>
    %broadcast_in_dim3A_1170 = vector.shape_cast %select_n3A_1169 : vector<16xi32> to vector<16x1xi32>
    %gather3A_1171 = vector.shape_cast %broadcast_in_dim3A_1170 : vector<16x1xi32> to vector<16xi32>
    %gather3A_1172 = tpu.dynamic_gather %get3A_1157[%gather3A_1171] in [0] : vector<16xf32>, vector<16xi32> -> vector<16xf32>
    %lt3A_1173 = arith.constant 0 : i32
    %lt3A_1174 = vector.broadcast %lt3A_1173 : i32 to vector<16xi32>
    %lt3A_1175 = arith.cmpi slt, %broadcast_in_dim3A_162, %lt3A_1174 : vector<16xi32>
    %add3A_1176 = arith.constant 16 : i32
    %add3A_1177 = vector.broadcast %add3A_1176 : i32 to vector<16xi32>
    %add3A_1178 = arith.addi %broadcast_in_dim3A_162, %add3A_1177 : vector<16xi32>
    %select_n3A_1179 = arith.select %lt3A_1175, %add3A_1178, %broadcast_in_dim3A_162 : vector<16xi1>, vector<16xi32>
    %broadcast_in_dim3A_1180 = vector.shape_cast %select_n3A_1179 : vector<16xi32> to vector<16x1xi32>
    %gather3A_1181 = vector.shape_cast %broadcast_in_dim3A_1180 : vector<16x1xi32> to vector<16xi32>
    %gather3A_1182 = tpu.dynamic_gather %get3A_1162[%gather3A_1181] in [0] : vector<16xf32>, vector<16xi32> -> vector<16xf32>
    %mul3A_1183 = arith.mulf %get3A_1152, %gather3A_1172 : vector<16xf32>
    %mul3A_1184 = arith.mulf %get3A_1152, %gather3A_1182 : vector<16xf32>
    %add3A_1185 = arith.addf %add3A_1146, %mul3A_1183 : vector<16xf32>
    %add3A_1186 = arith.addf %add3A_1147, %mul3A_1184 : vector<16xf32>
    %get3A_1187 = arith.constant 26 : i32
    %get3A_1188 = arith.index_cast %get3A_1187 : i32 to index
    %get3A_1189 = arith.index_cast %multiple_of3A_143 : i32 to index
    %get3A_1190 = tpu.vector_load %arg11[%get3A_1188, %get3A_1189] {strides = array<i32>} : memref<64x128xf32, #tpu.memory_space<vmem>>, vector<1x16xf32>,
    %get3A_1191 = vector.shape_cast %get3A_1190 : vector<1x16xf32> to vector<16xf32>
    %get3A_1192 = arith.constant 26 : i32
    %get3A_1193 = arith.index_cast %get3A_1192 : i32 to index
    %get3A_1194 = arith.index_cast %multiple_of3A_150 : i32 to index
    %get3A_1195 = tpu.vector_load %arg9[%get3A_1193, %get3A_1194] {strides = array<i32>} : memref<64x128xf32, #tpu.memory_space<vmem>>, vector<1x16xf32>,
    %get3A_1196 = vector.shape_cast %get3A_1195 : vector<1x16xf32> to vector<16xf32>
    %get3A_1197 = arith.constant 26 : i32
    %get3A_1198 = arith.index_cast %get3A_1197 : i32 to index
    %get3A_1199 = arith.index_cast %multiple_of3A_157 : i32 to index
    %get3A_1200 = tpu.vector_load %arg10[%get3A_1198, %get3A_1199] {strides = array<i32>} : memref<64x128xf32, #tpu.memory_space<vmem>>, vector<1x16xf32>,
    %get3A_1201 = vector.shape_cast %get3A_1200 : vector<1x16xf32> to vector<16xf32>
    %lt3A_1202 = arith.constant 0 : i32
    %lt3A_1203 = vector.broadcast %lt3A_1202 : i32 to vector<16xi32>
    %lt3A_1204 = arith.cmpi slt, %broadcast_in_dim3A, %lt3A_1203 : vector<16xi32>
    %add3A_1205 = arith.constant 16 : i32
    %add3A_1206 = vector.broadcast %add3A_1205 : i32 to vector<16xi32>
    %add3A_1207 = arith.addi %broadcast_in_dim3A, %add3A_1206 : vector<16xi32>
    %select_n3A_1208 = arith.select %lt3A_1204, %add3A_1207, %broadcast_in_dim3A : vector<16xi1>, vector<16xi32>
    %broadcast_in_dim3A_1209 = vector.shape_cast %select_n3A_1208 : vector<16xi32> to vector<16x1xi32>
    %gather3A_1210 = vector.shape_cast %broadcast_in_dim3A_1209 : vector<16x1xi32> to vector<16xi32>
    %gather3A_1211 = tpu.dynamic_gather %get3A_1196[%gather3A_1210] in [0] : vector<16xf32>, vector<16xi32> -> vector<16xf32>
    %lt3A_1212 = arith.constant 0 : i32
    %lt3A_1213 = vector.broadcast %lt3A_1212 : i32 to vector<16xi32>
    %lt3A_1214 = arith.cmpi slt, %broadcast_in_dim3A_162, %lt3A_1213 : vector<16xi32>
    %add3A_1215 = arith.constant 16 : i32
    %add3A_1216 = vector.broadcast %add3A_1215 : i32 to vector<16xi32>
    %add3A_1217 = arith.addi %broadcast_in_dim3A_162, %add3A_1216 : vector<16xi32>
    %select_n3A_1218 = arith.select %lt3A_1214, %add3A_1217, %broadcast_in_dim3A_162 : vector<16xi1>, vector<16xi32>
    %broadcast_in_dim3A_1219 = vector.shape_cast %select_n3A_1218 : vector<16xi32> to vector<16x1xi32>
    %gather3A_1220 = vector.shape_cast %broadcast_in_dim3A_1219 : vector<16x1xi32> to vector<16xi32>
    %gather3A_1221 = tpu.dynamic_gather %get3A_1201[%gather3A_1220] in [0] : vector<16xf32>, vector<16xi32> -> vector<16xf32>
    %mul3A_1222 = arith.mulf %get3A_1191, %gather3A_1211 : vector<16xf32>
    %mul3A_1223 = arith.mulf %get3A_1191, %gather3A_1221 : vector<16xf32>
    %add3A_1224 = arith.addf %add3A_1185, %mul3A_1222 : vector<16xf32>
    %add3A_1225 = arith.addf %add3A_1186, %mul3A_1223 : vector<16xf32>
    %get3A_1226 = arith.constant 27 : i32
    %get3A_1227 = arith.index_cast %get3A_1226 : i32 to index
    %get3A_1228 = arith.index_cast %multiple_of3A_143 : i32 to index
    %get3A_1229 = tpu.vector_load %arg11[%get3A_1227, %get3A_1228] {strides = array<i32>} : memref<64x128xf32, #tpu.memory_space<vmem>>, vector<1x16xf32>,
    %get3A_1230 = vector.shape_cast %get3A_1229 : vector<1x16xf32> to vector<16xf32>
    %get3A_1231 = arith.constant 27 : i32
    %get3A_1232 = arith.index_cast %get3A_1231 : i32 to index
    %get3A_1233 = arith.index_cast %multiple_of3A_150 : i32 to index
    %get3A_1234 = tpu.vector_load %arg9[%get3A_1232, %get3A_1233] {strides = array<i32>} : memref<64x128xf32, #tpu.memory_space<vmem>>, vector<1x16xf32>,
    %get3A_1235 = vector.shape_cast %get3A_1234 : vector<1x16xf32> to vector<16xf32>
    %get3A_1236 = arith.constant 27 : i32
    %get3A_1237 = arith.index_cast %get3A_1236 : i32 to index
    %get3A_1238 = arith.index_cast %multiple_of3A_157 : i32 to index
    %get3A_1239 = tpu.vector_load %arg10[%get3A_1237, %get3A_1238] {strides = array<i32>} : memref<64x128xf32, #tpu.memory_space<vmem>>, vector<1x16xf32>,
    %get3A_1240 = vector.shape_cast %get3A_1239 : vector<1x16xf32> to vector<16xf32>
    %lt3A_1241 = arith.constant 0 : i32
    %lt3A_1242 = vector.broadcast %lt3A_1241 : i32 to vector<16xi32>
    %lt3A_1243 = arith.cmpi slt, %broadcast_in_dim3A, %lt3A_1242 : vector<16xi32>
    %add3A_1244 = arith.constant 16 : i32
    %add3A_1245 = vector.broadcast %add3A_1244 : i32 to vector<16xi32>
    %add3A_1246 = arith.addi %broadcast_in_dim3A, %add3A_1245 : vector<16xi32>
    %select_n3A_1247 = arith.select %lt3A_1243, %add3A_1246, %broadcast_in_dim3A : vector<16xi1>, vector<16xi32>
    %broadcast_in_dim3A_1248 = vector.shape_cast %select_n3A_1247 : vector<16xi32> to vector<16x1xi32>
    %gather3A_1249 = vector.shape_cast %broadcast_in_dim3A_1248 : vector<16x1xi32> to vector<16xi32>
    %gather3A_1250 = tpu.dynamic_gather %get3A_1235[%gather3A_1249] in [0] : vector<16xf32>, vector<16xi32> -> vector<16xf32>
    %lt3A_1251 = arith.constant 0 : i32
    %lt3A_1252 = vector.broadcast %lt3A_1251 : i32 to vector<16xi32>
    %lt3A_1253 = arith.cmpi slt, %broadcast_in_dim3A_162, %lt3A_1252 : vector<16xi32>
    %add3A_1254 = arith.constant 16 : i32
    %add3A_1255 = vector.broadcast %add3A_1254 : i32 to vector<16xi32>
    %add3A_1256 = arith.addi %broadcast_in_dim3A_162, %add3A_1255 : vector<16xi32>
    %select_n3A_1257 = arith.select %lt3A_1253, %add3A_1256, %broadcast_in_dim3A_162 : vector<16xi1>, vector<16xi32>
    %broadcast_in_dim3A_1258 = vector.shape_cast %select_n3A_1257 : vector<16xi32> to vector<16x1xi32>
    %gather3A_1259 = vector.shape_cast %broadcast_in_dim3A_1258 : vector<16x1xi32> to vector<16xi32>
    %gather3A_1260 = tpu.dynamic_gather %get3A_1240[%gather3A_1259] in [0] : vector<16xf32>, vector<16xi32> -> vector<16xf32>
    %mul3A_1261 = arith.mulf %get3A_1230, %gather3A_1250 : vector<16xf32>
    %mul3A_1262 = arith.mulf %get3A_1230, %gather3A_1260 : vector<16xf32>
    %add3A_1263 = arith.addf %add3A_1224, %mul3A_1261 : vector<16xf32>
    %add3A_1264 = arith.addf %add3A_1225, %mul3A_1262 : vector<16xf32>
    %get3A_1265 = arith.constant 28 : i32
    %get3A_1266 = arith.index_cast %get3A_1265 : i32 to index
    %get3A_1267 = arith.index_cast %multiple_of3A_143 : i32 to index
    %get3A_1268 = tpu.vector_load %arg11[%get3A_1266, %get3A_1267] {strides = array<i32>} : memref<64x128xf32, #tpu.memory_space<vmem>>, vector<1x16xf32>,
    %get3A_1269 = vector.shape_cast %get3A_1268 : vector<1x16xf32> to vector<16xf32>
    %get3A_1270 = arith.constant 28 : i32
    %get3A_1271 = arith.index_cast %get3A_1270 : i32 to index
    %get3A_1272 = arith.index_cast %multiple_of3A_150 : i32 to index
    %get3A_1273 = tpu.vector_load %arg9[%get3A_1271, %get3A_1272] {strides = array<i32>} : memref<64x128xf32, #tpu.memory_space<vmem>>, vector<1x16xf32>,
    %get3A_1274 = vector.shape_cast %get3A_1273 : vector<1x16xf32> to vector<16xf32>
    %get3A_1275 = arith.constant 28 : i32
    %get3A_1276 = arith.index_cast %get3A_1275 : i32 to index
    %get3A_1277 = arith.index_cast %multiple_of3A_157 : i32 to index
    %get3A_1278 = tpu.vector_load %arg10[%get3A_1276, %get3A_1277] {strides = array<i32>} : memref<64x128xf32, #tpu.memory_space<vmem>>, vector<1x16xf32>,
    %get3A_1279 = vector.shape_cast %get3A_1278 : vector<1x16xf32> to vector<16xf32>
    %lt3A_1280 = arith.constant 0 : i32
    %lt3A_1281 = vector.broadcast %lt3A_1280 : i32 to vector<16xi32>
    %lt3A_1282 = arith.cmpi slt, %broadcast_in_dim3A, %lt3A_1281 : vector<16xi32>
    %add3A_1283 = arith.constant 16 : i32
    %add3A_1284 = vector.broadcast %add3A_1283 : i32 to vector<16xi32>
    %add3A_1285 = arith.addi %broadcast_in_dim3A, %add3A_1284 : vector<16xi32>
    %select_n3A_1286 = arith.select %lt3A_1282, %add3A_1285, %broadcast_in_dim3A : vector<16xi1>, vector<16xi32>
    %broadcast_in_dim3A_1287 = vector.shape_cast %select_n3A_1286 : vector<16xi32> to vector<16x1xi32>
    %gather3A_1288 = vector.shape_cast %broadcast_in_dim3A_1287 : vector<16x1xi32> to vector<16xi32>
    %gather3A_1289 = tpu.dynamic_gather %get3A_1274[%gather3A_1288] in [0] : vector<16xf32>, vector<16xi32> -> vector<16xf32>
    %lt3A_1290 = arith.constant 0 : i32
    %lt3A_1291 = vector.broadcast %lt3A_1290 : i32 to vector<16xi32>
    %lt3A_1292 = arith.cmpi slt, %broadcast_in_dim3A_162, %lt3A_1291 : vector<16xi32>
    %add3A_1293 = arith.constant 16 : i32
    %add3A_1294 = vector.broadcast %add3A_1293 : i32 to vector<16xi32>
    %add3A_1295 = arith.addi %broadcast_in_dim3A_162, %add3A_1294 : vector<16xi32>
    %select_n3A_1296 = arith.select %lt3A_1292, %add3A_1295, %broadcast_in_dim3A_162 : vector<16xi1>, vector<16xi32>
    %broadcast_in_dim3A_1297 = vector.shape_cast %select_n3A_1296 : vector<16xi32> to vector<16x1xi32>
    %gather3A_1298 = vector.shape_cast %broadcast_in_dim3A_1297 : vector<16x1xi32> to vector<16xi32>
    %gather3A_1299 = tpu.dynamic_gather %get3A_1279[%gather3A_1298] in [0] : vector<16xf32>, vector<16xi32> -> vector<16xf32>
    %mul3A_1300 = arith.mulf %get3A_1269, %gather3A_1289 : vector<16xf32>
    %mul3A_1301 = arith.mulf %get3A_1269, %gather3A_1299 : vector<16xf32>
    %add3A_1302 = arith.addf %add3A_1263, %mul3A_1300 : vector<16xf32>
    %add3A_1303 = arith.addf %add3A_1264, %mul3A_1301 : vector<16xf32>
    %get3A_1304 = arith.constant 29 : i32
    %get3A_1305 = arith.index_cast %get3A_1304 : i32 to index
    %get3A_1306 = arith.index_cast %multiple_of3A_143 : i32 to index
    %get3A_1307 = tpu.vector_load %arg11[%get3A_1305, %get3A_1306] {strides = array<i32>} : memref<64x128xf32, #tpu.memory_space<vmem>>, vector<1x16xf32>,
    %get3A_1308 = vector.shape_cast %get3A_1307 : vector<1x16xf32> to vector<16xf32>
    %get3A_1309 = arith.constant 29 : i32
    %get3A_1310 = arith.index_cast %get3A_1309 : i32 to index
    %get3A_1311 = arith.index_cast %multiple_of3A_150 : i32 to index
    %get3A_1312 = tpu.vector_load %arg9[%get3A_1310, %get3A_1311] {strides = array<i32>} : memref<64x128xf32, #tpu.memory_space<vmem>>, vector<1x16xf32>,
    %get3A_1313 = vector.shape_cast %get3A_1312 : vector<1x16xf32> to vector<16xf32>
    %get3A_1314 = arith.constant 29 : i32
    %get3A_1315 = arith.index_cast %get3A_1314 : i32 to index
    %get3A_1316 = arith.index_cast %multiple_of3A_157 : i32 to index
    %get3A_1317 = tpu.vector_load %arg10[%get3A_1315, %get3A_1316] {strides = array<i32>} : memref<64x128xf32, #tpu.memory_space<vmem>>, vector<1x16xf32>,
    %get3A_1318 = vector.shape_cast %get3A_1317 : vector<1x16xf32> to vector<16xf32>
    %lt3A_1319 = arith.constant 0 : i32
    %lt3A_1320 = vector.broadcast %lt3A_1319 : i32 to vector<16xi32>
    %lt3A_1321 = arith.cmpi slt, %broadcast_in_dim3A, %lt3A_1320 : vector<16xi32>
    %add3A_1322 = arith.constant 16 : i32
    %add3A_1323 = vector.broadcast %add3A_1322 : i32 to vector<16xi32>
    %add3A_1324 = arith.addi %broadcast_in_dim3A, %add3A_1323 : vector<16xi32>
    %select_n3A_1325 = arith.select %lt3A_1321, %add3A_1324, %broadcast_in_dim3A : vector<16xi1>, vector<16xi32>
    %broadcast_in_dim3A_1326 = vector.shape_cast %select_n3A_1325 : vector<16xi32> to vector<16x1xi32>
    %gather3A_1327 = vector.shape_cast %broadcast_in_dim3A_1326 : vector<16x1xi32> to vector<16xi32>
    %gather3A_1328 = tpu.dynamic_gather %get3A_1313[%gather3A_1327] in [0] : vector<16xf32>, vector<16xi32> -> vector<16xf32>
    %lt3A_1329 = arith.constant 0 : i32
    %lt3A_1330 = vector.broadcast %lt3A_1329 : i32 to vector<16xi32>
    %lt3A_1331 = arith.cmpi slt, %broadcast_in_dim3A_162, %lt3A_1330 : vector<16xi32>
    %add3A_1332 = arith.constant 16 : i32
    %add3A_1333 = vector.broadcast %add3A_1332 : i32 to vector<16xi32>
    %add3A_1334 = arith.addi %broadcast_in_dim3A_162, %add3A_1333 : vector<16xi32>
    %select_n3A_1335 = arith.select %lt3A_1331, %add3A_1334, %broadcast_in_dim3A_162 : vector<16xi1>, vector<16xi32>
    %broadcast_in_dim3A_1336 = vector.shape_cast %select_n3A_1335 : vector<16xi32> to vector<16x1xi32>
    %gather3A_1337 = vector.shape_cast %broadcast_in_dim3A_1336 : vector<16x1xi32> to vector<16xi32>
    %gather3A_1338 = tpu.dynamic_gather %get3A_1318[%gather3A_1337] in [0] : vector<16xf32>, vector<16xi32> -> vector<16xf32>
    %mul3A_1339 = arith.mulf %get3A_1308, %gather3A_1328 : vector<16xf32>
    %mul3A_1340 = arith.mulf %get3A_1308, %gather3A_1338 : vector<16xf32>
    %add3A_1341 = arith.addf %add3A_1302, %mul3A_1339 : vector<16xf32>
    %add3A_1342 = arith.addf %add3A_1303, %mul3A_1340 : vector<16xf32>
    %get3A_1343 = arith.constant 30 : i32
    %get3A_1344 = arith.index_cast %get3A_1343 : i32 to index
    %get3A_1345 = arith.index_cast %multiple_of3A_143 : i32 to index
    %get3A_1346 = tpu.vector_load %arg11[%get3A_1344, %get3A_1345] {strides = array<i32>} : memref<64x128xf32, #tpu.memory_space<vmem>>, vector<1x16xf32>,
    %get3A_1347 = vector.shape_cast %get3A_1346 : vector<1x16xf32> to vector<16xf32>
    %get3A_1348 = arith.constant 30 : i32
    %get3A_1349 = arith.index_cast %get3A_1348 : i32 to index
    %get3A_1350 = arith.index_cast %multiple_of3A_150 : i32 to index
    %get3A_1351 = tpu.vector_load %arg9[%get3A_1349, %get3A_1350] {strides = array<i32>} : memref<64x128xf32, #tpu.memory_space<vmem>>, vector<1x16xf32>,
    %get3A_1352 = vector.shape_cast %get3A_1351 : vector<1x16xf32> to vector<16xf32>
    %get3A_1353 = arith.constant 30 : i32
    %get3A_1354 = arith.index_cast %get3A_1353 : i32 to index
    %get3A_1355 = arith.index_cast %multiple_of3A_157 : i32 to index
    %get3A_1356 = tpu.vector_load %arg10[%get3A_1354, %get3A_1355] {strides = array<i32>} : memref<64x128xf32, #tpu.memory_space<vmem>>, vector<1x16xf32>,
    %get3A_1357 = vector.shape_cast %get3A_1356 : vector<1x16xf32> to vector<16xf32>
    %lt3A_1358 = arith.constant 0 : i32
    %lt3A_1359 = vector.broadcast %lt3A_1358 : i32 to vector<16xi32>
    %lt3A_1360 = arith.cmpi slt, %broadcast_in_dim3A, %lt3A_1359 : vector<16xi32>
    %add3A_1361 = arith.constant 16 : i32
    %add3A_1362 = vector.broadcast %add3A_1361 : i32 to vector<16xi32>
    %add3A_1363 = arith.addi %broadcast_in_dim3A, %add3A_1362 : vector<16xi32>
    %select_n3A_1364 = arith.select %lt3A_1360, %add3A_1363, %broadcast_in_dim3A : vector<16xi1>, vector<16xi32>
    %broadcast_in_dim3A_1365 = vector.shape_cast %select_n3A_1364 : vector<16xi32> to vector<16x1xi32>
    %gather3A_1366 = vector.shape_cast %broadcast_in_dim3A_1365 : vector<16x1xi32> to vector<16xi32>
    %gather3A_1367 = tpu.dynamic_gather %get3A_1352[%gather3A_1366] in [0] : vector<16xf32>, vector<16xi32> -> vector<16xf32>
    %lt3A_1368 = arith.constant 0 : i32
    %lt3A_1369 = vector.broadcast %lt3A_1368 : i32 to vector<16xi32>
    %lt3A_1370 = arith.cmpi slt, %broadcast_in_dim3A_162, %lt3A_1369 : vector<16xi32>
    %add3A_1371 = arith.constant 16 : i32
    %add3A_1372 = vector.broadcast %add3A_1371 : i32 to vector<16xi32>
    %add3A_1373 = arith.addi %broadcast_in_dim3A_162, %add3A_1372 : vector<16xi32>
    %select_n3A_1374 = arith.select %lt3A_1370, %add3A_1373, %broadcast_in_dim3A_162 : vector<16xi1>, vector<16xi32>
    %broadcast_in_dim3A_1375 = vector.shape_cast %select_n3A_1374 : vector<16xi32> to vector<16x1xi32>
    %gather3A_1376 = vector.shape_cast %broadcast_in_dim3A_1375 : vector<16x1xi32> to vector<16xi32>
    %gather3A_1377 = tpu.dynamic_gather %get3A_1357[%gather3A_1376] in [0] : vector<16xf32>, vector<16xi32> -> vector<16xf32>
    %mul3A_1378 = arith.mulf %get3A_1347, %gather3A_1367 : vector<16xf32>
    %mul3A_1379 = arith.mulf %get3A_1347, %gather3A_1377 : vector<16xf32>
    %add3A_1380 = arith.addf %add3A_1341, %mul3A_1378 : vector<16xf32>
    %add3A_1381 = arith.addf %add3A_1342, %mul3A_1379 : vector<16xf32>
    %get3A_1382 = arith.constant 31 : i32
    %get3A_1383 = arith.index_cast %get3A_1382 : i32 to index
    %get3A_1384 = arith.index_cast %multiple_of3A_143 : i32 to index
    %get3A_1385 = tpu.vector_load %arg11[%get3A_1383, %get3A_1384] {strides = array<i32>} : memref<64x128xf32, #tpu.memory_space<vmem>>, vector<1x16xf32>,
    %get3A_1386 = vector.shape_cast %get3A_1385 : vector<1x16xf32> to vector<16xf32>
    %get3A_1387 = arith.constant 31 : i32
    %get3A_1388 = arith.index_cast %get3A_1387 : i32 to index
    %get3A_1389 = arith.index_cast %multiple_of3A_150 : i32 to index
    %get3A_1390 = tpu.vector_load %arg9[%get3A_1388, %get3A_1389] {strides = array<i32>} : memref<64x128xf32, #tpu.memory_space<vmem>>, vector<1x16xf32>,
    %get3A_1391 = vector.shape_cast %get3A_1390 : vector<1x16xf32> to vector<16xf32>
    %get3A_1392 = arith.constant 31 : i32
    %get3A_1393 = arith.index_cast %get3A_1392 : i32 to index
    %get3A_1394 = arith.index_cast %multiple_of3A_157 : i32 to index
    %get3A_1395 = tpu.vector_load %arg10[%get3A_1393, %get3A_1394] {strides = array<i32>} : memref<64x128xf32, #tpu.memory_space<vmem>>, vector<1x16xf32>,
    %get3A_1396 = vector.shape_cast %get3A_1395 : vector<1x16xf32> to vector<16xf32>
    %lt3A_1397 = arith.constant 0 : i32
    %lt3A_1398 = vector.broadcast %lt3A_1397 : i32 to vector<16xi32>
    %lt3A_1399 = arith.cmpi slt, %broadcast_in_dim3A, %lt3A_1398 : vector<16xi32>
    %add3A_1400 = arith.constant 16 : i32
    %add3A_1401 = vector.broadcast %add3A_1400 : i32 to vector<16xi32>
    %add3A_1402 = arith.addi %broadcast_in_dim3A, %add3A_1401 : vector<16xi32>
    %select_n3A_1403 = arith.select %lt3A_1399, %add3A_1402, %broadcast_in_dim3A : vector<16xi1>, vector<16xi32>
    %broadcast_in_dim3A_1404 = vector.shape_cast %select_n3A_1403 : vector<16xi32> to vector<16x1xi32>
    %gather3A_1405 = vector.shape_cast %broadcast_in_dim3A_1404 : vector<16x1xi32> to vector<16xi32>
    %gather3A_1406 = tpu.dynamic_gather %get3A_1391[%gather3A_1405] in [0] : vector<16xf32>, vector<16xi32> -> vector<16xf32>
    %lt3A_1407 = arith.constant 0 : i32
    %lt3A_1408 = vector.broadcast %lt3A_1407 : i32 to vector<16xi32>
    %lt3A_1409 = arith.cmpi slt, %broadcast_in_dim3A_162, %lt3A_1408 : vector<16xi32>
    %add3A_1410 = arith.constant 16 : i32
    %add3A_1411 = vector.broadcast %add3A_1410 : i32 to vector<16xi32>
    %add3A_1412 = arith.addi %broadcast_in_dim3A_162, %add3A_1411 : vector<16xi32>
    %select_n3A_1413 = arith.select %lt3A_1409, %add3A_1412, %broadcast_in_dim3A_162 : vector<16xi1>, vector<16xi32>
    %broadcast_in_dim3A_1414 = vector.shape_cast %select_n3A_1413 : vector<16xi32> to vector<16x1xi32>
    %gather3A_1415 = vector.shape_cast %broadcast_in_dim3A_1414 : vector<16x1xi32> to vector<16xi32>
    %gather3A_1416 = tpu.dynamic_gather %get3A_1396[%gather3A_1415] in [0] : vector<16xf32>, vector<16xi32> -> vector<16xf32>
    %mul3A_1417 = arith.mulf %get3A_1386, %gather3A_1406 : vector<16xf32>
    %mul3A_1418 = arith.mulf %get3A_1386, %gather3A_1416 : vector<16xf32>
    %add3A_1419 = arith.addf %add3A_1380, %mul3A_1417 : vector<16xf32>
    %add3A_1420 = arith.addf %add3A_1381, %mul3A_1418 : vector<16xf32>
    %get3A_1421 = arith.constant 32 : i32
    %get3A_1422 = arith.index_cast %get3A_1421 : i32 to index
    %get3A_1423 = arith.index_cast %multiple_of3A_143 : i32 to index
    %get3A_1424 = tpu.vector_load %arg11[%get3A_1422, %get3A_1423] {strides = array<i32>} : memref<64x128xf32, #tpu.memory_space<vmem>>, vector<1x16xf32>,
    %get3A_1425 = vector.shape_cast %get3A_1424 : vector<1x16xf32> to vector<16xf32>
    %get3A_1426 = arith.constant 32 : i32
    %get3A_1427 = arith.index_cast %get3A_1426 : i32 to index
    %get3A_1428 = arith.index_cast %multiple_of3A_150 : i32 to index
    %get3A_1429 = tpu.vector_load %arg9[%get3A_1427, %get3A_1428] {strides = array<i32>} : memref<64x128xf32, #tpu.memory_space<vmem>>, vector<1x16xf32>,
    %get3A_1430 = vector.shape_cast %get3A_1429 : vector<1x16xf32> to vector<16xf32>
    %get3A_1431 = arith.constant 32 : i32
    %get3A_1432 = arith.index_cast %get3A_1431 : i32 to index
    %get3A_1433 = arith.index_cast %multiple_of3A_157 : i32 to index
    %get3A_1434 = tpu.vector_load %arg10[%get3A_1432, %get3A_1433] {strides = array<i32>} : memref<64x128xf32, #tpu.memory_space<vmem>>, vector<1x16xf32>,
    %get3A_1435 = vector.shape_cast %get3A_1434 : vector<1x16xf32> to vector<16xf32>
    %lt3A_1436 = arith.constant 0 : i32
    %lt3A_1437 = vector.broadcast %lt3A_1436 : i32 to vector<16xi32>
    %lt3A_1438 = arith.cmpi slt, %broadcast_in_dim3A, %lt3A_1437 : vector<16xi32>
    %add3A_1439 = arith.constant 16 : i32
    %add3A_1440 = vector.broadcast %add3A_1439 : i32 to vector<16xi32>
    %add3A_1441 = arith.addi %broadcast_in_dim3A, %add3A_1440 : vector<16xi32>
    %select_n3A_1442 = arith.select %lt3A_1438, %add3A_1441, %broadcast_in_dim3A : vector<16xi1>, vector<16xi32>
    %broadcast_in_dim3A_1443 = vector.shape_cast %select_n3A_1442 : vector<16xi32> to vector<16x1xi32>
    %gather3A_1444 = vector.shape_cast %broadcast_in_dim3A_1443 : vector<16x1xi32> to vector<16xi32>
    %gather3A_1445 = tpu.dynamic_gather %get3A_1430[%gather3A_1444] in [0] : vector<16xf32>, vector<16xi32> -> vector<16xf32>
    %lt3A_1446 = arith.constant 0 : i32
    %lt3A_1447 = vector.broadcast %lt3A_1446 : i32 to vector<16xi32>
    %lt3A_1448 = arith.cmpi slt, %broadcast_in_dim3A_162, %lt3A_1447 : vector<16xi32>
    %add3A_1449 = arith.constant 16 : i32
    %add3A_1450 = vector.broadcast %add3A_1449 : i32 to vector<16xi32>
    %add3A_1451 = arith.addi %broadcast_in_dim3A_162, %add3A_1450 : vector<16xi32>
    %select_n3A_1452 = arith.select %lt3A_1448, %add3A_1451, %broadcast_in_dim3A_162 : vector<16xi1>, vector<16xi32>
    %broadcast_in_dim3A_1453 = vector.shape_cast %select_n3A_1452 : vector<16xi32> to vector<16x1xi32>
    %gather3A_1454 = vector.shape_cast %broadcast_in_dim3A_1453 : vector<16x1xi32> to vector<16xi32>
    %gather3A_1455 = tpu.dynamic_gather %get3A_1435[%gather3A_1454] in [0] : vector<16xf32>, vector<16xi32> -> vector<16xf32>
    %mul3A_1456 = arith.mulf %get3A_1425, %gather3A_1445 : vector<16xf32>
    %mul3A_1457 = arith.mulf %get3A_1425, %gather3A_1455 : vector<16xf32>
    %add3A_1458 = arith.addf %add3A_1419, %mul3A_1456 : vector<16xf32>
    %add3A_1459 = arith.addf %add3A_1420, %mul3A_1457 : vector<16xf32>
    %get3A_1460 = arith.constant 33 : i32
    %get3A_1461 = arith.index_cast %get3A_1460 : i32 to index
    %get3A_1462 = arith.index_cast %multiple_of3A_143 : i32 to index
    %get3A_1463 = tpu.vector_load %arg11[%get3A_1461, %get3A_1462] {strides = array<i32>} : memref<64x128xf32, #tpu.memory_space<vmem>>, vector<1x16xf32>,
    %get3A_1464 = vector.shape_cast %get3A_1463 : vector<1x16xf32> to vector<16xf32>
    %get3A_1465 = arith.constant 33 : i32
    %get3A_1466 = arith.index_cast %get3A_1465 : i32 to index
    %get3A_1467 = arith.index_cast %multiple_of3A_150 : i32 to index
    %get3A_1468 = tpu.vector_load %arg9[%get3A_1466, %get3A_1467] {strides = array<i32>} : memref<64x128xf32, #tpu.memory_space<vmem>>, vector<1x16xf32>,
    %get3A_1469 = vector.shape_cast %get3A_1468 : vector<1x16xf32> to vector<16xf32>
    %get3A_1470 = arith.constant 33 : i32
    %get3A_1471 = arith.index_cast %get3A_1470 : i32 to index
    %get3A_1472 = arith.index_cast %multiple_of3A_157 : i32 to index
    %get3A_1473 = tpu.vector_load %arg10[%get3A_1471, %get3A_1472] {strides = array<i32>} : memref<64x128xf32, #tpu.memory_space<vmem>>, vector<1x16xf32>,
    %get3A_1474 = vector.shape_cast %get3A_1473 : vector<1x16xf32> to vector<16xf32>
    %lt3A_1475 = arith.constant 0 : i32
    %lt3A_1476 = vector.broadcast %lt3A_1475 : i32 to vector<16xi32>
    %lt3A_1477 = arith.cmpi slt, %broadcast_in_dim3A, %lt3A_1476 : vector<16xi32>
    %add3A_1478 = arith.constant 16 : i32
    %add3A_1479 = vector.broadcast %add3A_1478 : i32 to vector<16xi32>
    %add3A_1480 = arith.addi %broadcast_in_dim3A, %add3A_1479 : vector<16xi32>
    %select_n3A_1481 = arith.select %lt3A_1477, %add3A_1480, %broadcast_in_dim3A : vector<16xi1>, vector<16xi32>
    %broadcast_in_dim3A_1482 = vector.shape_cast %select_n3A_1481 : vector<16xi32> to vector<16x1xi32>
    %gather3A_1483 = vector.shape_cast %broadcast_in_dim3A_1482 : vector<16x1xi32> to vector<16xi32>
    %gather3A_1484 = tpu.dynamic_gather %get3A_1469[%gather3A_1483] in [0] : vector<16xf32>, vector<16xi32> -> vector<16xf32>
    %lt3A_1485 = arith.constant 0 : i32
    %lt3A_1486 = vector.broadcast %lt3A_1485 : i32 to vector<16xi32>
    %lt3A_1487 = arith.cmpi slt, %broadcast_in_dim3A_162, %lt3A_1486 : vector<16xi32>
    %add3A_1488 = arith.constant 16 : i32
    %add3A_1489 = vector.broadcast %add3A_1488 : i32 to vector<16xi32>
    %add3A_1490 = arith.addi %broadcast_in_dim3A_162, %add3A_1489 : vector<16xi32>
    %select_n3A_1491 = arith.select %lt3A_1487, %add3A_1490, %broadcast_in_dim3A_162 : vector<16xi1>, vector<16xi32>
    %broadcast_in_dim3A_1492 = vector.shape_cast %select_n3A_1491 : vector<16xi32> to vector<16x1xi32>
    %gather3A_1493 = vector.shape_cast %broadcast_in_dim3A_1492 : vector<16x1xi32> to vector<16xi32>
    %gather3A_1494 = tpu.dynamic_gather %get3A_1474[%gather3A_1493] in [0] : vector<16xf32>, vector<16xi32> -> vector<16xf32>
    %mul3A_1495 = arith.mulf %get3A_1464, %gather3A_1484 : vector<16xf32>
    %mul3A_1496 = arith.mulf %get3A_1464, %gather3A_1494 : vector<16xf32>
    %add3A_1497 = arith.addf %add3A_1458, %mul3A_1495 : vector<16xf32>
    %add3A_1498 = arith.addf %add3A_1459, %mul3A_1496 : vector<16xf32>
    %get3A_1499 = arith.constant 34 : i32
    %get3A_1500 = arith.index_cast %get3A_1499 : i32 to index
    %get3A_1501 = arith.index_cast %multiple_of3A_143 : i32 to index
    %get3A_1502 = tpu.vector_load %arg11[%get3A_1500, %get3A_1501] {strides = array<i32>} : memref<64x128xf32, #tpu.memory_space<vmem>>, vector<1x16xf32>,
    %get3A_1503 = vector.shape_cast %get3A_1502 : vector<1x16xf32> to vector<16xf32>
    %get3A_1504 = arith.constant 34 : i32
    %get3A_1505 = arith.index_cast %get3A_1504 : i32 to index
    %get3A_1506 = arith.index_cast %multiple_of3A_150 : i32 to index
    %get3A_1507 = tpu.vector_load %arg9[%get3A_1505, %get3A_1506] {strides = array<i32>} : memref<64x128xf32, #tpu.memory_space<vmem>>, vector<1x16xf32>,
    %get3A_1508 = vector.shape_cast %get3A_1507 : vector<1x16xf32> to vector<16xf32>
    %get3A_1509 = arith.constant 34 : i32
    %get3A_1510 = arith.index_cast %get3A_1509 : i32 to index
    %get3A_1511 = arith.index_cast %multiple_of3A_157 : i32 to index
    %get3A_1512 = tpu.vector_load %arg10[%get3A_1510, %get3A_1511] {strides = array<i32>} : memref<64x128xf32, #tpu.memory_space<vmem>>, vector<1x16xf32>,
    %get3A_1513 = vector.shape_cast %get3A_1512 : vector<1x16xf32> to vector<16xf32>
    %lt3A_1514 = arith.constant 0 : i32
    %lt3A_1515 = vector.broadcast %lt3A_1514 : i32 to vector<16xi32>
    %lt3A_1516 = arith.cmpi slt, %broadcast_in_dim3A, %lt3A_1515 : vector<16xi32>
    %add3A_1517 = arith.constant 16 : i32
    %add3A_1518 = vector.broadcast %add3A_1517 : i32 to vector<16xi32>
    %add3A_1519 = arith.addi %broadcast_in_dim3A, %add3A_1518 : vector<16xi32>
    %select_n3A_1520 = arith.select %lt3A_1516, %add3A_1519, %broadcast_in_dim3A : vector<16xi1>, vector<16xi32>
    %broadcast_in_dim3A_1521 = vector.shape_cast %select_n3A_1520 : vector<16xi32> to vector<16x1xi32>
    %gather3A_1522 = vector.shape_cast %broadcast_in_dim3A_1521 : vector<16x1xi32> to vector<16xi32>
    %gather3A_1523 = tpu.dynamic_gather %get3A_1508[%gather3A_1522] in [0] : vector<16xf32>, vector<16xi32> -> vector<16xf32>
    %lt3A_1524 = arith.constant 0 : i32
    %lt3A_1525 = vector.broadcast %lt3A_1524 : i32 to vector<16xi32>
    %lt3A_1526 = arith.cmpi slt, %broadcast_in_dim3A_162, %lt3A_1525 : vector<16xi32>
    %add3A_1527 = arith.constant 16 : i32
    %add3A_1528 = vector.broadcast %add3A_1527 : i32 to vector<16xi32>
    %add3A_1529 = arith.addi %broadcast_in_dim3A_162, %add3A_1528 : vector<16xi32>
    %select_n3A_1530 = arith.select %lt3A_1526, %add3A_1529, %broadcast_in_dim3A_162 : vector<16xi1>, vector<16xi32>
    %broadcast_in_dim3A_1531 = vector.shape_cast %select_n3A_1530 : vector<16xi32> to vector<16x1xi32>
    %gather3A_1532 = vector.shape_cast %broadcast_in_dim3A_1531 : vector<16x1xi32> to vector<16xi32>
    %gather3A_1533 = tpu.dynamic_gather %get3A_1513[%gather3A_1532] in [0] : vector<16xf32>, vector<16xi32> -> vector<16xf32>
    %mul3A_1534 = arith.mulf %get3A_1503, %gather3A_1523 : vector<16xf32>
    %mul3A_1535 = arith.mulf %get3A_1503, %gather3A_1533 : vector<16xf32>
    %add3A_1536 = arith.addf %add3A_1497, %mul3A_1534 : vector<16xf32>
    %add3A_1537 = arith.addf %add3A_1498, %mul3A_1535 : vector<16xf32>
    %get3A_1538 = arith.constant 35 : i32
    %get3A_1539 = arith.index_cast %get3A_1538 : i32 to index
    %get3A_1540 = arith.index_cast %multiple_of3A_143 : i32 to index
    %get3A_1541 = tpu.vector_load %arg11[%get3A_1539, %get3A_1540] {strides = array<i32>} : memref<64x128xf32, #tpu.memory_space<vmem>>, vector<1x16xf32>,
    %get3A_1542 = vector.shape_cast %get3A_1541 : vector<1x16xf32> to vector<16xf32>
    %get3A_1543 = arith.constant 35 : i32
    %get3A_1544 = arith.index_cast %get3A_1543 : i32 to index
    %get3A_1545 = arith.index_cast %multiple_of3A_150 : i32 to index
    %get3A_1546 = tpu.vector_load %arg9[%get3A_1544, %get3A_1545] {strides = array<i32>} : memref<64x128xf32, #tpu.memory_space<vmem>>, vector<1x16xf32>,
    %get3A_1547 = vector.shape_cast %get3A_1546 : vector<1x16xf32> to vector<16xf32>
    %get3A_1548 = arith.constant 35 : i32
    %get3A_1549 = arith.index_cast %get3A_1548 : i32 to index
    %get3A_1550 = arith.index_cast %multiple_of3A_157 : i32 to index
    %get3A_1551 = tpu.vector_load %arg10[%get3A_1549, %get3A_1550] {strides = array<i32>} : memref<64x128xf32, #tpu.memory_space<vmem>>, vector<1x16xf32>,
    %get3A_1552 = vector.shape_cast %get3A_1551 : vector<1x16xf32> to vector<16xf32>
    %lt3A_1553 = arith.constant 0 : i32
    %lt3A_1554 = vector.broadcast %lt3A_1553 : i32 to vector<16xi32>
    %lt3A_1555 = arith.cmpi slt, %broadcast_in_dim3A, %lt3A_1554 : vector<16xi32>
    %add3A_1556 = arith.constant 16 : i32
    %add3A_1557 = vector.broadcast %add3A_1556 : i32 to vector<16xi32>
    %add3A_1558 = arith.addi %broadcast_in_dim3A, %add3A_1557 : vector<16xi32>
    %select_n3A_1559 = arith.select %lt3A_1555, %add3A_1558, %broadcast_in_dim3A : vector<16xi1>, vector<16xi32>
    %broadcast_in_dim3A_1560 = vector.shape_cast %select_n3A_1559 : vector<16xi32> to vector<16x1xi32>
    %gather3A_1561 = vector.shape_cast %broadcast_in_dim3A_1560 : vector<16x1xi32> to vector<16xi32>
    %gather3A_1562 = tpu.dynamic_gather %get3A_1547[%gather3A_1561] in [0] : vector<16xf32>, vector<16xi32> -> vector<16xf32>
    %lt3A_1563 = arith.constant 0 : i32
    %lt3A_1564 = vector.broadcast %lt3A_1563 : i32 to vector<16xi32>
    %lt3A_1565 = arith.cmpi slt, %broadcast_in_dim3A_162, %lt3A_1564 : vector<16xi32>
    %add3A_1566 = arith.constant 16 : i32
    %add3A_1567 = vector.broadcast %add3A_1566 : i32 to vector<16xi32>
    %add3A_1568 = arith.addi %broadcast_in_dim3A_162, %add3A_1567 : vector<16xi32>
    %select_n3A_1569 = arith.select %lt3A_1565, %add3A_1568, %broadcast_in_dim3A_162 : vector<16xi1>, vector<16xi32>
    %broadcast_in_dim3A_1570 = vector.shape_cast %select_n3A_1569 : vector<16xi32> to vector<16x1xi32>
    %gather3A_1571 = vector.shape_cast %broadcast_in_dim3A_1570 : vector<16x1xi32> to vector<16xi32>
    %gather3A_1572 = tpu.dynamic_gather %get3A_1552[%gather3A_1571] in [0] : vector<16xf32>, vector<16xi32> -> vector<16xf32>
    %mul3A_1573 = arith.mulf %get3A_1542, %gather3A_1562 : vector<16xf32>
    %mul3A_1574 = arith.mulf %get3A_1542, %gather3A_1572 : vector<16xf32>
    %add3A_1575 = arith.addf %add3A_1536, %mul3A_1573 : vector<16xf32>
    %add3A_1576 = arith.addf %add3A_1537, %mul3A_1574 : vector<16xf32>
    %get3A_1577 = arith.constant 36 : i32
    %get3A_1578 = arith.index_cast %get3A_1577 : i32 to index
    %get3A_1579 = arith.index_cast %multiple_of3A_143 : i32 to index
    %get3A_1580 = tpu.vector_load %arg11[%get3A_1578, %get3A_1579] {strides = array<i32>} : memref<64x128xf32, #tpu.memory_space<vmem>>, vector<1x16xf32>,
    %get3A_1581 = vector.shape_cast %get3A_1580 : vector<1x16xf32> to vector<16xf32>
    %get3A_1582 = arith.constant 36 : i32
    %get3A_1583 = arith.index_cast %get3A_1582 : i32 to index
    %get3A_1584 = arith.index_cast %multiple_of3A_150 : i32 to index
    %get3A_1585 = tpu.vector_load %arg9[%get3A_1583, %get3A_1584] {strides = array<i32>} : memref<64x128xf32, #tpu.memory_space<vmem>>, vector<1x16xf32>,
    %get3A_1586 = vector.shape_cast %get3A_1585 : vector<1x16xf32> to vector<16xf32>
    %get3A_1587 = arith.constant 36 : i32
    %get3A_1588 = arith.index_cast %get3A_1587 : i32 to index
    %get3A_1589 = arith.index_cast %multiple_of3A_157 : i32 to index
    %get3A_1590 = tpu.vector_load %arg10[%get3A_1588, %get3A_1589] {strides = array<i32>} : memref<64x128xf32, #tpu.memory_space<vmem>>, vector<1x16xf32>,
    %get3A_1591 = vector.shape_cast %get3A_1590 : vector<1x16xf32> to vector<16xf32>
    %lt3A_1592 = arith.constant 0 : i32
    %lt3A_1593 = vector.broadcast %lt3A_1592 : i32 to vector<16xi32>
    %lt3A_1594 = arith.cmpi slt, %broadcast_in_dim3A, %lt3A_1593 : vector<16xi32>
    %add3A_1595 = arith.constant 16 : i32
    %add3A_1596 = vector.broadcast %add3A_1595 : i32 to vector<16xi32>
    %add3A_1597 = arith.addi %broadcast_in_dim3A, %add3A_1596 : vector<16xi32>
    %select_n3A_1598 = arith.select %lt3A_1594, %add3A_1597, %broadcast_in_dim3A : vector<16xi1>, vector<16xi32>
    %broadcast_in_dim3A_1599 = vector.shape_cast %select_n3A_1598 : vector<16xi32> to vector<16x1xi32>
    %gather3A_1600 = vector.shape_cast %broadcast_in_dim3A_1599 : vector<16x1xi32> to vector<16xi32>
    %gather3A_1601 = tpu.dynamic_gather %get3A_1586[%gather3A_1600] in [0] : vector<16xf32>, vector<16xi32> -> vector<16xf32>
    %lt3A_1602 = arith.constant 0 : i32
    %lt3A_1603 = vector.broadcast %lt3A_1602 : i32 to vector<16xi32>
    %lt3A_1604 = arith.cmpi slt, %broadcast_in_dim3A_162, %lt3A_1603 : vector<16xi32>
    %add3A_1605 = arith.constant 16 : i32
    %add3A_1606 = vector.broadcast %add3A_1605 : i32 to vector<16xi32>
    %add3A_1607 = arith.addi %broadcast_in_dim3A_162, %add3A_1606 : vector<16xi32>
    %select_n3A_1608 = arith.select %lt3A_1604, %add3A_1607, %broadcast_in_dim3A_162 : vector<16xi1>, vector<16xi32>
    %broadcast_in_dim3A_1609 = vector.shape_cast %select_n3A_1608 : vector<16xi32> to vector<16x1xi32>
    %gather3A_1610 = vector.shape_cast %broadcast_in_dim3A_1609 : vector<16x1xi32> to vector<16xi32>
    %gather3A_1611 = tpu.dynamic_gather %get3A_1591[%gather3A_1610] in [0] : vector<16xf32>, vector<16xi32> -> vector<16xf32>
    %mul3A_1612 = arith.mulf %get3A_1581, %gather3A_1601 : vector<16xf32>
    %mul3A_1613 = arith.mulf %get3A_1581, %gather3A_1611 : vector<16xf32>
    %add3A_1614 = arith.addf %add3A_1575, %mul3A_1612 : vector<16xf32>
    %add3A_1615 = arith.addf %add3A_1576, %mul3A_1613 : vector<16xf32>
    %get3A_1616 = arith.constant 37 : i32
    %get3A_1617 = arith.index_cast %get3A_1616 : i32 to index
    %get3A_1618 = arith.index_cast %multiple_of3A_143 : i32 to index
    %get3A_1619 = tpu.vector_load %arg11[%get3A_1617, %get3A_1618] {strides = array<i32>} : memref<64x128xf32, #tpu.memory_space<vmem>>, vector<1x16xf32>,
    %get3A_1620 = vector.shape_cast %get3A_1619 : vector<1x16xf32> to vector<16xf32>
    %get3A_1621 = arith.constant 37 : i32
    %get3A_1622 = arith.index_cast %get3A_1621 : i32 to index
    %get3A_1623 = arith.index_cast %multiple_of3A_150 : i32 to index
    %get3A_1624 = tpu.vector_load %arg9[%get3A_1622, %get3A_1623] {strides = array<i32>} : memref<64x128xf32, #tpu.memory_space<vmem>>, vector<1x16xf32>,
    %get3A_1625 = vector.shape_cast %get3A_1624 : vector<1x16xf32> to vector<16xf32>
    %get3A_1626 = arith.constant 37 : i32
    %get3A_1627 = arith.index_cast %get3A_1626 : i32 to index
    %get3A_1628 = arith.index_cast %multiple_of3A_157 : i32 to index
    %get3A_1629 = tpu.vector_load %arg10[%get3A_1627, %get3A_1628] {strides = array<i32>} : memref<64x128xf32, #tpu.memory_space<vmem>>, vector<1x16xf32>,
    %get3A_1630 = vector.shape_cast %get3A_1629 : vector<1x16xf32> to vector<16xf32>
    %lt3A_1631 = arith.constant 0 : i32
    %lt3A_1632 = vector.broadcast %lt3A_1631 : i32 to vector<16xi32>
    %lt3A_1633 = arith.cmpi slt, %broadcast_in_dim3A, %lt3A_1632 : vector<16xi32>
    %add3A_1634 = arith.constant 16 : i32
    %add3A_1635 = vector.broadcast %add3A_1634 : i32 to vector<16xi32>
    %add3A_1636 = arith.addi %broadcast_in_dim3A, %add3A_1635 : vector<16xi32>
    %select_n3A_1637 = arith.select %lt3A_1633, %add3A_1636, %broadcast_in_dim3A : vector<16xi1>, vector<16xi32>
    %broadcast_in_dim3A_1638 = vector.shape_cast %select_n3A_1637 : vector<16xi32> to vector<16x1xi32>
    %gather3A_1639 = vector.shape_cast %broadcast_in_dim3A_1638 : vector<16x1xi32> to vector<16xi32>
    %gather3A_1640 = tpu.dynamic_gather %get3A_1625[%gather3A_1639] in [0] : vector<16xf32>, vector<16xi32> -> vector<16xf32>
    %lt3A_1641 = arith.constant 0 : i32
    %lt3A_1642 = vector.broadcast %lt3A_1641 : i32 to vector<16xi32>
    %lt3A_1643 = arith.cmpi slt, %broadcast_in_dim3A_162, %lt3A_1642 : vector<16xi32>
    %add3A_1644 = arith.constant 16 : i32
    %add3A_1645 = vector.broadcast %add3A_1644 : i32 to vector<16xi32>
    %add3A_1646 = arith.addi %broadcast_in_dim3A_162, %add3A_1645 : vector<16xi32>
    %select_n3A_1647 = arith.select %lt3A_1643, %add3A_1646, %broadcast_in_dim3A_162 : vector<16xi1>, vector<16xi32>
    %broadcast_in_dim3A_1648 = vector.shape_cast %select_n3A_1647 : vector<16xi32> to vector<16x1xi32>
    %gather3A_1649 = vector.shape_cast %broadcast_in_dim3A_1648 : vector<16x1xi32> to vector<16xi32>
    %gather3A_1650 = tpu.dynamic_gather %get3A_1630[%gather3A_1649] in [0] : vector<16xf32>, vector<16xi32> -> vector<16xf32>
    %mul3A_1651 = arith.mulf %get3A_1620, %gather3A_1640 : vector<16xf32>
    %mul3A_1652 = arith.mulf %get3A_1620, %gather3A_1650 : vector<16xf32>
    %add3A_1653 = arith.addf %add3A_1614, %mul3A_1651 : vector<16xf32>
    %add3A_1654 = arith.addf %add3A_1615, %mul3A_1652 : vector<16xf32>
    %get3A_1655 = arith.constant 38 : i32
    %get3A_1656 = arith.index_cast %get3A_1655 : i32 to index
    %get3A_1657 = arith.index_cast %multiple_of3A_143 : i32 to index
    %get3A_1658 = tpu.vector_load %arg11[%get3A_1656, %get3A_1657] {strides = array<i32>} : memref<64x128xf32, #tpu.memory_space<vmem>>, vector<1x16xf32>,
    %get3A_1659 = vector.shape_cast %get3A_1658 : vector<1x16xf32> to vector<16xf32>
    %get3A_1660 = arith.constant 38 : i32
    %get3A_1661 = arith.index_cast %get3A_1660 : i32 to index
    %get3A_1662 = arith.index_cast %multiple_of3A_150 : i32 to index
    %get3A_1663 = tpu.vector_load %arg9[%get3A_1661, %get3A_1662] {strides = array<i32>} : memref<64x128xf32, #tpu.memory_space<vmem>>, vector<1x16xf32>,
    %get3A_1664 = vector.shape_cast %get3A_1663 : vector<1x16xf32> to vector<16xf32>
    %get3A_1665 = arith.constant 38 : i32
    %get3A_1666 = arith.index_cast %get3A_1665 : i32 to index
    %get3A_1667 = arith.index_cast %multiple_of3A_157 : i32 to index
    %get3A_1668 = tpu.vector_load %arg10[%get3A_1666, %get3A_1667] {strides = array<i32>} : memref<64x128xf32, #tpu.memory_space<vmem>>, vector<1x16xf32>,
    %get3A_1669 = vector.shape_cast %get3A_1668 : vector<1x16xf32> to vector<16xf32>
    %lt3A_1670 = arith.constant 0 : i32
    %lt3A_1671 = vector.broadcast %lt3A_1670 : i32 to vector<16xi32>
    %lt3A_1672 = arith.cmpi slt, %broadcast_in_dim3A, %lt3A_1671 : vector<16xi32>
    %add3A_1673 = arith.constant 16 : i32
    %add3A_1674 = vector.broadcast %add3A_1673 : i32 to vector<16xi32>
    %add3A_1675 = arith.addi %broadcast_in_dim3A, %add3A_1674 : vector<16xi32>
    %select_n3A_1676 = arith.select %lt3A_1672, %add3A_1675, %broadcast_in_dim3A : vector<16xi1>, vector<16xi32>
    %broadcast_in_dim3A_1677 = vector.shape_cast %select_n3A_1676 : vector<16xi32> to vector<16x1xi32>
    %gather3A_1678 = vector.shape_cast %broadcast_in_dim3A_1677 : vector<16x1xi32> to vector<16xi32>
    %gather3A_1679 = tpu.dynamic_gather %get3A_1664[%gather3A_1678] in [0] : vector<16xf32>, vector<16xi32> -> vector<16xf32>
    %lt3A_1680 = arith.constant 0 : i32
    %lt3A_1681 = vector.broadcast %lt3A_1680 : i32 to vector<16xi32>
    %lt3A_1682 = arith.cmpi slt, %broadcast_in_dim3A_162, %lt3A_1681 : vector<16xi32>
    %add3A_1683 = arith.constant 16 : i32
    %add3A_1684 = vector.broadcast %add3A_1683 : i32 to vector<16xi32>
    %add3A_1685 = arith.addi %broadcast_in_dim3A_162, %add3A_1684 : vector<16xi32>
    %select_n3A_1686 = arith.select %lt3A_1682, %add3A_1685, %broadcast_in_dim3A_162 : vector<16xi1>, vector<16xi32>
    %broadcast_in_dim3A_1687 = vector.shape_cast %select_n3A_1686 : vector<16xi32> to vector<16x1xi32>
    %gather3A_1688 = vector.shape_cast %broadcast_in_dim3A_1687 : vector<16x1xi32> to vector<16xi32>
    %gather3A_1689 = tpu.dynamic_gather %get3A_1669[%gather3A_1688] in [0] : vector<16xf32>, vector<16xi32> -> vector<16xf32>
    %mul3A_1690 = arith.mulf %get3A_1659, %gather3A_1679 : vector<16xf32>
    %mul3A_1691 = arith.mulf %get3A_1659, %gather3A_1689 : vector<16xf32>
    %add3A_1692 = arith.addf %add3A_1653, %mul3A_1690 : vector<16xf32>
    %add3A_1693 = arith.addf %add3A_1654, %mul3A_1691 : vector<16xf32>
    %get3A_1694 = arith.constant 39 : i32
    %get3A_1695 = arith.index_cast %get3A_1694 : i32 to index
    %get3A_1696 = arith.index_cast %multiple_of3A_143 : i32 to index
    %get3A_1697 = tpu.vector_load %arg11[%get3A_1695, %get3A_1696] {strides = array<i32>} : memref<64x128xf32, #tpu.memory_space<vmem>>, vector<1x16xf32>,
    %get3A_1698 = vector.shape_cast %get3A_1697 : vector<1x16xf32> to vector<16xf32>
    %get3A_1699 = arith.constant 39 : i32
    %get3A_1700 = arith.index_cast %get3A_1699 : i32 to index
    %get3A_1701 = arith.index_cast %multiple_of3A_150 : i32 to index
    %get3A_1702 = tpu.vector_load %arg9[%get3A_1700, %get3A_1701] {strides = array<i32>} : memref<64x128xf32, #tpu.memory_space<vmem>>, vector<1x16xf32>,
    %get3A_1703 = vector.shape_cast %get3A_1702 : vector<1x16xf32> to vector<16xf32>
    %get3A_1704 = arith.constant 39 : i32
    %get3A_1705 = arith.index_cast %get3A_1704 : i32 to index
    %get3A_1706 = arith.index_cast %multiple_of3A_157 : i32 to index
    %get3A_1707 = tpu.vector_load %arg10[%get3A_1705, %get3A_1706] {strides = array<i32>} : memref<64x128xf32, #tpu.memory_space<vmem>>, vector<1x16xf32>,
    %get3A_1708 = vector.shape_cast %get3A_1707 : vector<1x16xf32> to vector<16xf32>
    %lt3A_1709 = arith.constant 0 : i32
    %lt3A_1710 = vector.broadcast %lt3A_1709 : i32 to vector<16xi32>
    %lt3A_1711 = arith.cmpi slt, %broadcast_in_dim3A, %lt3A_1710 : vector<16xi32>
    %add3A_1712 = arith.constant 16 : i32
    %add3A_1713 = vector.broadcast %add3A_1712 : i32 to vector<16xi32>
    %add3A_1714 = arith.addi %broadcast_in_dim3A, %add3A_1713 : vector<16xi32>
    %select_n3A_1715 = arith.select %lt3A_1711, %add3A_1714, %broadcast_in_dim3A : vector<16xi1>, vector<16xi32>
    %broadcast_in_dim3A_1716 = vector.shape_cast %select_n3A_1715 : vector<16xi32> to vector<16x1xi32>
    %gather3A_1717 = vector.shape_cast %broadcast_in_dim3A_1716 : vector<16x1xi32> to vector<16xi32>
    %gather3A_1718 = tpu.dynamic_gather %get3A_1703[%gather3A_1717] in [0] : vector<16xf32>, vector<16xi32> -> vector<16xf32>
    %lt3A_1719 = arith.constant 0 : i32
    %lt3A_1720 = vector.broadcast %lt3A_1719 : i32 to vector<16xi32>
    %lt3A_1721 = arith.cmpi slt, %broadcast_in_dim3A_162, %lt3A_1720 : vector<16xi32>
    %add3A_1722 = arith.constant 16 : i32
    %add3A_1723 = vector.broadcast %add3A_1722 : i32 to vector<16xi32>
    %add3A_1724 = arith.addi %broadcast_in_dim3A_162, %add3A_1723 : vector<16xi32>
    %select_n3A_1725 = arith.select %lt3A_1721, %add3A_1724, %broadcast_in_dim3A_162 : vector<16xi1>, vector<16xi32>
    %broadcast_in_dim3A_1726 = vector.shape_cast %select_n3A_1725 : vector<16xi32> to vector<16x1xi32>
    %gather3A_1727 = vector.shape_cast %broadcast_in_dim3A_1726 : vector<16x1xi32> to vector<16xi32>
    %gather3A_1728 = tpu.dynamic_gather %get3A_1708[%gather3A_1727] in [0] : vector<16xf32>, vector<16xi32> -> vector<16xf32>
    %mul3A_1729 = arith.mulf %get3A_1698, %gather3A_1718 : vector<16xf32>
    %mul3A_1730 = arith.mulf %get3A_1698, %gather3A_1728 : vector<16xf32>
    %add3A_1731 = arith.addf %add3A_1692, %mul3A_1729 : vector<16xf32>
    %add3A_1732 = arith.addf %add3A_1693, %mul3A_1730 : vector<16xf32>
    %get3A_1733 = arith.constant 40 : i32
    %get3A_1734 = arith.index_cast %get3A_1733 : i32 to index
    %get3A_1735 = arith.index_cast %multiple_of3A_143 : i32 to index
    %get3A_1736 = tpu.vector_load %arg11[%get3A_1734, %get3A_1735] {strides = array<i32>} : memref<64x128xf32, #tpu.memory_space<vmem>>, vector<1x16xf32>,
    %get3A_1737 = vector.shape_cast %get3A_1736 : vector<1x16xf32> to vector<16xf32>
    %get3A_1738 = arith.constant 40 : i32
    %get3A_1739 = arith.index_cast %get3A_1738 : i32 to index
    %get3A_1740 = arith.index_cast %multiple_of3A_150 : i32 to index
    %get3A_1741 = tpu.vector_load %arg9[%get3A_1739, %get3A_1740] {strides = array<i32>} : memref<64x128xf32, #tpu.memory_space<vmem>>, vector<1x16xf32>,
    %get3A_1742 = vector.shape_cast %get3A_1741 : vector<1x16xf32> to vector<16xf32>
    %get3A_1743 = arith.constant 40 : i32
    %get3A_1744 = arith.index_cast %get3A_1743 : i32 to index
    %get3A_1745 = arith.index_cast %multiple_of3A_157 : i32 to index
    %get3A_1746 = tpu.vector_load %arg10[%get3A_1744, %get3A_1745] {strides = array<i32>} : memref<64x128xf32, #tpu.memory_space<vmem>>, vector<1x16xf32>,
    %get3A_1747 = vector.shape_cast %get3A_1746 : vector<1x16xf32> to vector<16xf32>
    %lt3A_1748 = arith.constant 0 : i32
    %lt3A_1749 = vector.broadcast %lt3A_1748 : i32 to vector<16xi32>
    %lt3A_1750 = arith.cmpi slt, %broadcast_in_dim3A, %lt3A_1749 : vector<16xi32>
    %add3A_1751 = arith.constant 16 : i32
    %add3A_1752 = vector.broadcast %add3A_1751 : i32 to vector<16xi32>
    %add3A_1753 = arith.addi %broadcast_in_dim3A, %add3A_1752 : vector<16xi32>
    %select_n3A_1754 = arith.select %lt3A_1750, %add3A_1753, %broadcast_in_dim3A : vector<16xi1>, vector<16xi32>
    %broadcast_in_dim3A_1755 = vector.shape_cast %select_n3A_1754 : vector<16xi32> to vector<16x1xi32>
    %gather3A_1756 = vector.shape_cast %broadcast_in_dim3A_1755 : vector<16x1xi32> to vector<16xi32>
    %gather3A_1757 = tpu.dynamic_gather %get3A_1742[%gather3A_1756] in [0] : vector<16xf32>, vector<16xi32> -> vector<16xf32>
    %lt3A_1758 = arith.constant 0 : i32
    %lt3A_1759 = vector.broadcast %lt3A_1758 : i32 to vector<16xi32>
    %lt3A_1760 = arith.cmpi slt, %broadcast_in_dim3A_162, %lt3A_1759 : vector<16xi32>
    %add3A_1761 = arith.constant 16 : i32
    %add3A_1762 = vector.broadcast %add3A_1761 : i32 to vector<16xi32>
    %add3A_1763 = arith.addi %broadcast_in_dim3A_162, %add3A_1762 : vector<16xi32>
    %select_n3A_1764 = arith.select %lt3A_1760, %add3A_1763, %broadcast_in_dim3A_162 : vector<16xi1>, vector<16xi32>
    %broadcast_in_dim3A_1765 = vector.shape_cast %select_n3A_1764 : vector<16xi32> to vector<16x1xi32>
    %gather3A_1766 = vector.shape_cast %broadcast_in_dim3A_1765 : vector<16x1xi32> to vector<16xi32>
    %gather3A_1767 = tpu.dynamic_gather %get3A_1747[%gather3A_1766] in [0] : vector<16xf32>, vector<16xi32> -> vector<16xf32>
    %mul3A_1768 = arith.mulf %get3A_1737, %gather3A_1757 : vector<16xf32>
    %mul3A_1769 = arith.mulf %get3A_1737, %gather3A_1767 : vector<16xf32>
    %add3A_1770 = arith.addf %add3A_1731, %mul3A_1768 : vector<16xf32>
    %add3A_1771 = arith.addf %add3A_1732, %mul3A_1769 : vector<16xf32>
    %get3A_1772 = arith.constant 41 : i32
    %get3A_1773 = arith.index_cast %get3A_1772 : i32 to index
    %get3A_1774 = arith.index_cast %multiple_of3A_143 : i32 to index
    %get3A_1775 = tpu.vector_load %arg11[%get3A_1773, %get3A_1774] {strides = array<i32>} : memref<64x128xf32, #tpu.memory_space<vmem>>, vector<1x16xf32>,
    %get3A_1776 = vector.shape_cast %get3A_1775 : vector<1x16xf32> to vector<16xf32>
    %get3A_1777 = arith.constant 41 : i32
    %get3A_1778 = arith.index_cast %get3A_1777 : i32 to index
    %get3A_1779 = arith.index_cast %multiple_of3A_150 : i32 to index
    %get3A_1780 = tpu.vector_load %arg9[%get3A_1778, %get3A_1779] {strides = array<i32>} : memref<64x128xf32, #tpu.memory_space<vmem>>, vector<1x16xf32>,
    %get3A_1781 = vector.shape_cast %get3A_1780 : vector<1x16xf32> to vector<16xf32>
    %get3A_1782 = arith.constant 41 : i32
    %get3A_1783 = arith.index_cast %get3A_1782 : i32 to index
    %get3A_1784 = arith.index_cast %multiple_of3A_157 : i32 to index
    %get3A_1785 = tpu.vector_load %arg10[%get3A_1783, %get3A_1784] {strides = array<i32>} : memref<64x128xf32, #tpu.memory_space<vmem>>, vector<1x16xf32>,
    %get3A_1786 = vector.shape_cast %get3A_1785 : vector<1x16xf32> to vector<16xf32>
    %lt3A_1787 = arith.constant 0 : i32
    %lt3A_1788 = vector.broadcast %lt3A_1787 : i32 to vector<16xi32>
    %lt3A_1789 = arith.cmpi slt, %broadcast_in_dim3A, %lt3A_1788 : vector<16xi32>
    %add3A_1790 = arith.constant 16 : i32
    %add3A_1791 = vector.broadcast %add3A_1790 : i32 to vector<16xi32>
    %add3A_1792 = arith.addi %broadcast_in_dim3A, %add3A_1791 : vector<16xi32>
    %select_n3A_1793 = arith.select %lt3A_1789, %add3A_1792, %broadcast_in_dim3A : vector<16xi1>, vector<16xi32>
    %broadcast_in_dim3A_1794 = vector.shape_cast %select_n3A_1793 : vector<16xi32> to vector<16x1xi32>
    %gather3A_1795 = vector.shape_cast %broadcast_in_dim3A_1794 : vector<16x1xi32> to vector<16xi32>
    %gather3A_1796 = tpu.dynamic_gather %get3A_1781[%gather3A_1795] in [0] : vector<16xf32>, vector<16xi32> -> vector<16xf32>
    %lt3A_1797 = arith.constant 0 : i32
    %lt3A_1798 = vector.broadcast %lt3A_1797 : i32 to vector<16xi32>
    %lt3A_1799 = arith.cmpi slt, %broadcast_in_dim3A_162, %lt3A_1798 : vector<16xi32>
    %add3A_1800 = arith.constant 16 : i32
    %add3A_1801 = vector.broadcast %add3A_1800 : i32 to vector<16xi32>
    %add3A_1802 = arith.addi %broadcast_in_dim3A_162, %add3A_1801 : vector<16xi32>
    %select_n3A_1803 = arith.select %lt3A_1799, %add3A_1802, %broadcast_in_dim3A_162 : vector<16xi1>, vector<16xi32>
    %broadcast_in_dim3A_1804 = vector.shape_cast %select_n3A_1803 : vector<16xi32> to vector<16x1xi32>
    %gather3A_1805 = vector.shape_cast %broadcast_in_dim3A_1804 : vector<16x1xi32> to vector<16xi32>
    %gather3A_1806 = tpu.dynamic_gather %get3A_1786[%gather3A_1805] in [0] : vector<16xf32>, vector<16xi32> -> vector<16xf32>
    %mul3A_1807 = arith.mulf %get3A_1776, %gather3A_1796 : vector<16xf32>
    %mul3A_1808 = arith.mulf %get3A_1776, %gather3A_1806 : vector<16xf32>
    %add3A_1809 = arith.addf %add3A_1770, %mul3A_1807 : vector<16xf32>
    %add3A_1810 = arith.addf %add3A_1771, %mul3A_1808 : vector<16xf32>
    %get3A_1811 = arith.constant 42 : i32
    %get3A_1812 = arith.index_cast %get3A_1811 : i32 to index
    %get3A_1813 = arith.index_cast %multiple_of3A_143 : i32 to index
    %get3A_1814 = tpu.vector_load %arg11[%get3A_1812, %get3A_1813] {strides = array<i32>} : memref<64x128xf32, #tpu.memory_space<vmem>>, vector<1x16xf32>,
    %get3A_1815 = vector.shape_cast %get3A_1814 : vector<1x16xf32> to vector<16xf32>
    %get3A_1816 = arith.constant 42 : i32
    %get3A_1817 = arith.index_cast %get3A_1816 : i32 to index
    %get3A_1818 = arith.index_cast %multiple_of3A_150 : i32 to index
    %get3A_1819 = tpu.vector_load %arg9[%get3A_1817, %get3A_1818] {strides = array<i32>} : memref<64x128xf32, #tpu.memory_space<vmem>>, vector<1x16xf32>,
    %get3A_1820 = vector.shape_cast %get3A_1819 : vector<1x16xf32> to vector<16xf32>
    %get3A_1821 = arith.constant 42 : i32
    %get3A_1822 = arith.index_cast %get3A_1821 : i32 to index
    %get3A_1823 = arith.index_cast %multiple_of3A_157 : i32 to index
    %get3A_1824 = tpu.vector_load %arg10[%get3A_1822, %get3A_1823] {strides = array<i32>} : memref<64x128xf32, #tpu.memory_space<vmem>>, vector<1x16xf32>,
    %get3A_1825 = vector.shape_cast %get3A_1824 : vector<1x16xf32> to vector<16xf32>
    %lt3A_1826 = arith.constant 0 : i32
    %lt3A_1827 = vector.broadcast %lt3A_1826 : i32 to vector<16xi32>
    %lt3A_1828 = arith.cmpi slt, %broadcast_in_dim3A, %lt3A_1827 : vector<16xi32>
    %add3A_1829 = arith.constant 16 : i32
    %add3A_1830 = vector.broadcast %add3A_1829 : i32 to vector<16xi32>
    %add3A_1831 = arith.addi %broadcast_in_dim3A, %add3A_1830 : vector<16xi32>
    %select_n3A_1832 = arith.select %lt3A_1828, %add3A_1831, %broadcast_in_dim3A : vector<16xi1>, vector<16xi32>
    %broadcast_in_dim3A_1833 = vector.shape_cast %select_n3A_1832 : vector<16xi32> to vector<16x1xi32>
    %gather3A_1834 = vector.shape_cast %broadcast_in_dim3A_1833 : vector<16x1xi32> to vector<16xi32>
    %gather3A_1835 = tpu.dynamic_gather %get3A_1820[%gather3A_1834] in [0] : vector<16xf32>, vector<16xi32> -> vector<16xf32>
    %lt3A_1836 = arith.constant 0 : i32
    %lt3A_1837 = vector.broadcast %lt3A_1836 : i32 to vector<16xi32>
    %lt3A_1838 = arith.cmpi slt, %broadcast_in_dim3A_162, %lt3A_1837 : vector<16xi32>
    %add3A_1839 = arith.constant 16 : i32
    %add3A_1840 = vector.broadcast %add3A_1839 : i32 to vector<16xi32>
    %add3A_1841 = arith.addi %broadcast_in_dim3A_162, %add3A_1840 : vector<16xi32>
    %select_n3A_1842 = arith.select %lt3A_1838, %add3A_1841, %broadcast_in_dim3A_162 : vector<16xi1>, vector<16xi32>
    %broadcast_in_dim3A_1843 = vector.shape_cast %select_n3A_1842 : vector<16xi32> to vector<16x1xi32>
    %gather3A_1844 = vector.shape_cast %broadcast_in_dim3A_1843 : vector<16x1xi32> to vector<16xi32>
    %gather3A_1845 = tpu.dynamic_gather %get3A_1825[%gather3A_1844] in [0] : vector<16xf32>, vector<16xi32> -> vector<16xf32>
    %mul3A_1846 = arith.mulf %get3A_1815, %gather3A_1835 : vector<16xf32>
    %mul3A_1847 = arith.mulf %get3A_1815, %gather3A_1845 : vector<16xf32>
    %add3A_1848 = arith.addf %add3A_1809, %mul3A_1846 : vector<16xf32>
    %add3A_1849 = arith.addf %add3A_1810, %mul3A_1847 : vector<16xf32>
    %get3A_1850 = arith.constant 43 : i32
    %get3A_1851 = arith.index_cast %get3A_1850 : i32 to index
    %get3A_1852 = arith.index_cast %multiple_of3A_143 : i32 to index
    %get3A_1853 = tpu.vector_load %arg11[%get3A_1851, %get3A_1852] {strides = array<i32>} : memref<64x128xf32, #tpu.memory_space<vmem>>, vector<1x16xf32>,
    %get3A_1854 = vector.shape_cast %get3A_1853 : vector<1x16xf32> to vector<16xf32>
    %get3A_1855 = arith.constant 43 : i32
    %get3A_1856 = arith.index_cast %get3A_1855 : i32 to index
    %get3A_1857 = arith.index_cast %multiple_of3A_150 : i32 to index
    %get3A_1858 = tpu.vector_load %arg9[%get3A_1856, %get3A_1857] {strides = array<i32>} : memref<64x128xf32, #tpu.memory_space<vmem>>, vector<1x16xf32>,
    %get3A_1859 = vector.shape_cast %get3A_1858 : vector<1x16xf32> to vector<16xf32>
    %get3A_1860 = arith.constant 43 : i32
    %get3A_1861 = arith.index_cast %get3A_1860 : i32 to index
    %get3A_1862 = arith.index_cast %multiple_of3A_157 : i32 to index
    %get3A_1863 = tpu.vector_load %arg10[%get3A_1861, %get3A_1862] {strides = array<i32>} : memref<64x128xf32, #tpu.memory_space<vmem>>, vector<1x16xf32>,
    %get3A_1864 = vector.shape_cast %get3A_1863 : vector<1x16xf32> to vector<16xf32>
    %lt3A_1865 = arith.constant 0 : i32
    %lt3A_1866 = vector.broadcast %lt3A_1865 : i32 to vector<16xi32>
    %lt3A_1867 = arith.cmpi slt, %broadcast_in_dim3A, %lt3A_1866 : vector<16xi32>
    %add3A_1868 = arith.constant 16 : i32
    %add3A_1869 = vector.broadcast %add3A_1868 : i32 to vector<16xi32>
    %add3A_1870 = arith.addi %broadcast_in_dim3A, %add3A_1869 : vector<16xi32>
    %select_n3A_1871 = arith.select %lt3A_1867, %add3A_1870, %broadcast_in_dim3A : vector<16xi1>, vector<16xi32>
    %broadcast_in_dim3A_1872 = vector.shape_cast %select_n3A_1871 : vector<16xi32> to vector<16x1xi32>
    %gather3A_1873 = vector.shape_cast %broadcast_in_dim3A_1872 : vector<16x1xi32> to vector<16xi32>
    %gather3A_1874 = tpu.dynamic_gather %get3A_1859[%gather3A_1873] in [0] : vector<16xf32>, vector<16xi32> -> vector<16xf32>
    %lt3A_1875 = arith.constant 0 : i32
    %lt3A_1876 = vector.broadcast %lt3A_1875 : i32 to vector<16xi32>
    %lt3A_1877 = arith.cmpi slt, %broadcast_in_dim3A_162, %lt3A_1876 : vector<16xi32>
    %add3A_1878 = arith.constant 16 : i32
    %add3A_1879 = vector.broadcast %add3A_1878 : i32 to vector<16xi32>
    %add3A_1880 = arith.addi %broadcast_in_dim3A_162, %add3A_1879 : vector<16xi32>
    %select_n3A_1881 = arith.select %lt3A_1877, %add3A_1880, %broadcast_in_dim3A_162 : vector<16xi1>, vector<16xi32>
    %broadcast_in_dim3A_1882 = vector.shape_cast %select_n3A_1881 : vector<16xi32> to vector<16x1xi32>
    %gather3A_1883 = vector.shape_cast %broadcast_in_dim3A_1882 : vector<16x1xi32> to vector<16xi32>
    %gather3A_1884 = tpu.dynamic_gather %get3A_1864[%gather3A_1883] in [0] : vector<16xf32>, vector<16xi32> -> vector<16xf32>
    %mul3A_1885 = arith.mulf %get3A_1854, %gather3A_1874 : vector<16xf32>
    %mul3A_1886 = arith.mulf %get3A_1854, %gather3A_1884 : vector<16xf32>
    %add3A_1887 = arith.addf %add3A_1848, %mul3A_1885 : vector<16xf32>
    %add3A_1888 = arith.addf %add3A_1849, %mul3A_1886 : vector<16xf32>
    %get3A_1889 = arith.constant 44 : i32
    %get3A_1890 = arith.index_cast %get3A_1889 : i32 to index
    %get3A_1891 = arith.index_cast %multiple_of3A_143 : i32 to index
    %get3A_1892 = tpu.vector_load %arg11[%get3A_1890, %get3A_1891] {strides = array<i32>} : memref<64x128xf32, #tpu.memory_space<vmem>>, vector<1x16xf32>,
    %get3A_1893 = vector.shape_cast %get3A_1892 : vector<1x16xf32> to vector<16xf32>
    %get3A_1894 = arith.constant 44 : i32
    %get3A_1895 = arith.index_cast %get3A_1894 : i32 to index
    %get3A_1896 = arith.index_cast %multiple_of3A_150 : i32 to index
    %get3A_1897 = tpu.vector_load %arg9[%get3A_1895, %get3A_1896] {strides = array<i32>} : memref<64x128xf32, #tpu.memory_space<vmem>>, vector<1x16xf32>,
    %get3A_1898 = vector.shape_cast %get3A_1897 : vector<1x16xf32> to vector<16xf32>
    %get3A_1899 = arith.constant 44 : i32
    %get3A_1900 = arith.index_cast %get3A_1899 : i32 to index
    %get3A_1901 = arith.index_cast %multiple_of3A_157 : i32 to index
    %get3A_1902 = tpu.vector_load %arg10[%get3A_1900, %get3A_1901] {strides = array<i32>} : memref<64x128xf32, #tpu.memory_space<vmem>>, vector<1x16xf32>,
    %get3A_1903 = vector.shape_cast %get3A_1902 : vector<1x16xf32> to vector<16xf32>
    %lt3A_1904 = arith.constant 0 : i32
    %lt3A_1905 = vector.broadcast %lt3A_1904 : i32 to vector<16xi32>
    %lt3A_1906 = arith.cmpi slt, %broadcast_in_dim3A, %lt3A_1905 : vector<16xi32>
    %add3A_1907 = arith.constant 16 : i32
    %add3A_1908 = vector.broadcast %add3A_1907 : i32 to vector<16xi32>
    %add3A_1909 = arith.addi %broadcast_in_dim3A, %add3A_1908 : vector<16xi32>
    %select_n3A_1910 = arith.select %lt3A_1906, %add3A_1909, %broadcast_in_dim3A : vector<16xi1>, vector<16xi32>
    %broadcast_in_dim3A_1911 = vector.shape_cast %select_n3A_1910 : vector<16xi32> to vector<16x1xi32>
    %gather3A_1912 = vector.shape_cast %broadcast_in_dim3A_1911 : vector<16x1xi32> to vector<16xi32>
    %gather3A_1913 = tpu.dynamic_gather %get3A_1898[%gather3A_1912] in [0] : vector<16xf32>, vector<16xi32> -> vector<16xf32>
    %lt3A_1914 = arith.constant 0 : i32
    %lt3A_1915 = vector.broadcast %lt3A_1914 : i32 to vector<16xi32>
    %lt3A_1916 = arith.cmpi slt, %broadcast_in_dim3A_162, %lt3A_1915 : vector<16xi32>
    %add3A_1917 = arith.constant 16 : i32
    %add3A_1918 = vector.broadcast %add3A_1917 : i32 to vector<16xi32>
    %add3A_1919 = arith.addi %broadcast_in_dim3A_162, %add3A_1918 : vector<16xi32>
    %select_n3A_1920 = arith.select %lt3A_1916, %add3A_1919, %broadcast_in_dim3A_162 : vector<16xi1>, vector<16xi32>
    %broadcast_in_dim3A_1921 = vector.shape_cast %select_n3A_1920 : vector<16xi32> to vector<16x1xi32>
    %gather3A_1922 = vector.shape_cast %broadcast_in_dim3A_1921 : vector<16x1xi32> to vector<16xi32>
    %gather3A_1923 = tpu.dynamic_gather %get3A_1903[%gather3A_1922] in [0] : vector<16xf32>, vector<16xi32> -> vector<16xf32>
    %mul3A_1924 = arith.mulf %get3A_1893, %gather3A_1913 : vector<16xf32>
    %mul3A_1925 = arith.mulf %get3A_1893, %gather3A_1923 : vector<16xf32>
    %add3A_1926 = arith.addf %add3A_1887, %mul3A_1924 : vector<16xf32>
    %add3A_1927 = arith.addf %add3A_1888, %mul3A_1925 : vector<16xf32>
    %get3A_1928 = arith.constant 45 : i32
    %get3A_1929 = arith.index_cast %get3A_1928 : i32 to index
    %get3A_1930 = arith.index_cast %multiple_of3A_143 : i32 to index
    %get3A_1931 = tpu.vector_load %arg11[%get3A_1929, %get3A_1930] {strides = array<i32>} : memref<64x128xf32, #tpu.memory_space<vmem>>, vector<1x16xf32>,
    %get3A_1932 = vector.shape_cast %get3A_1931 : vector<1x16xf32> to vector<16xf32>
    %get3A_1933 = arith.constant 45 : i32
    %get3A_1934 = arith.index_cast %get3A_1933 : i32 to index
    %get3A_1935 = arith.index_cast %multiple_of3A_150 : i32 to index
    %get3A_1936 = tpu.vector_load %arg9[%get3A_1934, %get3A_1935] {strides = array<i32>} : memref<64x128xf32, #tpu.memory_space<vmem>>, vector<1x16xf32>,
    %get3A_1937 = vector.shape_cast %get3A_1936 : vector<1x16xf32> to vector<16xf32>
    %get3A_1938 = arith.constant 45 : i32
    %get3A_1939 = arith.index_cast %get3A_1938 : i32 to index
    %get3A_1940 = arith.index_cast %multiple_of3A_157 : i32 to index
    %get3A_1941 = tpu.vector_load %arg10[%get3A_1939, %get3A_1940] {strides = array<i32>} : memref<64x128xf32, #tpu.memory_space<vmem>>, vector<1x16xf32>,
    %get3A_1942 = vector.shape_cast %get3A_1941 : vector<1x16xf32> to vector<16xf32>
    %lt3A_1943 = arith.constant 0 : i32
    %lt3A_1944 = vector.broadcast %lt3A_1943 : i32 to vector<16xi32>
    %lt3A_1945 = arith.cmpi slt, %broadcast_in_dim3A, %lt3A_1944 : vector<16xi32>
    %add3A_1946 = arith.constant 16 : i32
    %add3A_1947 = vector.broadcast %add3A_1946 : i32 to vector<16xi32>
    %add3A_1948 = arith.addi %broadcast_in_dim3A, %add3A_1947 : vector<16xi32>
    %select_n3A_1949 = arith.select %lt3A_1945, %add3A_1948, %broadcast_in_dim3A : vector<16xi1>, vector<16xi32>
    %broadcast_in_dim3A_1950 = vector.shape_cast %select_n3A_1949 : vector<16xi32> to vector<16x1xi32>
    %gather3A_1951 = vector.shape_cast %broadcast_in_dim3A_1950 : vector<16x1xi32> to vector<16xi32>
    %gather3A_1952 = tpu.dynamic_gather %get3A_1937[%gather3A_1951] in [0] : vector<16xf32>, vector<16xi32> -> vector<16xf32>
    %lt3A_1953 = arith.constant 0 : i32
    %lt3A_1954 = vector.broadcast %lt3A_1953 : i32 to vector<16xi32>
    %lt3A_1955 = arith.cmpi slt, %broadcast_in_dim3A_162, %lt3A_1954 : vector<16xi32>
    %add3A_1956 = arith.constant 16 : i32
    %add3A_1957 = vector.broadcast %add3A_1956 : i32 to vector<16xi32>
    %add3A_1958 = arith.addi %broadcast_in_dim3A_162, %add3A_1957 : vector<16xi32>
    %select_n3A_1959 = arith.select %lt3A_1955, %add3A_1958, %broadcast_in_dim3A_162 : vector<16xi1>, vector<16xi32>
    %broadcast_in_dim3A_1960 = vector.shape_cast %select_n3A_1959 : vector<16xi32> to vector<16x1xi32>
    %gather3A_1961 = vector.shape_cast %broadcast_in_dim3A_1960 : vector<16x1xi32> to vector<16xi32>
    %gather3A_1962 = tpu.dynamic_gather %get3A_1942[%gather3A_1961] in [0] : vector<16xf32>, vector<16xi32> -> vector<16xf32>
    %mul3A_1963 = arith.mulf %get3A_1932, %gather3A_1952 : vector<16xf32>
    %mul3A_1964 = arith.mulf %get3A_1932, %gather3A_1962 : vector<16xf32>
    %add3A_1965 = arith.addf %add3A_1926, %mul3A_1963 : vector<16xf32>
    %add3A_1966 = arith.addf %add3A_1927, %mul3A_1964 : vector<16xf32>
    %get3A_1967 = arith.constant 46 : i32
    %get3A_1968 = arith.index_cast %get3A_1967 : i32 to index
    %get3A_1969 = arith.index_cast %multiple_of3A_143 : i32 to index
    %get3A_1970 = tpu.vector_load %arg11[%get3A_1968, %get3A_1969] {strides = array<i32>} : memref<64x128xf32, #tpu.memory_space<vmem>>, vector<1x16xf32>,
    %get3A_1971 = vector.shape_cast %get3A_1970 : vector<1x16xf32> to vector<16xf32>
    %get3A_1972 = arith.constant 46 : i32
    %get3A_1973 = arith.index_cast %get3A_1972 : i32 to index
    %get3A_1974 = arith.index_cast %multiple_of3A_150 : i32 to index
    %get3A_1975 = tpu.vector_load %arg9[%get3A_1973, %get3A_1974] {strides = array<i32>} : memref<64x128xf32, #tpu.memory_space<vmem>>, vector<1x16xf32>,
    %get3A_1976 = vector.shape_cast %get3A_1975 : vector<1x16xf32> to vector<16xf32>
    %get3A_1977 = arith.constant 46 : i32
    %get3A_1978 = arith.index_cast %get3A_1977 : i32 to index
    %get3A_1979 = arith.index_cast %multiple_of3A_157 : i32 to index
    %get3A_1980 = tpu.vector_load %arg10[%get3A_1978, %get3A_1979] {strides = array<i32>} : memref<64x128xf32, #tpu.memory_space<vmem>>, vector<1x16xf32>,
    %get3A_1981 = vector.shape_cast %get3A_1980 : vector<1x16xf32> to vector<16xf32>
    %lt3A_1982 = arith.constant 0 : i32
    %lt3A_1983 = vector.broadcast %lt3A_1982 : i32 to vector<16xi32>
    %lt3A_1984 = arith.cmpi slt, %broadcast_in_dim3A, %lt3A_1983 : vector<16xi32>
    %add3A_1985 = arith.constant 16 : i32
    %add3A_1986 = vector.broadcast %add3A_1985 : i32 to vector<16xi32>
    %add3A_1987 = arith.addi %broadcast_in_dim3A, %add3A_1986 : vector<16xi32>
    %select_n3A_1988 = arith.select %lt3A_1984, %add3A_1987, %broadcast_in_dim3A : vector<16xi1>, vector<16xi32>
    %broadcast_in_dim3A_1989 = vector.shape_cast %select_n3A_1988 : vector<16xi32> to vector<16x1xi32>
    %gather3A_1990 = vector.shape_cast %broadcast_in_dim3A_1989 : vector<16x1xi32> to vector<16xi32>
    %gather3A_1991 = tpu.dynamic_gather %get3A_1976[%gather3A_1990] in [0] : vector<16xf32>, vector<16xi32> -> vector<16xf32>
    %lt3A_1992 = arith.constant 0 : i32
    %lt3A_1993 = vector.broadcast %lt3A_1992 : i32 to vector<16xi32>
    %lt3A_1994 = arith.cmpi slt, %broadcast_in_dim3A_162, %lt3A_1993 : vector<16xi32>
    %add3A_1995 = arith.constant 16 : i32
    %add3A_1996 = vector.broadcast %add3A_1995 : i32 to vector<16xi32>
    %add3A_1997 = arith.addi %broadcast_in_dim3A_162, %add3A_1996 : vector<16xi32>
    %select_n3A_1998 = arith.select %lt3A_1994, %add3A_1997, %broadcast_in_dim3A_162 : vector<16xi1>, vector<16xi32>
    %broadcast_in_dim3A_1999 = vector.shape_cast %select_n3A_1998 : vector<16xi32> to vector<16x1xi32>
    %gather3A_2000 = vector.shape_cast %broadcast_in_dim3A_1999 : vector<16x1xi32> to vector<16xi32>
    %gather3A_2001 = tpu.dynamic_gather %get3A_1981[%gather3A_2000] in [0] : vector<16xf32>, vector<16xi32> -> vector<16xf32>
    %mul3A_2002 = arith.mulf %get3A_1971, %gather3A_1991 : vector<16xf32>
    %mul3A_2003 = arith.mulf %get3A_1971, %gather3A_2001 : vector<16xf32>
    %add3A_2004 = arith.addf %add3A_1965, %mul3A_2002 : vector<16xf32>
    %add3A_2005 = arith.addf %add3A_1966, %mul3A_2003 : vector<16xf32>
    %get3A_2006 = arith.constant 47 : i32
    %get3A_2007 = arith.index_cast %get3A_2006 : i32 to index
    %get3A_2008 = arith.index_cast %multiple_of3A_143 : i32 to index
    %get3A_2009 = tpu.vector_load %arg11[%get3A_2007, %get3A_2008] {strides = array<i32>} : memref<64x128xf32, #tpu.memory_space<vmem>>, vector<1x16xf32>,
    %get3A_2010 = vector.shape_cast %get3A_2009 : vector<1x16xf32> to vector<16xf32>
    %get3A_2011 = arith.constant 47 : i32
    %get3A_2012 = arith.index_cast %get3A_2011 : i32 to index
    %get3A_2013 = arith.index_cast %multiple_of3A_150 : i32 to index
    %get3A_2014 = tpu.vector_load %arg9[%get3A_2012, %get3A_2013] {strides = array<i32>} : memref<64x128xf32, #tpu.memory_space<vmem>>, vector<1x16xf32>,
    %get3A_2015 = vector.shape_cast %get3A_2014 : vector<1x16xf32> to vector<16xf32>
    %get3A_2016 = arith.constant 47 : i32
    %get3A_2017 = arith.index_cast %get3A_2016 : i32 to index
    %get3A_2018 = arith.index_cast %multiple_of3A_157 : i32 to index
    %get3A_2019 = tpu.vector_load %arg10[%get3A_2017, %get3A_2018] {strides = array<i32>} : memref<64x128xf32, #tpu.memory_space<vmem>>, vector<1x16xf32>,
    %get3A_2020 = vector.shape_cast %get3A_2019 : vector<1x16xf32> to vector<16xf32>
    %lt3A_2021 = arith.constant 0 : i32
    %lt3A_2022 = vector.broadcast %lt3A_2021 : i32 to vector<16xi32>
    %lt3A_2023 = arith.cmpi slt, %broadcast_in_dim3A, %lt3A_2022 : vector<16xi32>
    %add3A_2024 = arith.constant 16 : i32
    %add3A_2025 = vector.broadcast %add3A_2024 : i32 to vector<16xi32>
    %add3A_2026 = arith.addi %broadcast_in_dim3A, %add3A_2025 : vector<16xi32>
    %select_n3A_2027 = arith.select %lt3A_2023, %add3A_2026, %broadcast_in_dim3A : vector<16xi1>, vector<16xi32>
    %broadcast_in_dim3A_2028 = vector.shape_cast %select_n3A_2027 : vector<16xi32> to vector<16x1xi32>
    %gather3A_2029 = vector.shape_cast %broadcast_in_dim3A_2028 : vector<16x1xi32> to vector<16xi32>
    %gather3A_2030 = tpu.dynamic_gather %get3A_2015[%gather3A_2029] in [0] : vector<16xf32>, vector<16xi32> -> vector<16xf32>
    %lt3A_2031 = arith.constant 0 : i32
    %lt3A_2032 = vector.broadcast %lt3A_2031 : i32 to vector<16xi32>
    %lt3A_2033 = arith.cmpi slt, %broadcast_in_dim3A_162, %lt3A_2032 : vector<16xi32>
    %add3A_2034 = arith.constant 16 : i32
    %add3A_2035 = vector.broadcast %add3A_2034 : i32 to vector<16xi32>
    %add3A_2036 = arith.addi %broadcast_in_dim3A_162, %add3A_2035 : vector<16xi32>
    %select_n3A_2037 = arith.select %lt3A_2033, %add3A_2036, %broadcast_in_dim3A_162 : vector<16xi1>, vector<16xi32>
    %broadcast_in_dim3A_2038 = vector.shape_cast %select_n3A_2037 : vector<16xi32> to vector<16x1xi32>
    %gather3A_2039 = vector.shape_cast %broadcast_in_dim3A_2038 : vector<16x1xi32> to vector<16xi32>
    %gather3A_2040 = tpu.dynamic_gather %get3A_2020[%gather3A_2039] in [0] : vector<16xf32>, vector<16xi32> -> vector<16xf32>
    %mul3A_2041 = arith.mulf %get3A_2010, %gather3A_2030 : vector<16xf32>
    %mul3A_2042 = arith.mulf %get3A_2010, %gather3A_2040 : vector<16xf32>
    %add3A_2043 = arith.addf %add3A_2004, %mul3A_2041 : vector<16xf32>
    %add3A_2044 = arith.addf %add3A_2005, %mul3A_2042 : vector<16xf32>
    %get3A_2045 = arith.constant 48 : i32
    %get3A_2046 = arith.index_cast %get3A_2045 : i32 to index
    %get3A_2047 = arith.index_cast %multiple_of3A_143 : i32 to index
    %get3A_2048 = tpu.vector_load %arg11[%get3A_2046, %get3A_2047] {strides = array<i32>} : memref<64x128xf32, #tpu.memory_space<vmem>>, vector<1x16xf32>,
    %get3A_2049 = vector.shape_cast %get3A_2048 : vector<1x16xf32> to vector<16xf32>
    %get3A_2050 = arith.constant 48 : i32
    %get3A_2051 = arith.index_cast %get3A_2050 : i32 to index
    %get3A_2052 = arith.index_cast %multiple_of3A_150 : i32 to index
    %get3A_2053 = tpu.vector_load %arg9[%get3A_2051, %get3A_2052] {strides = array<i32>} : memref<64x128xf32, #tpu.memory_space<vmem>>, vector<1x16xf32>,
    %get3A_2054 = vector.shape_cast %get3A_2053 : vector<1x16xf32> to vector<16xf32>
    %get3A_2055 = arith.constant 48 : i32
    %get3A_2056 = arith.index_cast %get3A_2055 : i32 to index
    %get3A_2057 = arith.index_cast %multiple_of3A_157 : i32 to index
    %get3A_2058 = tpu.vector_load %arg10[%get3A_2056, %get3A_2057] {strides = array<i32>} : memref<64x128xf32, #tpu.memory_space<vmem>>, vector<1x16xf32>,
    %get3A_2059 = vector.shape_cast %get3A_2058 : vector<1x16xf32> to vector<16xf32>
    %lt3A_2060 = arith.constant 0 : i32
    %lt3A_2061 = vector.broadcast %lt3A_2060 : i32 to vector<16xi32>
    %lt3A_2062 = arith.cmpi slt, %broadcast_in_dim3A, %lt3A_2061 : vector<16xi32>
    %add3A_2063 = arith.constant 16 : i32
    %add3A_2064 = vector.broadcast %add3A_2063 : i32 to vector<16xi32>
    %add3A_2065 = arith.addi %broadcast_in_dim3A, %add3A_2064 : vector<16xi32>
    %select_n3A_2066 = arith.select %lt3A_2062, %add3A_2065, %broadcast_in_dim3A : vector<16xi1>, vector<16xi32>
    %broadcast_in_dim3A_2067 = vector.shape_cast %select_n3A_2066 : vector<16xi32> to vector<16x1xi32>
    %gather3A_2068 = vector.shape_cast %broadcast_in_dim3A_2067 : vector<16x1xi32> to vector<16xi32>
    %gather3A_2069 = tpu.dynamic_gather %get3A_2054[%gather3A_2068] in [0] : vector<16xf32>, vector<16xi32> -> vector<16xf32>
    %lt3A_2070 = arith.constant 0 : i32
    %lt3A_2071 = vector.broadcast %lt3A_2070 : i32 to vector<16xi32>
    %lt3A_2072 = arith.cmpi slt, %broadcast_in_dim3A_162, %lt3A_2071 : vector<16xi32>
    %add3A_2073 = arith.constant 16 : i32
    %add3A_2074 = vector.broadcast %add3A_2073 : i32 to vector<16xi32>
    %add3A_2075 = arith.addi %broadcast_in_dim3A_162, %add3A_2074 : vector<16xi32>
    %select_n3A_2076 = arith.select %lt3A_2072, %add3A_2075, %broadcast_in_dim3A_162 : vector<16xi1>, vector<16xi32>
    %broadcast_in_dim3A_2077 = vector.shape_cast %select_n3A_2076 : vector<16xi32> to vector<16x1xi32>
    %gather3A_2078 = vector.shape_cast %broadcast_in_dim3A_2077 : vector<16x1xi32> to vector<16xi32>
    %gather3A_2079 = tpu.dynamic_gather %get3A_2059[%gather3A_2078] in [0] : vector<16xf32>, vector<16xi32> -> vector<16xf32>
    %mul3A_2080 = arith.mulf %get3A_2049, %gather3A_2069 : vector<16xf32>
    %mul3A_2081 = arith.mulf %get3A_2049, %gather3A_2079 : vector<16xf32>
    %add3A_2082 = arith.addf %add3A_2043, %mul3A_2080 : vector<16xf32>
    %add3A_2083 = arith.addf %add3A_2044, %mul3A_2081 : vector<16xf32>
    %get3A_2084 = arith.constant 49 : i32
    %get3A_2085 = arith.index_cast %get3A_2084 : i32 to index
    %get3A_2086 = arith.index_cast %multiple_of3A_143 : i32 to index
    %get3A_2087 = tpu.vector_load %arg11[%get3A_2085, %get3A_2086] {strides = array<i32>} : memref<64x128xf32, #tpu.memory_space<vmem>>, vector<1x16xf32>,
    %get3A_2088 = vector.shape_cast %get3A_2087 : vector<1x16xf32> to vector<16xf32>
    %get3A_2089 = arith.constant 49 : i32
    %get3A_2090 = arith.index_cast %get3A_2089 : i32 to index
    %get3A_2091 = arith.index_cast %multiple_of3A_150 : i32 to index
    %get3A_2092 = tpu.vector_load %arg9[%get3A_2090, %get3A_2091] {strides = array<i32>} : memref<64x128xf32, #tpu.memory_space<vmem>>, vector<1x16xf32>,
    %get3A_2093 = vector.shape_cast %get3A_2092 : vector<1x16xf32> to vector<16xf32>
    %get3A_2094 = arith.constant 49 : i32
    %get3A_2095 = arith.index_cast %get3A_2094 : i32 to index
    %get3A_2096 = arith.index_cast %multiple_of3A_157 : i32 to index
    %get3A_2097 = tpu.vector_load %arg10[%get3A_2095, %get3A_2096] {strides = array<i32>} : memref<64x128xf32, #tpu.memory_space<vmem>>, vector<1x16xf32>,
    %get3A_2098 = vector.shape_cast %get3A_2097 : vector<1x16xf32> to vector<16xf32>
    %lt3A_2099 = arith.constant 0 : i32
    %lt3A_2100 = vector.broadcast %lt3A_2099 : i32 to vector<16xi32>
    %lt3A_2101 = arith.cmpi slt, %broadcast_in_dim3A, %lt3A_2100 : vector<16xi32>
    %add3A_2102 = arith.constant 16 : i32
    %add3A_2103 = vector.broadcast %add3A_2102 : i32 to vector<16xi32>
    %add3A_2104 = arith.addi %broadcast_in_dim3A, %add3A_2103 : vector<16xi32>
    %select_n3A_2105 = arith.select %lt3A_2101, %add3A_2104, %broadcast_in_dim3A : vector<16xi1>, vector<16xi32>
    %broadcast_in_dim3A_2106 = vector.shape_cast %select_n3A_2105 : vector<16xi32> to vector<16x1xi32>
    %gather3A_2107 = vector.shape_cast %broadcast_in_dim3A_2106 : vector<16x1xi32> to vector<16xi32>
    %gather3A_2108 = tpu.dynamic_gather %get3A_2093[%gather3A_2107] in [0] : vector<16xf32>, vector<16xi32> -> vector<16xf32>
    %lt3A_2109 = arith.constant 0 : i32
    %lt3A_2110 = vector.broadcast %lt3A_2109 : i32 to vector<16xi32>
    %lt3A_2111 = arith.cmpi slt, %broadcast_in_dim3A_162, %lt3A_2110 : vector<16xi32>
    %add3A_2112 = arith.constant 16 : i32
    %add3A_2113 = vector.broadcast %add3A_2112 : i32 to vector<16xi32>
    %add3A_2114 = arith.addi %broadcast_in_dim3A_162, %add3A_2113 : vector<16xi32>
    %select_n3A_2115 = arith.select %lt3A_2111, %add3A_2114, %broadcast_in_dim3A_162 : vector<16xi1>, vector<16xi32>
    %broadcast_in_dim3A_2116 = vector.shape_cast %select_n3A_2115 : vector<16xi32> to vector<16x1xi32>
    %gather3A_2117 = vector.shape_cast %broadcast_in_dim3A_2116 : vector<16x1xi32> to vector<16xi32>
    %gather3A_2118 = tpu.dynamic_gather %get3A_2098[%gather3A_2117] in [0] : vector<16xf32>, vector<16xi32> -> vector<16xf32>
    %mul3A_2119 = arith.mulf %get3A_2088, %gather3A_2108 : vector<16xf32>
    %mul3A_2120 = arith.mulf %get3A_2088, %gather3A_2118 : vector<16xf32>
    %add3A_2121 = arith.addf %add3A_2082, %mul3A_2119 : vector<16xf32>
    %add3A_2122 = arith.addf %add3A_2083, %mul3A_2120 : vector<16xf32>
    %get3A_2123 = arith.constant 50 : i32
    %get3A_2124 = arith.index_cast %get3A_2123 : i32 to index
    %get3A_2125 = arith.index_cast %multiple_of3A_143 : i32 to index
    %get3A_2126 = tpu.vector_load %arg11[%get3A_2124, %get3A_2125] {strides = array<i32>} : memref<64x128xf32, #tpu.memory_space<vmem>>, vector<1x16xf32>,
    %get3A_2127 = vector.shape_cast %get3A_2126 : vector<1x16xf32> to vector<16xf32>
    %get3A_2128 = arith.constant 50 : i32
    %get3A_2129 = arith.index_cast %get3A_2128 : i32 to index
    %get3A_2130 = arith.index_cast %multiple_of3A_150 : i32 to index
    %get3A_2131 = tpu.vector_load %arg9[%get3A_2129, %get3A_2130] {strides = array<i32>} : memref<64x128xf32, #tpu.memory_space<vmem>>, vector<1x16xf32>,
    %get3A_2132 = vector.shape_cast %get3A_2131 : vector<1x16xf32> to vector<16xf32>
    %get3A_2133 = arith.constant 50 : i32
    %get3A_2134 = arith.index_cast %get3A_2133 : i32 to index
    %get3A_2135 = arith.index_cast %multiple_of3A_157 : i32 to index
    %get3A_2136 = tpu.vector_load %arg10[%get3A_2134, %get3A_2135] {strides = array<i32>} : memref<64x128xf32, #tpu.memory_space<vmem>>, vector<1x16xf32>,
    %get3A_2137 = vector.shape_cast %get3A_2136 : vector<1x16xf32> to vector<16xf32>
    %lt3A_2138 = arith.constant 0 : i32
    %lt3A_2139 = vector.broadcast %lt3A_2138 : i32 to vector<16xi32>
    %lt3A_2140 = arith.cmpi slt, %broadcast_in_dim3A, %lt3A_2139 : vector<16xi32>
    %add3A_2141 = arith.constant 16 : i32
    %add3A_2142 = vector.broadcast %add3A_2141 : i32 to vector<16xi32>
    %add3A_2143 = arith.addi %broadcast_in_dim3A, %add3A_2142 : vector<16xi32>
    %select_n3A_2144 = arith.select %lt3A_2140, %add3A_2143, %broadcast_in_dim3A : vector<16xi1>, vector<16xi32>
    %broadcast_in_dim3A_2145 = vector.shape_cast %select_n3A_2144 : vector<16xi32> to vector<16x1xi32>
    %gather3A_2146 = vector.shape_cast %broadcast_in_dim3A_2145 : vector<16x1xi32> to vector<16xi32>
    %gather3A_2147 = tpu.dynamic_gather %get3A_2132[%gather3A_2146] in [0] : vector<16xf32>, vector<16xi32> -> vector<16xf32>
    %lt3A_2148 = arith.constant 0 : i32
    %lt3A_2149 = vector.broadcast %lt3A_2148 : i32 to vector<16xi32>
    %lt3A_2150 = arith.cmpi slt, %broadcast_in_dim3A_162, %lt3A_2149 : vector<16xi32>
    %add3A_2151 = arith.constant 16 : i32
    %add3A_2152 = vector.broadcast %add3A_2151 : i32 to vector<16xi32>
    %add3A_2153 = arith.addi %broadcast_in_dim3A_162, %add3A_2152 : vector<16xi32>
    %select_n3A_2154 = arith.select %lt3A_2150, %add3A_2153, %broadcast_in_dim3A_162 : vector<16xi1>, vector<16xi32>
    %broadcast_in_dim3A_2155 = vector.shape_cast %select_n3A_2154 : vector<16xi32> to vector<16x1xi32>
    %gather3A_2156 = vector.shape_cast %broadcast_in_dim3A_2155 : vector<16x1xi32> to vector<16xi32>
    %gather3A_2157 = tpu.dynamic_gather %get3A_2137[%gather3A_2156] in [0] : vector<16xf32>, vector<16xi32> -> vector<16xf32>
    %mul3A_2158 = arith.mulf %get3A_2127, %gather3A_2147 : vector<16xf32>
    %mul3A_2159 = arith.mulf %get3A_2127, %gather3A_2157 : vector<16xf32>
    %add3A_2160 = arith.addf %add3A_2121, %mul3A_2158 : vector<16xf32>
    %add3A_2161 = arith.addf %add3A_2122, %mul3A_2159 : vector<16xf32>
    %get3A_2162 = arith.constant 51 : i32
    %get3A_2163 = arith.index_cast %get3A_2162 : i32 to index
    %get3A_2164 = arith.index_cast %multiple_of3A_143 : i32 to index
    %get3A_2165 = tpu.vector_load %arg11[%get3A_2163, %get3A_2164] {strides = array<i32>} : memref<64x128xf32, #tpu.memory_space<vmem>>, vector<1x16xf32>,
    %get3A_2166 = vector.shape_cast %get3A_2165 : vector<1x16xf32> to vector<16xf32>
    %get3A_2167 = arith.constant 51 : i32
    %get3A_2168 = arith.index_cast %get3A_2167 : i32 to index
    %get3A_2169 = arith.index_cast %multiple_of3A_150 : i32 to index
    %get3A_2170 = tpu.vector_load %arg9[%get3A_2168, %get3A_2169] {strides = array<i32>} : memref<64x128xf32, #tpu.memory_space<vmem>>, vector<1x16xf32>,
    %get3A_2171 = vector.shape_cast %get3A_2170 : vector<1x16xf32> to vector<16xf32>
    %get3A_2172 = arith.constant 51 : i32
    %get3A_2173 = arith.index_cast %get3A_2172 : i32 to index
    %get3A_2174 = arith.index_cast %multiple_of3A_157 : i32 to index
    %get3A_2175 = tpu.vector_load %arg10[%get3A_2173, %get3A_2174] {strides = array<i32>} : memref<64x128xf32, #tpu.memory_space<vmem>>, vector<1x16xf32>,
    %get3A_2176 = vector.shape_cast %get3A_2175 : vector<1x16xf32> to vector<16xf32>
    %lt3A_2177 = arith.constant 0 : i32
    %lt3A_2178 = vector.broadcast %lt3A_2177 : i32 to vector<16xi32>
    %lt3A_2179 = arith.cmpi slt, %broadcast_in_dim3A, %lt3A_2178 : vector<16xi32>
    %add3A_2180 = arith.constant 16 : i32
    %add3A_2181 = vector.broadcast %add3A_2180 : i32 to vector<16xi32>
    %add3A_2182 = arith.addi %broadcast_in_dim3A, %add3A_2181 : vector<16xi32>
    %select_n3A_2183 = arith.select %lt3A_2179, %add3A_2182, %broadcast_in_dim3A : vector<16xi1>, vector<16xi32>
    %broadcast_in_dim3A_2184 = vector.shape_cast %select_n3A_2183 : vector<16xi32> to vector<16x1xi32>
    %gather3A_2185 = vector.shape_cast %broadcast_in_dim3A_2184 : vector<16x1xi32> to vector<16xi32>
    %gather3A_2186 = tpu.dynamic_gather %get3A_2171[%gather3A_2185] in [0] : vector<16xf32>, vector<16xi32> -> vector<16xf32>
    %lt3A_2187 = arith.constant 0 : i32
    %lt3A_2188 = vector.broadcast %lt3A_2187 : i32 to vector<16xi32>
    %lt3A_2189 = arith.cmpi slt, %broadcast_in_dim3A_162, %lt3A_2188 : vector<16xi32>
    %add3A_2190 = arith.constant 16 : i32
    %add3A_2191 = vector.broadcast %add3A_2190 : i32 to vector<16xi32>
    %add3A_2192 = arith.addi %broadcast_in_dim3A_162, %add3A_2191 : vector<16xi32>
    %select_n3A_2193 = arith.select %lt3A_2189, %add3A_2192, %broadcast_in_dim3A_162 : vector<16xi1>, vector<16xi32>
    %broadcast_in_dim3A_2194 = vector.shape_cast %select_n3A_2193 : vector<16xi32> to vector<16x1xi32>
    %gather3A_2195 = vector.shape_cast %broadcast_in_dim3A_2194 : vector<16x1xi32> to vector<16xi32>
    %gather3A_2196 = tpu.dynamic_gather %get3A_2176[%gather3A_2195] in [0] : vector<16xf32>, vector<16xi32> -> vector<16xf32>
    %mul3A_2197 = arith.mulf %get3A_2166, %gather3A_2186 : vector<16xf32>
    %mul3A_2198 = arith.mulf %get3A_2166, %gather3A_2196 : vector<16xf32>
    %add3A_2199 = arith.addf %add3A_2160, %mul3A_2197 : vector<16xf32>
    %add3A_2200 = arith.addf %add3A_2161, %mul3A_2198 : vector<16xf32>
    %get3A_2201 = arith.constant 52 : i32
    %get3A_2202 = arith.index_cast %get3A_2201 : i32 to index
    %get3A_2203 = arith.index_cast %multiple_of3A_143 : i32 to index
    %get3A_2204 = tpu.vector_load %arg11[%get3A_2202, %get3A_2203] {strides = array<i32>} : memref<64x128xf32, #tpu.memory_space<vmem>>, vector<1x16xf32>,
    %get3A_2205 = vector.shape_cast %get3A_2204 : vector<1x16xf32> to vector<16xf32>
    %get3A_2206 = arith.constant 52 : i32
    %get3A_2207 = arith.index_cast %get3A_2206 : i32 to index
    %get3A_2208 = arith.index_cast %multiple_of3A_150 : i32 to index
    %get3A_2209 = tpu.vector_load %arg9[%get3A_2207, %get3A_2208] {strides = array<i32>} : memref<64x128xf32, #tpu.memory_space<vmem>>, vector<1x16xf32>,
    %get3A_2210 = vector.shape_cast %get3A_2209 : vector<1x16xf32> to vector<16xf32>
    %get3A_2211 = arith.constant 52 : i32
    %get3A_2212 = arith.index_cast %get3A_2211 : i32 to index
    %get3A_2213 = arith.index_cast %multiple_of3A_157 : i32 to index
    %get3A_2214 = tpu.vector_load %arg10[%get3A_2212, %get3A_2213] {strides = array<i32>} : memref<64x128xf32, #tpu.memory_space<vmem>>, vector<1x16xf32>,
    %get3A_2215 = vector.shape_cast %get3A_2214 : vector<1x16xf32> to vector<16xf32>
    %lt3A_2216 = arith.constant 0 : i32
    %lt3A_2217 = vector.broadcast %lt3A_2216 : i32 to vector<16xi32>
    %lt3A_2218 = arith.cmpi slt, %broadcast_in_dim3A, %lt3A_2217 : vector<16xi32>
    %add3A_2219 = arith.constant 16 : i32
    %add3A_2220 = vector.broadcast %add3A_2219 : i32 to vector<16xi32>
    %add3A_2221 = arith.addi %broadcast_in_dim3A, %add3A_2220 : vector<16xi32>
    %select_n3A_2222 = arith.select %lt3A_2218, %add3A_2221, %broadcast_in_dim3A : vector<16xi1>, vector<16xi32>
    %broadcast_in_dim3A_2223 = vector.shape_cast %select_n3A_2222 : vector<16xi32> to vector<16x1xi32>
    %gather3A_2224 = vector.shape_cast %broadcast_in_dim3A_2223 : vector<16x1xi32> to vector<16xi32>
    %gather3A_2225 = tpu.dynamic_gather %get3A_2210[%gather3A_2224] in [0] : vector<16xf32>, vector<16xi32> -> vector<16xf32>
    %lt3A_2226 = arith.constant 0 : i32
    %lt3A_2227 = vector.broadcast %lt3A_2226 : i32 to vector<16xi32>
    %lt3A_2228 = arith.cmpi slt, %broadcast_in_dim3A_162, %lt3A_2227 : vector<16xi32>
    %add3A_2229 = arith.constant 16 : i32
    %add3A_2230 = vector.broadcast %add3A_2229 : i32 to vector<16xi32>
    %add3A_2231 = arith.addi %broadcast_in_dim3A_162, %add3A_2230 : vector<16xi32>
    %select_n3A_2232 = arith.select %lt3A_2228, %add3A_2231, %broadcast_in_dim3A_162 : vector<16xi1>, vector<16xi32>
    %broadcast_in_dim3A_2233 = vector.shape_cast %select_n3A_2232 : vector<16xi32> to vector<16x1xi32>
    %gather3A_2234 = vector.shape_cast %broadcast_in_dim3A_2233 : vector<16x1xi32> to vector<16xi32>
    %gather3A_2235 = tpu.dynamic_gather %get3A_2215[%gather3A_2234] in [0] : vector<16xf32>, vector<16xi32> -> vector<16xf32>
    %mul3A_2236 = arith.mulf %get3A_2205, %gather3A_2225 : vector<16xf32>
    %mul3A_2237 = arith.mulf %get3A_2205, %gather3A_2235 : vector<16xf32>
    %add3A_2238 = arith.addf %add3A_2199, %mul3A_2236 : vector<16xf32>
    %add3A_2239 = arith.addf %add3A_2200, %mul3A_2237 : vector<16xf32>
    %get3A_2240 = arith.constant 53 : i32
    %get3A_2241 = arith.index_cast %get3A_2240 : i32 to index
    %get3A_2242 = arith.index_cast %multiple_of3A_143 : i32 to index
    %get3A_2243 = tpu.vector_load %arg11[%get3A_2241, %get3A_2242] {strides = array<i32>} : memref<64x128xf32, #tpu.memory_space<vmem>>, vector<1x16xf32>,
    %get3A_2244 = vector.shape_cast %get3A_2243 : vector<1x16xf32> to vector<16xf32>
    %get3A_2245 = arith.constant 53 : i32
    %get3A_2246 = arith.index_cast %get3A_2245 : i32 to index
    %get3A_2247 = arith.index_cast %multiple_of3A_150 : i32 to index
    %get3A_2248 = tpu.vector_load %arg9[%get3A_2246, %get3A_2247] {strides = array<i32>} : memref<64x128xf32, #tpu.memory_space<vmem>>, vector<1x16xf32>,
    %get3A_2249 = vector.shape_cast %get3A_2248 : vector<1x16xf32> to vector<16xf32>
    %get3A_2250 = arith.constant 53 : i32
    %get3A_2251 = arith.index_cast %get3A_2250 : i32 to index
    %get3A_2252 = arith.index_cast %multiple_of3A_157 : i32 to index
    %get3A_2253 = tpu.vector_load %arg10[%get3A_2251, %get3A_2252] {strides = array<i32>} : memref<64x128xf32, #tpu.memory_space<vmem>>, vector<1x16xf32>,
    %get3A_2254 = vector.shape_cast %get3A_2253 : vector<1x16xf32> to vector<16xf32>
    %lt3A_2255 = arith.constant 0 : i32
    %lt3A_2256 = vector.broadcast %lt3A_2255 : i32 to vector<16xi32>
    %lt3A_2257 = arith.cmpi slt, %broadcast_in_dim3A, %lt3A_2256 : vector<16xi32>
    %add3A_2258 = arith.constant 16 : i32
    %add3A_2259 = vector.broadcast %add3A_2258 : i32 to vector<16xi32>
    %add3A_2260 = arith.addi %broadcast_in_dim3A, %add3A_2259 : vector<16xi32>
    %select_n3A_2261 = arith.select %lt3A_2257, %add3A_2260, %broadcast_in_dim3A : vector<16xi1>, vector<16xi32>
    %broadcast_in_dim3A_2262 = vector.shape_cast %select_n3A_2261 : vector<16xi32> to vector<16x1xi32>
    %gather3A_2263 = vector.shape_cast %broadcast_in_dim3A_2262 : vector<16x1xi32> to vector<16xi32>
    %gather3A_2264 = tpu.dynamic_gather %get3A_2249[%gather3A_2263] in [0] : vector<16xf32>, vector<16xi32> -> vector<16xf32>
    %lt3A_2265 = arith.constant 0 : i32
    %lt3A_2266 = vector.broadcast %lt3A_2265 : i32 to vector<16xi32>
    %lt3A_2267 = arith.cmpi slt, %broadcast_in_dim3A_162, %lt3A_2266 : vector<16xi32>
    %add3A_2268 = arith.constant 16 : i32
    %add3A_2269 = vector.broadcast %add3A_2268 : i32 to vector<16xi32>
    %add3A_2270 = arith.addi %broadcast_in_dim3A_162, %add3A_2269 : vector<16xi32>
    %select_n3A_2271 = arith.select %lt3A_2267, %add3A_2270, %broadcast_in_dim3A_162 : vector<16xi1>, vector<16xi32>
    %broadcast_in_dim3A_2272 = vector.shape_cast %select_n3A_2271 : vector<16xi32> to vector<16x1xi32>
    %gather3A_2273 = vector.shape_cast %broadcast_in_dim3A_2272 : vector<16x1xi32> to vector<16xi32>
    %gather3A_2274 = tpu.dynamic_gather %get3A_2254[%gather3A_2273] in [0] : vector<16xf32>, vector<16xi32> -> vector<16xf32>
    %mul3A_2275 = arith.mulf %get3A_2244, %gather3A_2264 : vector<16xf32>
    %mul3A_2276 = arith.mulf %get3A_2244, %gather3A_2274 : vector<16xf32>
    %add3A_2277 = arith.addf %add3A_2238, %mul3A_2275 : vector<16xf32>
    %add3A_2278 = arith.addf %add3A_2239, %mul3A_2276 : vector<16xf32>
    %get3A_2279 = arith.constant 54 : i32
    %get3A_2280 = arith.index_cast %get3A_2279 : i32 to index
    %get3A_2281 = arith.index_cast %multiple_of3A_143 : i32 to index
    %get3A_2282 = tpu.vector_load %arg11[%get3A_2280, %get3A_2281] {strides = array<i32>} : memref<64x128xf32, #tpu.memory_space<vmem>>, vector<1x16xf32>,
    %get3A_2283 = vector.shape_cast %get3A_2282 : vector<1x16xf32> to vector<16xf32>
    %get3A_2284 = arith.constant 54 : i32
    %get3A_2285 = arith.index_cast %get3A_2284 : i32 to index
    %get3A_2286 = arith.index_cast %multiple_of3A_150 : i32 to index
    %get3A_2287 = tpu.vector_load %arg9[%get3A_2285, %get3A_2286] {strides = array<i32>} : memref<64x128xf32, #tpu.memory_space<vmem>>, vector<1x16xf32>,
    %get3A_2288 = vector.shape_cast %get3A_2287 : vector<1x16xf32> to vector<16xf32>
    %get3A_2289 = arith.constant 54 : i32
    %get3A_2290 = arith.index_cast %get3A_2289 : i32 to index
    %get3A_2291 = arith.index_cast %multiple_of3A_157 : i32 to index
    %get3A_2292 = tpu.vector_load %arg10[%get3A_2290, %get3A_2291] {strides = array<i32>} : memref<64x128xf32, #tpu.memory_space<vmem>>, vector<1x16xf32>,
    %get3A_2293 = vector.shape_cast %get3A_2292 : vector<1x16xf32> to vector<16xf32>
    %lt3A_2294 = arith.constant 0 : i32
    %lt3A_2295 = vector.broadcast %lt3A_2294 : i32 to vector<16xi32>
    %lt3A_2296 = arith.cmpi slt, %broadcast_in_dim3A, %lt3A_2295 : vector<16xi32>
    %add3A_2297 = arith.constant 16 : i32
    %add3A_2298 = vector.broadcast %add3A_2297 : i32 to vector<16xi32>
    %add3A_2299 = arith.addi %broadcast_in_dim3A, %add3A_2298 : vector<16xi32>
    %select_n3A_2300 = arith.select %lt3A_2296, %add3A_2299, %broadcast_in_dim3A : vector<16xi1>, vector<16xi32>
    %broadcast_in_dim3A_2301 = vector.shape_cast %select_n3A_2300 : vector<16xi32> to vector<16x1xi32>
    %gather3A_2302 = vector.shape_cast %broadcast_in_dim3A_2301 : vector<16x1xi32> to vector<16xi32>
    %gather3A_2303 = tpu.dynamic_gather %get3A_2288[%gather3A_2302] in [0] : vector<16xf32>, vector<16xi32> -> vector<16xf32>
    %lt3A_2304 = arith.constant 0 : i32
    %lt3A_2305 = vector.broadcast %lt3A_2304 : i32 to vector<16xi32>
    %lt3A_2306 = arith.cmpi slt, %broadcast_in_dim3A_162, %lt3A_2305 : vector<16xi32>
    %add3A_2307 = arith.constant 16 : i32
    %add3A_2308 = vector.broadcast %add3A_2307 : i32 to vector<16xi32>
    %add3A_2309 = arith.addi %broadcast_in_dim3A_162, %add3A_2308 : vector<16xi32>
    %select_n3A_2310 = arith.select %lt3A_2306, %add3A_2309, %broadcast_in_dim3A_162 : vector<16xi1>, vector<16xi32>
    %broadcast_in_dim3A_2311 = vector.shape_cast %select_n3A_2310 : vector<16xi32> to vector<16x1xi32>
    %gather3A_2312 = vector.shape_cast %broadcast_in_dim3A_2311 : vector<16x1xi32> to vector<16xi32>
    %gather3A_2313 = tpu.dynamic_gather %get3A_2293[%gather3A_2312] in [0] : vector<16xf32>, vector<16xi32> -> vector<16xf32>
    %mul3A_2314 = arith.mulf %get3A_2283, %gather3A_2303 : vector<16xf32>
    %mul3A_2315 = arith.mulf %get3A_2283, %gather3A_2313 : vector<16xf32>
    %add3A_2316 = arith.addf %add3A_2277, %mul3A_2314 : vector<16xf32>
    %add3A_2317 = arith.addf %add3A_2278, %mul3A_2315 : vector<16xf32>
    %get3A_2318 = arith.constant 55 : i32
    %get3A_2319 = arith.index_cast %get3A_2318 : i32 to index
    %get3A_2320 = arith.index_cast %multiple_of3A_143 : i32 to index
    %get3A_2321 = tpu.vector_load %arg11[%get3A_2319, %get3A_2320] {strides = array<i32>} : memref<64x128xf32, #tpu.memory_space<vmem>>, vector<1x16xf32>,
    %get3A_2322 = vector.shape_cast %get3A_2321 : vector<1x16xf32> to vector<16xf32>
    %get3A_2323 = arith.constant 55 : i32
    %get3A_2324 = arith.index_cast %get3A_2323 : i32 to index
    %get3A_2325 = arith.index_cast %multiple_of3A_150 : i32 to index
    %get3A_2326 = tpu.vector_load %arg9[%get3A_2324, %get3A_2325] {strides = array<i32>} : memref<64x128xf32, #tpu.memory_space<vmem>>, vector<1x16xf32>,
    %get3A_2327 = vector.shape_cast %get3A_2326 : vector<1x16xf32> to vector<16xf32>
    %get3A_2328 = arith.constant 55 : i32
    %get3A_2329 = arith.index_cast %get3A_2328 : i32 to index
    %get3A_2330 = arith.index_cast %multiple_of3A_157 : i32 to index
    %get3A_2331 = tpu.vector_load %arg10[%get3A_2329, %get3A_2330] {strides = array<i32>} : memref<64x128xf32, #tpu.memory_space<vmem>>, vector<1x16xf32>,
    %get3A_2332 = vector.shape_cast %get3A_2331 : vector<1x16xf32> to vector<16xf32>
    %lt3A_2333 = arith.constant 0 : i32
    %lt3A_2334 = vector.broadcast %lt3A_2333 : i32 to vector<16xi32>
    %lt3A_2335 = arith.cmpi slt, %broadcast_in_dim3A, %lt3A_2334 : vector<16xi32>
    %add3A_2336 = arith.constant 16 : i32
    %add3A_2337 = vector.broadcast %add3A_2336 : i32 to vector<16xi32>
    %add3A_2338 = arith.addi %broadcast_in_dim3A, %add3A_2337 : vector<16xi32>
    %select_n3A_2339 = arith.select %lt3A_2335, %add3A_2338, %broadcast_in_dim3A : vector<16xi1>, vector<16xi32>
    %broadcast_in_dim3A_2340 = vector.shape_cast %select_n3A_2339 : vector<16xi32> to vector<16x1xi32>
    %gather3A_2341 = vector.shape_cast %broadcast_in_dim3A_2340 : vector<16x1xi32> to vector<16xi32>
    %gather3A_2342 = tpu.dynamic_gather %get3A_2327[%gather3A_2341] in [0] : vector<16xf32>, vector<16xi32> -> vector<16xf32>
    %lt3A_2343 = arith.constant 0 : i32
    %lt3A_2344 = vector.broadcast %lt3A_2343 : i32 to vector<16xi32>
    %lt3A_2345 = arith.cmpi slt, %broadcast_in_dim3A_162, %lt3A_2344 : vector<16xi32>
    %add3A_2346 = arith.constant 16 : i32
    %add3A_2347 = vector.broadcast %add3A_2346 : i32 to vector<16xi32>
    %add3A_2348 = arith.addi %broadcast_in_dim3A_162, %add3A_2347 : vector<16xi32>
    %select_n3A_2349 = arith.select %lt3A_2345, %add3A_2348, %broadcast_in_dim3A_162 : vector<16xi1>, vector<16xi32>
    %broadcast_in_dim3A_2350 = vector.shape_cast %select_n3A_2349 : vector<16xi32> to vector<16x1xi32>
    %gather3A_2351 = vector.shape_cast %broadcast_in_dim3A_2350 : vector<16x1xi32> to vector<16xi32>
    %gather3A_2352 = tpu.dynamic_gather %get3A_2332[%gather3A_2351] in [0] : vector<16xf32>, vector<16xi32> -> vector<16xf32>
    %mul3A_2353 = arith.mulf %get3A_2322, %gather3A_2342 : vector<16xf32>
    %mul3A_2354 = arith.mulf %get3A_2322, %gather3A_2352 : vector<16xf32>
    %add3A_2355 = arith.addf %add3A_2316, %mul3A_2353 : vector<16xf32>
    %add3A_2356 = arith.addf %add3A_2317, %mul3A_2354 : vector<16xf32>
    %get3A_2357 = arith.constant 56 : i32
    %get3A_2358 = arith.index_cast %get3A_2357 : i32 to index
    %get3A_2359 = arith.index_cast %multiple_of3A_143 : i32 to index
    %get3A_2360 = tpu.vector_load %arg11[%get3A_2358, %get3A_2359] {strides = array<i32>} : memref<64x128xf32, #tpu.memory_space<vmem>>, vector<1x16xf32>,
    %get3A_2361 = vector.shape_cast %get3A_2360 : vector<1x16xf32> to vector<16xf32>
    %get3A_2362 = arith.constant 56 : i32
    %get3A_2363 = arith.index_cast %get3A_2362 : i32 to index
    %get3A_2364 = arith.index_cast %multiple_of3A_150 : i32 to index
    %get3A_2365 = tpu.vector_load %arg9[%get3A_2363, %get3A_2364] {strides = array<i32>} : memref<64x128xf32, #tpu.memory_space<vmem>>, vector<1x16xf32>,
    %get3A_2366 = vector.shape_cast %get3A_2365 : vector<1x16xf32> to vector<16xf32>
    %get3A_2367 = arith.constant 56 : i32
    %get3A_2368 = arith.index_cast %get3A_2367 : i32 to index
    %get3A_2369 = arith.index_cast %multiple_of3A_157 : i32 to index
    %get3A_2370 = tpu.vector_load %arg10[%get3A_2368, %get3A_2369] {strides = array<i32>} : memref<64x128xf32, #tpu.memory_space<vmem>>, vector<1x16xf32>,
    %get3A_2371 = vector.shape_cast %get3A_2370 : vector<1x16xf32> to vector<16xf32>
    %lt3A_2372 = arith.constant 0 : i32
    %lt3A_2373 = vector.broadcast %lt3A_2372 : i32 to vector<16xi32>
    %lt3A_2374 = arith.cmpi slt, %broadcast_in_dim3A, %lt3A_2373 : vector<16xi32>
    %add3A_2375 = arith.constant 16 : i32
    %add3A_2376 = vector.broadcast %add3A_2375 : i32 to vector<16xi32>
    %add3A_2377 = arith.addi %broadcast_in_dim3A, %add3A_2376 : vector<16xi32>
    %select_n3A_2378 = arith.select %lt3A_2374, %add3A_2377, %broadcast_in_dim3A : vector<16xi1>, vector<16xi32>
    %broadcast_in_dim3A_2379 = vector.shape_cast %select_n3A_2378 : vector<16xi32> to vector<16x1xi32>
    %gather3A_2380 = vector.shape_cast %broadcast_in_dim3A_2379 : vector<16x1xi32> to vector<16xi32>
    %gather3A_2381 = tpu.dynamic_gather %get3A_2366[%gather3A_2380] in [0] : vector<16xf32>, vector<16xi32> -> vector<16xf32>
    %lt3A_2382 = arith.constant 0 : i32
    %lt3A_2383 = vector.broadcast %lt3A_2382 : i32 to vector<16xi32>
    %lt3A_2384 = arith.cmpi slt, %broadcast_in_dim3A_162, %lt3A_2383 : vector<16xi32>
    %add3A_2385 = arith.constant 16 : i32
    %add3A_2386 = vector.broadcast %add3A_2385 : i32 to vector<16xi32>
    %add3A_2387 = arith.addi %broadcast_in_dim3A_162, %add3A_2386 : vector<16xi32>
    %select_n3A_2388 = arith.select %lt3A_2384, %add3A_2387, %broadcast_in_dim3A_162 : vector<16xi1>, vector<16xi32>
    %broadcast_in_dim3A_2389 = vector.shape_cast %select_n3A_2388 : vector<16xi32> to vector<16x1xi32>
    %gather3A_2390 = vector.shape_cast %broadcast_in_dim3A_2389 : vector<16x1xi32> to vector<16xi32>
    %gather3A_2391 = tpu.dynamic_gather %get3A_2371[%gather3A_2390] in [0] : vector<16xf32>, vector<16xi32> -> vector<16xf32>
    %mul3A_2392 = arith.mulf %get3A_2361, %gather3A_2381 : vector<16xf32>
    %mul3A_2393 = arith.mulf %get3A_2361, %gather3A_2391 : vector<16xf32>
    %add3A_2394 = arith.addf %add3A_2355, %mul3A_2392 : vector<16xf32>
    %add3A_2395 = arith.addf %add3A_2356, %mul3A_2393 : vector<16xf32>
    %get3A_2396 = arith.constant 57 : i32
    %get3A_2397 = arith.index_cast %get3A_2396 : i32 to index
    %get3A_2398 = arith.index_cast %multiple_of3A_143 : i32 to index
    %get3A_2399 = tpu.vector_load %arg11[%get3A_2397, %get3A_2398] {strides = array<i32>} : memref<64x128xf32, #tpu.memory_space<vmem>>, vector<1x16xf32>,
    %get3A_2400 = vector.shape_cast %get3A_2399 : vector<1x16xf32> to vector<16xf32>
    %get3A_2401 = arith.constant 57 : i32
    %get3A_2402 = arith.index_cast %get3A_2401 : i32 to index
    %get3A_2403 = arith.index_cast %multiple_of3A_150 : i32 to index
    %get3A_2404 = tpu.vector_load %arg9[%get3A_2402, %get3A_2403] {strides = array<i32>} : memref<64x128xf32, #tpu.memory_space<vmem>>, vector<1x16xf32>,
    %get3A_2405 = vector.shape_cast %get3A_2404 : vector<1x16xf32> to vector<16xf32>
    %get3A_2406 = arith.constant 57 : i32
    %get3A_2407 = arith.index_cast %get3A_2406 : i32 to index
    %get3A_2408 = arith.index_cast %multiple_of3A_157 : i32 to index
    %get3A_2409 = tpu.vector_load %arg10[%get3A_2407, %get3A_2408] {strides = array<i32>} : memref<64x128xf32, #tpu.memory_space<vmem>>, vector<1x16xf32>,
    %get3A_2410 = vector.shape_cast %get3A_2409 : vector<1x16xf32> to vector<16xf32>
    %lt3A_2411 = arith.constant 0 : i32
    %lt3A_2412 = vector.broadcast %lt3A_2411 : i32 to vector<16xi32>
    %lt3A_2413 = arith.cmpi slt, %broadcast_in_dim3A, %lt3A_2412 : vector<16xi32>
    %add3A_2414 = arith.constant 16 : i32
    %add3A_2415 = vector.broadcast %add3A_2414 : i32 to vector<16xi32>
    %add3A_2416 = arith.addi %broadcast_in_dim3A, %add3A_2415 : vector<16xi32>
    %select_n3A_2417 = arith.select %lt3A_2413, %add3A_2416, %broadcast_in_dim3A : vector<16xi1>, vector<16xi32>
    %broadcast_in_dim3A_2418 = vector.shape_cast %select_n3A_2417 : vector<16xi32> to vector<16x1xi32>
    %gather3A_2419 = vector.shape_cast %broadcast_in_dim3A_2418 : vector<16x1xi32> to vector<16xi32>
    %gather3A_2420 = tpu.dynamic_gather %get3A_2405[%gather3A_2419] in [0] : vector<16xf32>, vector<16xi32> -> vector<16xf32>
    %lt3A_2421 = arith.constant 0 : i32
    %lt3A_2422 = vector.broadcast %lt3A_2421 : i32 to vector<16xi32>
    %lt3A_2423 = arith.cmpi slt, %broadcast_in_dim3A_162, %lt3A_2422 : vector<16xi32>
    %add3A_2424 = arith.constant 16 : i32
    %add3A_2425 = vector.broadcast %add3A_2424 : i32 to vector<16xi32>
    %add3A_2426 = arith.addi %broadcast_in_dim3A_162, %add3A_2425 : vector<16xi32>
    %select_n3A_2427 = arith.select %lt3A_2423, %add3A_2426, %broadcast_in_dim3A_162 : vector<16xi1>, vector<16xi32>
    %broadcast_in_dim3A_2428 = vector.shape_cast %select_n3A_2427 : vector<16xi32> to vector<16x1xi32>
    %gather3A_2429 = vector.shape_cast %broadcast_in_dim3A_2428 : vector<16x1xi32> to vector<16xi32>
    %gather3A_2430 = tpu.dynamic_gather %get3A_2410[%gather3A_2429] in [0] : vector<16xf32>, vector<16xi32> -> vector<16xf32>
    %mul3A_2431 = arith.mulf %get3A_2400, %gather3A_2420 : vector<16xf32>
    %mul3A_2432 = arith.mulf %get3A_2400, %gather3A_2430 : vector<16xf32>
    %add3A_2433 = arith.addf %add3A_2394, %mul3A_2431 : vector<16xf32>
    %add3A_2434 = arith.addf %add3A_2395, %mul3A_2432 : vector<16xf32>
    %get3A_2435 = arith.constant 58 : i32
    %get3A_2436 = arith.index_cast %get3A_2435 : i32 to index
    %get3A_2437 = arith.index_cast %multiple_of3A_143 : i32 to index
    %get3A_2438 = tpu.vector_load %arg11[%get3A_2436, %get3A_2437] {strides = array<i32>} : memref<64x128xf32, #tpu.memory_space<vmem>>, vector<1x16xf32>,
    %get3A_2439 = vector.shape_cast %get3A_2438 : vector<1x16xf32> to vector<16xf32>
    %get3A_2440 = arith.constant 58 : i32
    %get3A_2441 = arith.index_cast %get3A_2440 : i32 to index
    %get3A_2442 = arith.index_cast %multiple_of3A_150 : i32 to index
    %get3A_2443 = tpu.vector_load %arg9[%get3A_2441, %get3A_2442] {strides = array<i32>} : memref<64x128xf32, #tpu.memory_space<vmem>>, vector<1x16xf32>,
    %get3A_2444 = vector.shape_cast %get3A_2443 : vector<1x16xf32> to vector<16xf32>
    %get3A_2445 = arith.constant 58 : i32
    %get3A_2446 = arith.index_cast %get3A_2445 : i32 to index
    %get3A_2447 = arith.index_cast %multiple_of3A_157 : i32 to index
    %get3A_2448 = tpu.vector_load %arg10[%get3A_2446, %get3A_2447] {strides = array<i32>} : memref<64x128xf32, #tpu.memory_space<vmem>>, vector<1x16xf32>,
    %get3A_2449 = vector.shape_cast %get3A_2448 : vector<1x16xf32> to vector<16xf32>
    %lt3A_2450 = arith.constant 0 : i32
    %lt3A_2451 = vector.broadcast %lt3A_2450 : i32 to vector<16xi32>
    %lt3A_2452 = arith.cmpi slt, %broadcast_in_dim3A, %lt3A_2451 : vector<16xi32>
    %add3A_2453 = arith.constant 16 : i32
    %add3A_2454 = vector.broadcast %add3A_2453 : i32 to vector<16xi32>
    %add3A_2455 = arith.addi %broadcast_in_dim3A, %add3A_2454 : vector<16xi32>
    %select_n3A_2456 = arith.select %lt3A_2452, %add3A_2455, %broadcast_in_dim3A : vector<16xi1>, vector<16xi32>
    %broadcast_in_dim3A_2457 = vector.shape_cast %select_n3A_2456 : vector<16xi32> to vector<16x1xi32>
    %gather3A_2458 = vector.shape_cast %broadcast_in_dim3A_2457 : vector<16x1xi32> to vector<16xi32>
    %gather3A_2459 = tpu.dynamic_gather %get3A_2444[%gather3A_2458] in [0] : vector<16xf32>, vector<16xi32> -> vector<16xf32>
    %lt3A_2460 = arith.constant 0 : i32
    %lt3A_2461 = vector.broadcast %lt3A_2460 : i32 to vector<16xi32>
    %lt3A_2462 = arith.cmpi slt, %broadcast_in_dim3A_162, %lt3A_2461 : vector<16xi32>
    %add3A_2463 = arith.constant 16 : i32
    %add3A_2464 = vector.broadcast %add3A_2463 : i32 to vector<16xi32>
    %add3A_2465 = arith.addi %broadcast_in_dim3A_162, %add3A_2464 : vector<16xi32>
    %select_n3A_2466 = arith.select %lt3A_2462, %add3A_2465, %broadcast_in_dim3A_162 : vector<16xi1>, vector<16xi32>
    %broadcast_in_dim3A_2467 = vector.shape_cast %select_n3A_2466 : vector<16xi32> to vector<16x1xi32>
    %gather3A_2468 = vector.shape_cast %broadcast_in_dim3A_2467 : vector<16x1xi32> to vector<16xi32>
    %gather3A_2469 = tpu.dynamic_gather %get3A_2449[%gather3A_2468] in [0] : vector<16xf32>, vector<16xi32> -> vector<16xf32>
    %mul3A_2470 = arith.mulf %get3A_2439, %gather3A_2459 : vector<16xf32>
    %mul3A_2471 = arith.mulf %get3A_2439, %gather3A_2469 : vector<16xf32>
    %add3A_2472 = arith.addf %add3A_2433, %mul3A_2470 : vector<16xf32>
    %add3A_2473 = arith.addf %add3A_2434, %mul3A_2471 : vector<16xf32>
    %get3A_2474 = arith.constant 59 : i32
    %get3A_2475 = arith.index_cast %get3A_2474 : i32 to index
    %get3A_2476 = arith.index_cast %multiple_of3A_143 : i32 to index
    %get3A_2477 = tpu.vector_load %arg11[%get3A_2475, %get3A_2476] {strides = array<i32>} : memref<64x128xf32, #tpu.memory_space<vmem>>, vector<1x16xf32>,
    %get3A_2478 = vector.shape_cast %get3A_2477 : vector<1x16xf32> to vector<16xf32>
    %get3A_2479 = arith.constant 59 : i32
    %get3A_2480 = arith.index_cast %get3A_2479 : i32 to index
    %get3A_2481 = arith.index_cast %multiple_of3A_150 : i32 to index
    %get3A_2482 = tpu.vector_load %arg9[%get3A_2480, %get3A_2481] {strides = array<i32>} : memref<64x128xf32, #tpu.memory_space<vmem>>, vector<1x16xf32>,
    %get3A_2483 = vector.shape_cast %get3A_2482 : vector<1x16xf32> to vector<16xf32>
    %get3A_2484 = arith.constant 59 : i32
    %get3A_2485 = arith.index_cast %get3A_2484 : i32 to index
    %get3A_2486 = arith.index_cast %multiple_of3A_157 : i32 to index
    %get3A_2487 = tpu.vector_load %arg10[%get3A_2485, %get3A_2486] {strides = array<i32>} : memref<64x128xf32, #tpu.memory_space<vmem>>, vector<1x16xf32>,
    %get3A_2488 = vector.shape_cast %get3A_2487 : vector<1x16xf32> to vector<16xf32>
    %lt3A_2489 = arith.constant 0 : i32
    %lt3A_2490 = vector.broadcast %lt3A_2489 : i32 to vector<16xi32>
    %lt3A_2491 = arith.cmpi slt, %broadcast_in_dim3A, %lt3A_2490 : vector<16xi32>
    %add3A_2492 = arith.constant 16 : i32
    %add3A_2493 = vector.broadcast %add3A_2492 : i32 to vector<16xi32>
    %add3A_2494 = arith.addi %broadcast_in_dim3A, %add3A_2493 : vector<16xi32>
    %select_n3A_2495 = arith.select %lt3A_2491, %add3A_2494, %broadcast_in_dim3A : vector<16xi1>, vector<16xi32>
    %broadcast_in_dim3A_2496 = vector.shape_cast %select_n3A_2495 : vector<16xi32> to vector<16x1xi32>
    %gather3A_2497 = vector.shape_cast %broadcast_in_dim3A_2496 : vector<16x1xi32> to vector<16xi32>
    %gather3A_2498 = tpu.dynamic_gather %get3A_2483[%gather3A_2497] in [0] : vector<16xf32>, vector<16xi32> -> vector<16xf32>
    %lt3A_2499 = arith.constant 0 : i32
    %lt3A_2500 = vector.broadcast %lt3A_2499 : i32 to vector<16xi32>
    %lt3A_2501 = arith.cmpi slt, %broadcast_in_dim3A_162, %lt3A_2500 : vector<16xi32>
    %add3A_2502 = arith.constant 16 : i32
    %add3A_2503 = vector.broadcast %add3A_2502 : i32 to vector<16xi32>
    %add3A_2504 = arith.addi %broadcast_in_dim3A_162, %add3A_2503 : vector<16xi32>
    %select_n3A_2505 = arith.select %lt3A_2501, %add3A_2504, %broadcast_in_dim3A_162 : vector<16xi1>, vector<16xi32>
    %broadcast_in_dim3A_2506 = vector.shape_cast %select_n3A_2505 : vector<16xi32> to vector<16x1xi32>
    %gather3A_2507 = vector.shape_cast %broadcast_in_dim3A_2506 : vector<16x1xi32> to vector<16xi32>
    %gather3A_2508 = tpu.dynamic_gather %get3A_2488[%gather3A_2507] in [0] : vector<16xf32>, vector<16xi32> -> vector<16xf32>
    %mul3A_2509 = arith.mulf %get3A_2478, %gather3A_2498 : vector<16xf32>
    %mul3A_2510 = arith.mulf %get3A_2478, %gather3A_2508 : vector<16xf32>
    %add3A_2511 = arith.addf %add3A_2472, %mul3A_2509 : vector<16xf32>
    %add3A_2512 = arith.addf %add3A_2473, %mul3A_2510 : vector<16xf32>
    %get3A_2513 = arith.constant 60 : i32
    %get3A_2514 = arith.index_cast %get3A_2513 : i32 to index
    %get3A_2515 = arith.index_cast %multiple_of3A_143 : i32 to index
    %get3A_2516 = tpu.vector_load %arg11[%get3A_2514, %get3A_2515] {strides = array<i32>} : memref<64x128xf32, #tpu.memory_space<vmem>>, vector<1x16xf32>,
    %get3A_2517 = vector.shape_cast %get3A_2516 : vector<1x16xf32> to vector<16xf32>
    %get3A_2518 = arith.constant 60 : i32
    %get3A_2519 = arith.index_cast %get3A_2518 : i32 to index
    %get3A_2520 = arith.index_cast %multiple_of3A_150 : i32 to index
    %get3A_2521 = tpu.vector_load %arg9[%get3A_2519, %get3A_2520] {strides = array<i32>} : memref<64x128xf32, #tpu.memory_space<vmem>>, vector<1x16xf32>,
    %get3A_2522 = vector.shape_cast %get3A_2521 : vector<1x16xf32> to vector<16xf32>
    %get3A_2523 = arith.constant 60 : i32
    %get3A_2524 = arith.index_cast %get3A_2523 : i32 to index
    %get3A_2525 = arith.index_cast %multiple_of3A_157 : i32 to index
    %get3A_2526 = tpu.vector_load %arg10[%get3A_2524, %get3A_2525] {strides = array<i32>} : memref<64x128xf32, #tpu.memory_space<vmem>>, vector<1x16xf32>,
    %get3A_2527 = vector.shape_cast %get3A_2526 : vector<1x16xf32> to vector<16xf32>
    %lt3A_2528 = arith.constant 0 : i32
    %lt3A_2529 = vector.broadcast %lt3A_2528 : i32 to vector<16xi32>
    %lt3A_2530 = arith.cmpi slt, %broadcast_in_dim3A, %lt3A_2529 : vector<16xi32>
    %add3A_2531 = arith.constant 16 : i32
    %add3A_2532 = vector.broadcast %add3A_2531 : i32 to vector<16xi32>
    %add3A_2533 = arith.addi %broadcast_in_dim3A, %add3A_2532 : vector<16xi32>
    %select_n3A_2534 = arith.select %lt3A_2530, %add3A_2533, %broadcast_in_dim3A : vector<16xi1>, vector<16xi32>
    %broadcast_in_dim3A_2535 = vector.shape_cast %select_n3A_2534 : vector<16xi32> to vector<16x1xi32>
    %gather3A_2536 = vector.shape_cast %broadcast_in_dim3A_2535 : vector<16x1xi32> to vector<16xi32>
    %gather3A_2537 = tpu.dynamic_gather %get3A_2522[%gather3A_2536] in [0] : vector<16xf32>, vector<16xi32> -> vector<16xf32>
    %lt3A_2538 = arith.constant 0 : i32
    %lt3A_2539 = vector.broadcast %lt3A_2538 : i32 to vector<16xi32>
    %lt3A_2540 = arith.cmpi slt, %broadcast_in_dim3A_162, %lt3A_2539 : vector<16xi32>
    %add3A_2541 = arith.constant 16 : i32
    %add3A_2542 = vector.broadcast %add3A_2541 : i32 to vector<16xi32>
    %add3A_2543 = arith.addi %broadcast_in_dim3A_162, %add3A_2542 : vector<16xi32>
    %select_n3A_2544 = arith.select %lt3A_2540, %add3A_2543, %broadcast_in_dim3A_162 : vector<16xi1>, vector<16xi32>
    %broadcast_in_dim3A_2545 = vector.shape_cast %select_n3A_2544 : vector<16xi32> to vector<16x1xi32>
    %gather3A_2546 = vector.shape_cast %broadcast_in_dim3A_2545 : vector<16x1xi32> to vector<16xi32>
    %gather3A_2547 = tpu.dynamic_gather %get3A_2527[%gather3A_2546] in [0] : vector<16xf32>, vector<16xi32> -> vector<16xf32>
    %mul3A_2548 = arith.mulf %get3A_2517, %gather3A_2537 : vector<16xf32>
    %mul3A_2549 = arith.mulf %get3A_2517, %gather3A_2547 : vector<16xf32>
    %add3A_2550 = arith.addf %add3A_2511, %mul3A_2548 : vector<16xf32>
    %add3A_2551 = arith.addf %add3A_2512, %mul3A_2549 : vector<16xf32>
    %get3A_2552 = arith.constant 61 : i32
    %get3A_2553 = arith.index_cast %get3A_2552 : i32 to index
    %get3A_2554 = arith.index_cast %multiple_of3A_143 : i32 to index
    %get3A_2555 = tpu.vector_load %arg11[%get3A_2553, %get3A_2554] {strides = array<i32>} : memref<64x128xf32, #tpu.memory_space<vmem>>, vector<1x16xf32>,
    %get3A_2556 = vector.shape_cast %get3A_2555 : vector<1x16xf32> to vector<16xf32>
    %get3A_2557 = arith.constant 61 : i32
    %get3A_2558 = arith.index_cast %get3A_2557 : i32 to index
    %get3A_2559 = arith.index_cast %multiple_of3A_150 : i32 to index
    %get3A_2560 = tpu.vector_load %arg9[%get3A_2558, %get3A_2559] {strides = array<i32>} : memref<64x128xf32, #tpu.memory_space<vmem>>, vector<1x16xf32>,
    %get3A_2561 = vector.shape_cast %get3A_2560 : vector<1x16xf32> to vector<16xf32>
    %get3A_2562 = arith.constant 61 : i32
    %get3A_2563 = arith.index_cast %get3A_2562 : i32 to index
    %get3A_2564 = arith.index_cast %multiple_of3A_157 : i32 to index
    %get3A_2565 = tpu.vector_load %arg10[%get3A_2563, %get3A_2564] {strides = array<i32>} : memref<64x128xf32, #tpu.memory_space<vmem>>, vector<1x16xf32>,
    %get3A_2566 = vector.shape_cast %get3A_2565 : vector<1x16xf32> to vector<16xf32>
    %lt3A_2567 = arith.constant 0 : i32
    %lt3A_2568 = vector.broadcast %lt3A_2567 : i32 to vector<16xi32>
    %lt3A_2569 = arith.cmpi slt, %broadcast_in_dim3A, %lt3A_2568 : vector<16xi32>
    %add3A_2570 = arith.constant 16 : i32
    %add3A_2571 = vector.broadcast %add3A_2570 : i32 to vector<16xi32>
    %add3A_2572 = arith.addi %broadcast_in_dim3A, %add3A_2571 : vector<16xi32>
    %select_n3A_2573 = arith.select %lt3A_2569, %add3A_2572, %broadcast_in_dim3A : vector<16xi1>, vector<16xi32>
    %broadcast_in_dim3A_2574 = vector.shape_cast %select_n3A_2573 : vector<16xi32> to vector<16x1xi32>
    %gather3A_2575 = vector.shape_cast %broadcast_in_dim3A_2574 : vector<16x1xi32> to vector<16xi32>
    %gather3A_2576 = tpu.dynamic_gather %get3A_2561[%gather3A_2575] in [0] : vector<16xf32>, vector<16xi32> -> vector<16xf32>
    %lt3A_2577 = arith.constant 0 : i32
    %lt3A_2578 = vector.broadcast %lt3A_2577 : i32 to vector<16xi32>
    %lt3A_2579 = arith.cmpi slt, %broadcast_in_dim3A_162, %lt3A_2578 : vector<16xi32>
    %add3A_2580 = arith.constant 16 : i32
    %add3A_2581 = vector.broadcast %add3A_2580 : i32 to vector<16xi32>
    %add3A_2582 = arith.addi %broadcast_in_dim3A_162, %add3A_2581 : vector<16xi32>
    %select_n3A_2583 = arith.select %lt3A_2579, %add3A_2582, %broadcast_in_dim3A_162 : vector<16xi1>, vector<16xi32>
    %broadcast_in_dim3A_2584 = vector.shape_cast %select_n3A_2583 : vector<16xi32> to vector<16x1xi32>
    %gather3A_2585 = vector.shape_cast %broadcast_in_dim3A_2584 : vector<16x1xi32> to vector<16xi32>
    %gather3A_2586 = tpu.dynamic_gather %get3A_2566[%gather3A_2585] in [0] : vector<16xf32>, vector<16xi32> -> vector<16xf32>
    %mul3A_2587 = arith.mulf %get3A_2556, %gather3A_2576 : vector<16xf32>
    %mul3A_2588 = arith.mulf %get3A_2556, %gather3A_2586 : vector<16xf32>
    %add3A_2589 = arith.addf %add3A_2550, %mul3A_2587 : vector<16xf32>
    %add3A_2590 = arith.addf %add3A_2551, %mul3A_2588 : vector<16xf32>
    %get3A_2591 = arith.constant 62 : i32
    %get3A_2592 = arith.index_cast %get3A_2591 : i32 to index
    %get3A_2593 = arith.index_cast %multiple_of3A_143 : i32 to index
    %get3A_2594 = tpu.vector_load %arg11[%get3A_2592, %get3A_2593] {strides = array<i32>} : memref<64x128xf32, #tpu.memory_space<vmem>>, vector<1x16xf32>,
    %get3A_2595 = vector.shape_cast %get3A_2594 : vector<1x16xf32> to vector<16xf32>
    %get3A_2596 = arith.constant 62 : i32
    %get3A_2597 = arith.index_cast %get3A_2596 : i32 to index
    %get3A_2598 = arith.index_cast %multiple_of3A_150 : i32 to index
    %get3A_2599 = tpu.vector_load %arg9[%get3A_2597, %get3A_2598] {strides = array<i32>} : memref<64x128xf32, #tpu.memory_space<vmem>>, vector<1x16xf32>,
    %get3A_2600 = vector.shape_cast %get3A_2599 : vector<1x16xf32> to vector<16xf32>
    %get3A_2601 = arith.constant 62 : i32
    %get3A_2602 = arith.index_cast %get3A_2601 : i32 to index
    %get3A_2603 = arith.index_cast %multiple_of3A_157 : i32 to index
    %get3A_2604 = tpu.vector_load %arg10[%get3A_2602, %get3A_2603] {strides = array<i32>} : memref<64x128xf32, #tpu.memory_space<vmem>>, vector<1x16xf32>,
    %get3A_2605 = vector.shape_cast %get3A_2604 : vector<1x16xf32> to vector<16xf32>
    %lt3A_2606 = arith.constant 0 : i32
    %lt3A_2607 = vector.broadcast %lt3A_2606 : i32 to vector<16xi32>
    %lt3A_2608 = arith.cmpi slt, %broadcast_in_dim3A, %lt3A_2607 : vector<16xi32>
    %add3A_2609 = arith.constant 16 : i32
    %add3A_2610 = vector.broadcast %add3A_2609 : i32 to vector<16xi32>
    %add3A_2611 = arith.addi %broadcast_in_dim3A, %add3A_2610 : vector<16xi32>
    %select_n3A_2612 = arith.select %lt3A_2608, %add3A_2611, %broadcast_in_dim3A : vector<16xi1>, vector<16xi32>
    %broadcast_in_dim3A_2613 = vector.shape_cast %select_n3A_2612 : vector<16xi32> to vector<16x1xi32>
    %gather3A_2614 = vector.shape_cast %broadcast_in_dim3A_2613 : vector<16x1xi32> to vector<16xi32>
    %gather3A_2615 = tpu.dynamic_gather %get3A_2600[%gather3A_2614] in [0] : vector<16xf32>, vector<16xi32> -> vector<16xf32>
    %lt3A_2616 = arith.constant 0 : i32
    %lt3A_2617 = vector.broadcast %lt3A_2616 : i32 to vector<16xi32>
    %lt3A_2618 = arith.cmpi slt, %broadcast_in_dim3A_162, %lt3A_2617 : vector<16xi32>
    %add3A_2619 = arith.constant 16 : i32
    %add3A_2620 = vector.broadcast %add3A_2619 : i32 to vector<16xi32>
    %add3A_2621 = arith.addi %broadcast_in_dim3A_162, %add3A_2620 : vector<16xi32>
    %select_n3A_2622 = arith.select %lt3A_2618, %add3A_2621, %broadcast_in_dim3A_162 : vector<16xi1>, vector<16xi32>
    %broadcast_in_dim3A_2623 = vector.shape_cast %select_n3A_2622 : vector<16xi32> to vector<16x1xi32>
    %gather3A_2624 = vector.shape_cast %broadcast_in_dim3A_2623 : vector<16x1xi32> to vector<16xi32>
    %gather3A_2625 = tpu.dynamic_gather %get3A_2605[%gather3A_2624] in [0] : vector<16xf32>, vector<16xi32> -> vector<16xf32>
    %mul3A_2626 = arith.mulf %get3A_2595, %gather3A_2615 : vector<16xf32>
    %mul3A_2627 = arith.mulf %get3A_2595, %gather3A_2625 : vector<16xf32>
    %add3A_2628 = arith.addf %add3A_2589, %mul3A_2626 : vector<16xf32>
    %add3A_2629 = arith.addf %add3A_2590, %mul3A_2627 : vector<16xf32>
    %get3A_2630 = arith.constant 63 : i32
    %get3A_2631 = arith.index_cast %get3A_2630 : i32 to index
    %get3A_2632 = arith.index_cast %multiple_of3A_143 : i32 to index
    %get3A_2633 = tpu.vector_load %arg11[%get3A_2631, %get3A_2632] {strides = array<i32>} : memref<64x128xf32, #tpu.memory_space<vmem>>, vector<1x16xf32>,
    %get3A_2634 = vector.shape_cast %get3A_2633 : vector<1x16xf32> to vector<16xf32>
    %get3A_2635 = arith.constant 63 : i32
    %get3A_2636 = arith.index_cast %get3A_2635 : i32 to index
    %get3A_2637 = arith.index_cast %multiple_of3A_150 : i32 to index
    %get3A_2638 = tpu.vector_load %arg9[%get3A_2636, %get3A_2637] {strides = array<i32>} : memref<64x128xf32, #tpu.memory_space<vmem>>, vector<1x16xf32>,
    %get3A_2639 = vector.shape_cast %get3A_2638 : vector<1x16xf32> to vector<16xf32>
    %get3A_2640 = arith.constant 63 : i32
    %get3A_2641 = arith.index_cast %get3A_2640 : i32 to index
    %get3A_2642 = arith.index_cast %multiple_of3A_157 : i32 to index
    %get3A_2643 = tpu.vector_load %arg10[%get3A_2641, %get3A_2642] {strides = array<i32>} : memref<64x128xf32, #tpu.memory_space<vmem>>, vector<1x16xf32>,
    %get3A_2644 = vector.shape_cast %get3A_2643 : vector<1x16xf32> to vector<16xf32>
    %lt3A_2645 = arith.constant 0 : i32
    %lt3A_2646 = vector.broadcast %lt3A_2645 : i32 to vector<16xi32>
    %lt3A_2647 = arith.cmpi slt, %broadcast_in_dim3A, %lt3A_2646 : vector<16xi32>
    %add3A_2648 = arith.constant 16 : i32
    %add3A_2649 = vector.broadcast %add3A_2648 : i32 to vector<16xi32>
    %add3A_2650 = arith.addi %broadcast_in_dim3A, %add3A_2649 : vector<16xi32>
    %select_n3A_2651 = arith.select %lt3A_2647, %add3A_2650, %broadcast_in_dim3A : vector<16xi1>, vector<16xi32>
    %broadcast_in_dim3A_2652 = vector.shape_cast %select_n3A_2651 : vector<16xi32> to vector<16x1xi32>
    %gather3A_2653 = vector.shape_cast %broadcast_in_dim3A_2652 : vector<16x1xi32> to vector<16xi32>
    %gather3A_2654 = tpu.dynamic_gather %get3A_2639[%gather3A_2653] in [0] : vector<16xf32>, vector<16xi32> -> vector<16xf32>
    %lt3A_2655 = arith.constant 0 : i32
    %lt3A_2656 = vector.broadcast %lt3A_2655 : i32 to vector<16xi32>
    %lt3A_2657 = arith.cmpi slt, %broadcast_in_dim3A_162, %lt3A_2656 : vector<16xi32>
    %add3A_2658 = arith.constant 16 : i32
    %add3A_2659 = vector.broadcast %add3A_2658 : i32 to vector<16xi32>
    %add3A_2660 = arith.addi %broadcast_in_dim3A_162, %add3A_2659 : vector<16xi32>
    %select_n3A_2661 = arith.select %lt3A_2657, %add3A_2660, %broadcast_in_dim3A_162 : vector<16xi1>, vector<16xi32>
    %broadcast_in_dim3A_2662 = vector.shape_cast %select_n3A_2661 : vector<16xi32> to vector<16x1xi32>
    %gather3A_2663 = vector.shape_cast %broadcast_in_dim3A_2662 : vector<16x1xi32> to vector<16xi32>
    %gather3A_2664 = tpu.dynamic_gather %get3A_2644[%gather3A_2663] in [0] : vector<16xf32>, vector<16xi32> -> vector<16xf32>
    %mul3A_2665 = arith.mulf %get3A_2634, %gather3A_2654 : vector<16xf32>
    %mul3A_2666 = arith.mulf %get3A_2634, %gather3A_2664 : vector<16xf32>
    %add3A_2667 = arith.addf %add3A_2628, %mul3A_2665 : vector<16xf32>
    %add3A_2668 = arith.addf %add3A_2629, %mul3A_2666 : vector<16xf32>
    %lt3A_2669 = arith.constant 0 : i32
    %lt3A_2670 = vector.broadcast %lt3A_2669 : i32 to vector<16xi32>
    %lt3A_2671 = arith.cmpi slt, %broadcast_in_dim3A_165, %lt3A_2670 : vector<16xi32>
    %add3A_2672 = arith.constant 16 : i32
    %add3A_2673 = vector.broadcast %add3A_2672 : i32 to vector<16xi32>
    %add3A_2674 = arith.addi %broadcast_in_dim3A_165, %add3A_2673 : vector<16xi32>
    %select_n3A_2675 = arith.select %lt3A_2671, %add3A_2674, %broadcast_in_dim3A_165 : vector<16xi1>, vector<16xi32>
    %broadcast_in_dim3A_2676 = vector.shape_cast %select_n3A_2675 : vector<16xi32> to vector<16x1xi32>
    %gather3A_2677 = vector.shape_cast %broadcast_in_dim3A_2676 : vector<16x1xi32> to vector<16xi32>
    %gather3A_2678 = tpu.dynamic_gather %add3A_2667[%gather3A_2677] in [0] : vector<16xf32>, vector<16xi32> -> vector<16xf32>
    %lt3A_2679 = arith.constant 0 : i32
    %lt3A_2680 = vector.broadcast %lt3A_2679 : i32 to vector<16xi32>
    %lt3A_2681 = arith.cmpi slt, %broadcast_in_dim3A_165, %lt3A_2680 : vector<16xi32>
    %add3A_2682 = arith.constant 16 : i32
    %add3A_2683 = vector.broadcast %add3A_2682 : i32 to vector<16xi32>
    %add3A_2684 = arith.addi %broadcast_in_dim3A_165, %add3A_2683 : vector<16xi32>
    %select_n3A_2685 = arith.select %lt3A_2681, %add3A_2684, %broadcast_in_dim3A_165 : vector<16xi1>, vector<16xi32>
    %broadcast_in_dim3A_2686 = vector.shape_cast %select_n3A_2685 : vector<16xi32> to vector<16x1xi32>
    %gather3A_2687 = vector.shape_cast %broadcast_in_dim3A_2686 : vector<16x1xi32> to vector<16xi32>
    %gather3A_2688 = tpu.dynamic_gather %add3A_2668[%gather3A_2687] in [0] : vector<16xf32>, vector<16xi32> -> vector<16xf32>
    %jit3A_2689 = arith.constant 2 : i32
    %eq3A_2690 = arith.constant 0 : i32
    %eq3A_2691 = arith.cmpi eq, %jit3A_2689, %eq3A_2690 : i32
    %jit3A_2692 = arith.constant 1 : i32
    %select_n3A_2693 = arith.select %eq3A_2691, %jit3A_2692, %jit3A_2689 : i32
    %rem3A = arith.remsi %shift_right_logical3A_102, %select_n3A_2693 : i32
    %ne3A = arith.constant 0 : i32
    %ne3A_2694 = arith.cmpi ne, %rem3A, %ne3A : i32
    %lt3A_2695 = arith.constant 0 : i32
    %lt3A_2696 = arith.cmpi slt, %rem3A, %lt3A_2695 : i32
    %lt3A_2697 = arith.constant 0 : i32
    %lt3A_2698 = arith.cmpi slt, %select_n3A_2693, %lt3A_2697 : i32
    %ne3A_2699 = arith.xori %lt3A_2696, %lt3A_2698 : i1
    %and3A_2700 = arith.andi %ne3A_2699, %ne3A_2694 : i1
    %add3A_2701 = arith.addi %rem3A, %select_n3A_2693 : i32
    %select_n3A_2702 = arith.select %and3A_2700, %add3A_2701, %rem3A : i32
    %eq3A_2703 = arith.constant 0 : i32
    %eq3A_2704 = arith.cmpi eq, %select_n3A_2702, %eq3A_2703 : i32
    %jit3A_2705 = arith.constant 1 : i32
    %jit3A_2706 = arith.constant -1 : i32
    %select_n3A_2707 = arith.select %eq3A_2704, %jit3A_2705, %jit3A_2706 : i32
    %broadcast_in_dim3A_2708 = vector.broadcast %select_n3A_2707 : i32 to vector<16xi32>
    %convert_element_type3A = arith.sitofp %broadcast_in_dim3A_2708 : vector<16xi32> to vector<16xf32>
    %jit3A_2709 = arith.constant 2 : i32
    %eq3A_2710 = arith.constant 0 : i32
    %eq3A_2711 = arith.cmpi eq, %jit3A_2709, %eq3A_2710 : i32
    %jit3A_2712 = arith.constant 1 : i32
    %select_n3A_2713 = arith.select %eq3A_2711, %jit3A_2712, %jit3A_2709 : i32
    %rem3A_2714 = arith.remsi %select_n3A_109, %select_n3A_2713 : i32
    %ne3A_2715 = arith.constant 0 : i32
    %ne3A_2716 = arith.cmpi ne, %rem3A_2714, %ne3A_2715 : i32
    %lt3A_2717 = arith.constant 0 : i32
    %lt3A_2718 = arith.cmpi slt, %rem3A_2714, %lt3A_2717 : i32
    %lt3A_2719 = arith.constant 0 : i32
    %lt3A_2720 = arith.cmpi slt, %select_n3A_2713, %lt3A_2719 : i32
    %ne3A_2721 = arith.xori %lt3A_2718, %lt3A_2720 : i1
    %and3A_2722 = arith.andi %ne3A_2721, %ne3A_2716 : i1
    %add3A_2723 = arith.addi %rem3A_2714, %select_n3A_2713 : i32
    %select_n3A_2724 = arith.select %and3A_2722, %add3A_2723, %rem3A_2714 : i32
    %eq3A_2725 = arith.constant 0 : i32
    %eq3A_2726 = arith.cmpi eq, %select_n3A_2724, %eq3A_2725 : i32
    %jit3A_2727 = arith.constant 1 : i32
    %jit3A_2728 = arith.constant -1 : i32
    %select_n3A_2729 = arith.select %eq3A_2726, %jit3A_2727, %jit3A_2728 : i32
    %broadcast_in_dim3A_2730 = vector.broadcast %select_n3A_2729 : i32 to vector<16xi32>
    %convert_element_type3A_2731 = arith.sitofp %broadcast_in_dim3A_2730 : vector<16xi32> to vector<16xf32>
    %ge3A = arith.constant 2 : i32
    %ge3A_2732 = arith.cmpi sge, %shift_right_logical3A, %ge3A : i32
    %convert_element_type3A_2733 = arith.extui %ge3A_2732 : i1 to i32
    %broadcast_in_dim3A_2734 = vector.broadcast %convert_element_type3A_2733 : i32 to vector<16xi32>
    %convert_element_type3A_2735 = arith.sitofp %broadcast_in_dim3A_2734 : vector<16xi32> to vector<16xf32>
    %ge3A_2736 = arith.constant 2 : i32
    %ge3A_2737 = arith.cmpi sge, %select_n3A_107, %ge3A_2736 : i32
    %and3A_2738 = arith.andi %ge3A_2737, %eq3A_104 : i1
    %convert_element_type3A_2739 = arith.extui %and3A_2738 : i1 to i32
    %broadcast_in_dim3A_2740 = vector.broadcast %convert_element_type3A_2739 : i32 to vector<16xi32>
    %convert_element_type3A_2741 = arith.sitofp %broadcast_in_dim3A_2740 : vector<16xi32> to vector<16xf32>
    %mul3A_2742 = arith.mulf %convert_element_type3A, %gather3A_2678 : vector<16xf32>
    %neg3A = arith.constant 0.000000e+00 : f32
    %neg3A_2743 = vector.broadcast %neg3A : f32 to vector<16xf32>
    %neg3A_2744 = arith.subf %neg3A_2743, %mul3A_2742 : vector<16xf32>
    %exp3A = math.exp %neg3A_2744 : vector<16xf32>
    %add3A_2745 = arith.constant 1.000000e+00 : f32
    %add3A_2746 = vector.broadcast %add3A_2745 : f32 to vector<16xf32>
    %add3A_2747 = arith.addf %add3A_2746, %exp3A : vector<16xf32>
    %div3A = arith.constant 1.000000e+00 : f32
    %div3A_2748 = vector.broadcast %div3A : f32 to vector<16xf32>
    %div3A_2749 = arith.divf %div3A_2748, %add3A_2747 : vector<16xf32>
    %mul3A_2750 = arith.mulf %convert_element_type3A_2735, %div3A_2749 : vector<16xf32>
    %sub3A_2751 = arith.constant 1.000000e+00 : f32
    %sub3A_2752 = vector.broadcast %sub3A_2751 : f32 to vector<16xf32>
    %sub3A_2753 = arith.subf %sub3A_2752, %convert_element_type3A_2735 : vector<16xf32>
    %add3A_2754 = arith.addf %mul3A_2750, %sub3A_2753 : vector<16xf32>
    %mul3A_2755 = arith.mulf %convert_element_type3A_2731, %gather3A_2688 : vector<16xf32>
    %neg3A_2756 = arith.constant 0.000000e+00 : f32
    %neg3A_2757 = vector.broadcast %neg3A_2756 : f32 to vector<16xf32>
    %neg3A_2758 = arith.subf %neg3A_2757, %mul3A_2755 : vector<16xf32>
    %exp3A_2759 = math.exp %neg3A_2758 : vector<16xf32>
    %add3A_2760 = arith.constant 1.000000e+00 : f32
    %add3A_2761 = vector.broadcast %add3A_2760 : f32 to vector<16xf32>
    %add3A_2762 = arith.addf %add3A_2761, %exp3A_2759 : vector<16xf32>
    %div3A_2763 = arith.constant 1.000000e+00 : f32
    %div3A_2764 = vector.broadcast %div3A_2763 : f32 to vector<16xf32>
    %div3A_2765 = arith.divf %div3A_2764, %add3A_2762 : vector<16xf32>
    %mul3A_2766 = arith.mulf %convert_element_type3A_2741, %div3A_2765 : vector<16xf32>
    %sub3A_2767 = arith.constant 1.000000e+00 : f32
    %sub3A_2768 = vector.broadcast %sub3A_2767 : f32 to vector<16xf32>
    %sub3A_2769 = arith.subf %sub3A_2768, %convert_element_type3A_2741 : vector<16xf32>
    %add3A_2770 = arith.addf %mul3A_2766, %sub3A_2769 : vector<16xf32>
    %swap3A = arith.constant 0 : index
    %swap3A_2771 = tpu.vector_load %arg12[%swap3A] {strides = array<i32>} : memref<16xf32, #tpu.memory_space<vmem>>, vector<16xf32>,
    %swap3A_2772 = vector.shape_cast %swap3A_2771 : vector<16xf32> to vector<16xf32>
    %swap3A_2773 = vector.shape_cast %add3A_2754 : vector<16xf32> to vector<16xf32>
    tpu.vector_store %arg12[%swap3A], %swap3A_2773 {strides = array<i32>} : memref<16xf32, #tpu.memory_space<vmem>>, vector<16xf32>,
    "tpu.region"() ({
      %run_scoped3A = tpu.sem_alloc : memref<!tpu.dma_semaphore, #tpu.memory_space<semaphore_mem>>
      %dma_start3A_2784 = arith.constant 0 : i32
      %dma_start3A_2785 = tpu.memref_slice %arg14[%arg1, %dma_start3A_2784] : memref<32x16xf32, #tpu.memory_space<vmem_shared>> -> memref<1x16xf32, #tpu.memory_space<vmem_shared>>
      %dma_start3A_2786 = tpu.memref_squeeze %dma_start3A_2785 : memref<1x16xf32, #tpu.memory_space<vmem_shared>> -> memref<16xf32, #tpu.memory_space<vmem_shared>>
      %dma_start3A_2787 = arith.constant 0 : i32
      %dma_start3A_2788 = tpu.memref_slice %arg14[%arg1, %dma_start3A_2787] : memref<32x16xf32, #tpu.memory_space<vmem_shared>> -> memref<1x16xf32, #tpu.memory_space<vmem_shared>>
      %dma_start3A_2789 = tpu.memref_squeeze %dma_start3A_2788 : memref<1x16xf32, #tpu.memory_space<vmem_shared>> -> memref<16xf32, #tpu.memory_space<vmem_shared>>
      tpu.enqueue_dma source(%arg12 : memref<16xf32, #tpu.memory_space<vmem>>) target(%dma_start3A_2789 : memref<16xf32, #tpu.memory_space<vmem_shared>>) target_semaphore(%run_scoped3A : memref<!tpu.dma_semaphore, #tpu.memory_space<semaphore_mem>>)
      %dma_wait3A_2790 = arith.constant 0 : i32
      %dma_wait3A_2791 = tpu.memref_slice %arg14[%arg1, %dma_wait3A_2790] : memref<32x16xf32, #tpu.memory_space<vmem_shared>> -> memref<1x16xf32, #tpu.memory_space<vmem_shared>>
      %dma_wait3A_2792 = tpu.memref_squeeze %dma_wait3A_2791 : memref<1x16xf32, #tpu.memory_space<vmem_shared>> -> memref<16xf32, #tpu.memory_space<vmem_shared>>
      %dma_wait3A_2793 = arith.constant 0 : i32
      %dma_wait3A_2794 = tpu.memref_slice %arg14[%arg1, %dma_wait3A_2793] : memref<32x16xf32, #tpu.memory_space<vmem_shared>> -> memref<1x16xf32, #tpu.memory_space<vmem_shared>>
      %dma_wait3A_2795 = tpu.memref_squeeze %dma_wait3A_2794 : memref<1x16xf32, #tpu.memory_space<vmem_shared>> -> memref<16xf32, #tpu.memory_space<vmem_shared>>
      tpu.wait_dma2 semaphore(%run_scoped3A : memref<!tpu.dma_semaphore, #tpu.memory_space<semaphore_mem>>) src(%arg12 : memref<16xf32, #tpu.memory_space<vmem>>) dst(%dma_wait3A_2795 : memref<16xf32, #tpu.memory_space<vmem_shared>>)
      tpu.yield
    }) : () -> ()
    %swap3A_2774 = arith.constant 0 : index
    %swap3A_2775 = tpu.vector_load %arg12[%swap3A_2774] {strides = array<i32>} : memref<16xf32, #tpu.memory_space<vmem>>, vector<16xf32>,
    %swap3A_2776 = vector.shape_cast %swap3A_2775 : vector<16xf32> to vector<16xf32>
    %swap3A_2777 = vector.shape_cast %add3A_2770 : vector<16xf32> to vector<16xf32>
    tpu.vector_store %arg12[%swap3A_2774], %swap3A_2777 {strides = array<i32>} : memref<16xf32, #tpu.memory_space<vmem>>, vector<16xf32>,
    %add3A_2778 = arith.constant 16 : i32
    %add3A_2779 = arith.addi %arg1, %add3A_2778 : i32
    "tpu.region"() ({
      %run_scoped3A = tpu.sem_alloc : memref<!tpu.dma_semaphore, #tpu.memory_space<semaphore_mem>>
      %dma_start3A_2784 = arith.constant 0 : i32
      %dma_start3A_2785 = tpu.memref_slice %arg14[%add3A_2779, %dma_start3A_2784] : memref<32x16xf32, #tpu.memory_space<vmem_shared>> -> memref<1x16xf32, #tpu.memory_space<vmem_shared>>
      %dma_start3A_2786 = tpu.memref_squeeze %dma_start3A_2785 : memref<1x16xf32, #tpu.memory_space<vmem_shared>> -> memref<16xf32, #tpu.memory_space<vmem_shared>>
      %dma_start3A_2787 = arith.constant 0 : i32
      %dma_start3A_2788 = tpu.memref_slice %arg14[%add3A_2779, %dma_start3A_2787] : memref<32x16xf32, #tpu.memory_space<vmem_shared>> -> memref<1x16xf32, #tpu.memory_space<vmem_shared>>
      %dma_start3A_2789 = tpu.memref_squeeze %dma_start3A_2788 : memref<1x16xf32, #tpu.memory_space<vmem_shared>> -> memref<16xf32, #tpu.memory_space<vmem_shared>>
      tpu.enqueue_dma source(%arg12 : memref<16xf32, #tpu.memory_space<vmem>>) target(%dma_start3A_2789 : memref<16xf32, #tpu.memory_space<vmem_shared>>) target_semaphore(%run_scoped3A : memref<!tpu.dma_semaphore, #tpu.memory_space<semaphore_mem>>)
      %dma_wait3A_2790 = arith.constant 0 : i32
      %dma_wait3A_2791 = tpu.memref_slice %arg14[%add3A_2779, %dma_wait3A_2790] : memref<32x16xf32, #tpu.memory_space<vmem_shared>> -> memref<1x16xf32, #tpu.memory_space<vmem_shared>>
      %dma_wait3A_2792 = tpu.memref_squeeze %dma_wait3A_2791 : memref<1x16xf32, #tpu.memory_space<vmem_shared>> -> memref<16xf32, #tpu.memory_space<vmem_shared>>
      %dma_wait3A_2793 = arith.constant 0 : i32
      %dma_wait3A_2794 = tpu.memref_slice %arg14[%add3A_2779, %dma_wait3A_2793] : memref<32x16xf32, #tpu.memory_space<vmem_shared>> -> memref<1x16xf32, #tpu.memory_space<vmem_shared>>
      %dma_wait3A_2795 = tpu.memref_squeeze %dma_wait3A_2794 : memref<1x16xf32, #tpu.memory_space<vmem_shared>> -> memref<16xf32, #tpu.memory_space<vmem_shared>>
      tpu.wait_dma2 semaphore(%run_scoped3A : memref<!tpu.dma_semaphore, #tpu.memory_space<semaphore_mem>>) src(%arg12 : memref<16xf32, #tpu.memory_space<vmem>>) dst(%dma_wait3A_2795 : memref<16xf32, #tpu.memory_space<vmem_shared>>)
      tpu.yield
    }) : () -> ()
    %barrier3A = arith.constant 0 : index
    tpu.barrier barrier_id(%barrier3A)
    %eq3A_2780 = arith.constant 0 : i32
    %eq3A_2781 = arith.cmpi eq, %arg1, %eq3A_2780 : i32
    %convert_element_type3A_2782 = arith.extui %eq3A_2781 : i1 to i32
    %cond3A = arith.constant 0 : i32
    %cond3A_2783 = arith.cmpi ne, %convert_element_type3A_2782, %cond3A : i32
    scf.if %cond3A_2783 {
      "tpu.region"() ({
        %run_scoped3A = tpu.sem_alloc : memref<!tpu.dma_semaphore, #tpu.memory_space<semaphore_mem>>
        tpu.enqueue_dma source(%arg14 : memref<32x16xf32, #tpu.memory_space<vmem_shared>>) target(%arg13 : memref<32x16xf32, #tpu.memory_space<vmem>>) target_semaphore(%run_scoped3A : memref<!tpu.dma_semaphore, #tpu.memory_space<semaphore_mem>>)
        tpu.wait_dma2 semaphore(%run_scoped3A : memref<!tpu.dma_semaphore, #tpu.memory_space<semaphore_mem>>) src(%arg14 : memref<32x16xf32, #tpu.memory_space<vmem_shared>>) dst(%arg13 : memref<32x16xf32, #tpu.memory_space<vmem>>)
        tpu.yield
      }) : () -> ()
      %get3A_2784 = arith.constant 0 : i32
      %get3A_2785 = arith.index_cast %get3A_2784 : i32 to index
      %get3A_2786 = arith.constant 0 : index
      %get3A_2787 = tpu.vector_load %arg13[%get3A_2785, %get3A_2786] {strides = array<i32>} : memref<32x16xf32, #tpu.memory_space<vmem>>, vector<1x16xf32>,
      %get3A_2788 = vector.shape_cast %get3A_2787 : vector<1x16xf32> to vector<16xf32>
      %get3A_2789 = arith.constant 1 : i32
      %get3A_2790 = arith.index_cast %get3A_2789 : i32 to index
      %get3A_2791 = arith.constant 0 : index
      %get3A_2792 = tpu.vector_load %arg13[%get3A_2790, %get3A_2791] {strides = array<i32>} : memref<32x16xf32, #tpu.memory_space<vmem>>, vector<1x16xf32>,
      %get3A_2793 = vector.shape_cast %get3A_2792 : vector<1x16xf32> to vector<16xf32>
      %mul3A_2794 = arith.mulf %get3A_2788, %get3A_2793 : vector<16xf32>
      %get3A_2795 = arith.constant 2 : i32
      %get3A_2796 = arith.index_cast %get3A_2795 : i32 to index
      %get3A_2797 = arith.constant 0 : index
      %get3A_2798 = tpu.vector_load %arg13[%get3A_2796, %get3A_2797] {strides = array<i32>} : memref<32x16xf32, #tpu.memory_space<vmem>>, vector<1x16xf32>,
      %get3A_2799 = vector.shape_cast %get3A_2798 : vector<1x16xf32> to vector<16xf32>
      %mul3A_2800 = arith.mulf %mul3A_2794, %get3A_2799 : vector<16xf32>
      %get3A_2801 = arith.constant 3 : i32
      %get3A_2802 = arith.index_cast %get3A_2801 : i32 to index
      %get3A_2803 = arith.constant 0 : index
      %get3A_2804 = tpu.vector_load %arg13[%get3A_2802, %get3A_2803] {strides = array<i32>} : memref<32x16xf32, #tpu.memory_space<vmem>>, vector<1x16xf32>,
      %get3A_2805 = vector.shape_cast %get3A_2804 : vector<1x16xf32> to vector<16xf32>
      %mul3A_2806 = arith.mulf %mul3A_2800, %get3A_2805 : vector<16xf32>
      %get3A_2807 = arith.constant 4 : i32
      %get3A_2808 = arith.index_cast %get3A_2807 : i32 to index
      %get3A_2809 = arith.constant 0 : index
      %get3A_2810 = tpu.vector_load %arg13[%get3A_2808, %get3A_2809] {strides = array<i32>} : memref<32x16xf32, #tpu.memory_space<vmem>>, vector<1x16xf32>,
      %get3A_2811 = vector.shape_cast %get3A_2810 : vector<1x16xf32> to vector<16xf32>
      %mul3A_2812 = arith.mulf %mul3A_2806, %get3A_2811 : vector<16xf32>
      %get3A_2813 = arith.constant 5 : i32
      %get3A_2814 = arith.index_cast %get3A_2813 : i32 to index
      %get3A_2815 = arith.constant 0 : index
      %get3A_2816 = tpu.vector_load %arg13[%get3A_2814, %get3A_2815] {strides = array<i32>} : memref<32x16xf32, #tpu.memory_space<vmem>>, vector<1x16xf32>,
      %get3A_2817 = vector.shape_cast %get3A_2816 : vector<1x16xf32> to vector<16xf32>
      %mul3A_2818 = arith.mulf %mul3A_2812, %get3A_2817 : vector<16xf32>
      %get3A_2819 = arith.constant 6 : i32
      %get3A_2820 = arith.index_cast %get3A_2819 : i32 to index
      %get3A_2821 = arith.constant 0 : index
      %get3A_2822 = tpu.vector_load %arg13[%get3A_2820, %get3A_2821] {strides = array<i32>} : memref<32x16xf32, #tpu.memory_space<vmem>>, vector<1x16xf32>,
      %get3A_2823 = vector.shape_cast %get3A_2822 : vector<1x16xf32> to vector<16xf32>
      %mul3A_2824 = arith.mulf %mul3A_2818, %get3A_2823 : vector<16xf32>
      %get3A_2825 = arith.constant 7 : i32
      %get3A_2826 = arith.index_cast %get3A_2825 : i32 to index
      %get3A_2827 = arith.constant 0 : index
      %get3A_2828 = tpu.vector_load %arg13[%get3A_2826, %get3A_2827] {strides = array<i32>} : memref<32x16xf32, #tpu.memory_space<vmem>>, vector<1x16xf32>,
      %get3A_2829 = vector.shape_cast %get3A_2828 : vector<1x16xf32> to vector<16xf32>
      %mul3A_2830 = arith.mulf %mul3A_2824, %get3A_2829 : vector<16xf32>
      %get3A_2831 = arith.constant 8 : i32
      %get3A_2832 = arith.index_cast %get3A_2831 : i32 to index
      %get3A_2833 = arith.constant 0 : index
      %get3A_2834 = tpu.vector_load %arg13[%get3A_2832, %get3A_2833] {strides = array<i32>} : memref<32x16xf32, #tpu.memory_space<vmem>>, vector<1x16xf32>,
      %get3A_2835 = vector.shape_cast %get3A_2834 : vector<1x16xf32> to vector<16xf32>
      %mul3A_2836 = arith.mulf %mul3A_2830, %get3A_2835 : vector<16xf32>
      %get3A_2837 = arith.constant 9 : i32
      %get3A_2838 = arith.index_cast %get3A_2837 : i32 to index
      %get3A_2839 = arith.constant 0 : index
      %get3A_2840 = tpu.vector_load %arg13[%get3A_2838, %get3A_2839] {strides = array<i32>} : memref<32x16xf32, #tpu.memory_space<vmem>>, vector<1x16xf32>,
      %get3A_2841 = vector.shape_cast %get3A_2840 : vector<1x16xf32> to vector<16xf32>
      %mul3A_2842 = arith.mulf %mul3A_2836, %get3A_2841 : vector<16xf32>
      %get3A_2843 = arith.constant 10 : i32
      %get3A_2844 = arith.index_cast %get3A_2843 : i32 to index
      %get3A_2845 = arith.constant 0 : index
      %get3A_2846 = tpu.vector_load %arg13[%get3A_2844, %get3A_2845] {strides = array<i32>} : memref<32x16xf32, #tpu.memory_space<vmem>>, vector<1x16xf32>,
      %get3A_2847 = vector.shape_cast %get3A_2846 : vector<1x16xf32> to vector<16xf32>
      %mul3A_2848 = arith.mulf %mul3A_2842, %get3A_2847 : vector<16xf32>
      %get3A_2849 = arith.constant 11 : i32
      %get3A_2850 = arith.index_cast %get3A_2849 : i32 to index
      %get3A_2851 = arith.constant 0 : index
      %get3A_2852 = tpu.vector_load %arg13[%get3A_2850, %get3A_2851] {strides = array<i32>} : memref<32x16xf32, #tpu.memory_space<vmem>>, vector<1x16xf32>,
      %get3A_2853 = vector.shape_cast %get3A_2852 : vector<1x16xf32> to vector<16xf32>
      %mul3A_2854 = arith.mulf %mul3A_2848, %get3A_2853 : vector<16xf32>
      %get3A_2855 = arith.constant 12 : i32
      %get3A_2856 = arith.index_cast %get3A_2855 : i32 to index
      %get3A_2857 = arith.constant 0 : index
      %get3A_2858 = tpu.vector_load %arg13[%get3A_2856, %get3A_2857] {strides = array<i32>} : memref<32x16xf32, #tpu.memory_space<vmem>>, vector<1x16xf32>,
      %get3A_2859 = vector.shape_cast %get3A_2858 : vector<1x16xf32> to vector<16xf32>
      %mul3A_2860 = arith.mulf %mul3A_2854, %get3A_2859 : vector<16xf32>
      %get3A_2861 = arith.constant 13 : i32
      %get3A_2862 = arith.index_cast %get3A_2861 : i32 to index
      %get3A_2863 = arith.constant 0 : index
      %get3A_2864 = tpu.vector_load %arg13[%get3A_2862, %get3A_2863] {strides = array<i32>} : memref<32x16xf32, #tpu.memory_space<vmem>>, vector<1x16xf32>,
      %get3A_2865 = vector.shape_cast %get3A_2864 : vector<1x16xf32> to vector<16xf32>
      %mul3A_2866 = arith.mulf %mul3A_2860, %get3A_2865 : vector<16xf32>
      %get3A_2867 = arith.constant 14 : i32
      %get3A_2868 = arith.index_cast %get3A_2867 : i32 to index
      %get3A_2869 = arith.constant 0 : index
      %get3A_2870 = tpu.vector_load %arg13[%get3A_2868, %get3A_2869] {strides = array<i32>} : memref<32x16xf32, #tpu.memory_space<vmem>>, vector<1x16xf32>,
      %get3A_2871 = vector.shape_cast %get3A_2870 : vector<1x16xf32> to vector<16xf32>
      %mul3A_2872 = arith.mulf %mul3A_2866, %get3A_2871 : vector<16xf32>
      %get3A_2873 = arith.constant 15 : i32
      %get3A_2874 = arith.index_cast %get3A_2873 : i32 to index
      %get3A_2875 = arith.constant 0 : index
      %get3A_2876 = tpu.vector_load %arg13[%get3A_2874, %get3A_2875] {strides = array<i32>} : memref<32x16xf32, #tpu.memory_space<vmem>>, vector<1x16xf32>,
      %get3A_2877 = vector.shape_cast %get3A_2876 : vector<1x16xf32> to vector<16xf32>
      %mul3A_2878 = arith.mulf %mul3A_2872, %get3A_2877 : vector<16xf32>
      %get3A_2879 = arith.constant 16 : i32
      %get3A_2880 = arith.index_cast %get3A_2879 : i32 to index
      %get3A_2881 = arith.constant 0 : index
      %get3A_2882 = tpu.vector_load %arg13[%get3A_2880, %get3A_2881] {strides = array<i32>} : memref<32x16xf32, #tpu.memory_space<vmem>>, vector<1x16xf32>,
      %get3A_2883 = vector.shape_cast %get3A_2882 : vector<1x16xf32> to vector<16xf32>
      %mul3A_2884 = arith.mulf %mul3A_2878, %get3A_2883 : vector<16xf32>
      %get3A_2885 = arith.constant 17 : i32
      %get3A_2886 = arith.index_cast %get3A_2885 : i32 to index
      %get3A_2887 = arith.constant 0 : index
      %get3A_2888 = tpu.vector_load %arg13[%get3A_2886, %get3A_2887] {strides = array<i32>} : memref<32x16xf32, #tpu.memory_space<vmem>>, vector<1x16xf32>,
      %get3A_2889 = vector.shape_cast %get3A_2888 : vector<1x16xf32> to vector<16xf32>
      %mul3A_2890 = arith.mulf %mul3A_2884, %get3A_2889 : vector<16xf32>
      %get3A_2891 = arith.constant 18 : i32
      %get3A_2892 = arith.index_cast %get3A_2891 : i32 to index
      %get3A_2893 = arith.constant 0 : index
      %get3A_2894 = tpu.vector_load %arg13[%get3A_2892, %get3A_2893] {strides = array<i32>} : memref<32x16xf32, #tpu.memory_space<vmem>>, vector<1x16xf32>,
      %get3A_2895 = vector.shape_cast %get3A_2894 : vector<1x16xf32> to vector<16xf32>
      %mul3A_2896 = arith.mulf %mul3A_2890, %get3A_2895 : vector<16xf32>
      %get3A_2897 = arith.constant 19 : i32
      %get3A_2898 = arith.index_cast %get3A_2897 : i32 to index
      %get3A_2899 = arith.constant 0 : index
      %get3A_2900 = tpu.vector_load %arg13[%get3A_2898, %get3A_2899] {strides = array<i32>} : memref<32x16xf32, #tpu.memory_space<vmem>>, vector<1x16xf32>,
      %get3A_2901 = vector.shape_cast %get3A_2900 : vector<1x16xf32> to vector<16xf32>
      %mul3A_2902 = arith.mulf %mul3A_2896, %get3A_2901 : vector<16xf32>
      %get3A_2903 = arith.constant 20 : i32
      %get3A_2904 = arith.index_cast %get3A_2903 : i32 to index
      %get3A_2905 = arith.constant 0 : index
      %get3A_2906 = tpu.vector_load %arg13[%get3A_2904, %get3A_2905] {strides = array<i32>} : memref<32x16xf32, #tpu.memory_space<vmem>>, vector<1x16xf32>,
      %get3A_2907 = vector.shape_cast %get3A_2906 : vector<1x16xf32> to vector<16xf32>
      %mul3A_2908 = arith.mulf %mul3A_2902, %get3A_2907 : vector<16xf32>
      %get3A_2909 = arith.constant 21 : i32
      %get3A_2910 = arith.index_cast %get3A_2909 : i32 to index
      %get3A_2911 = arith.constant 0 : index
      %get3A_2912 = tpu.vector_load %arg13[%get3A_2910, %get3A_2911] {strides = array<i32>} : memref<32x16xf32, #tpu.memory_space<vmem>>, vector<1x16xf32>,
      %get3A_2913 = vector.shape_cast %get3A_2912 : vector<1x16xf32> to vector<16xf32>
      %mul3A_2914 = arith.mulf %mul3A_2908, %get3A_2913 : vector<16xf32>
      %get3A_2915 = arith.constant 22 : i32
      %get3A_2916 = arith.index_cast %get3A_2915 : i32 to index
      %get3A_2917 = arith.constant 0 : index
      %get3A_2918 = tpu.vector_load %arg13[%get3A_2916, %get3A_2917] {strides = array<i32>} : memref<32x16xf32, #tpu.memory_space<vmem>>, vector<1x16xf32>,
      %get3A_2919 = vector.shape_cast %get3A_2918 : vector<1x16xf32> to vector<16xf32>
      %mul3A_2920 = arith.mulf %mul3A_2914, %get3A_2919 : vector<16xf32>
      %get3A_2921 = arith.constant 23 : i32
      %get3A_2922 = arith.index_cast %get3A_2921 : i32 to index
      %get3A_2923 = arith.constant 0 : index
      %get3A_2924 = tpu.vector_load %arg13[%get3A_2922, %get3A_2923] {strides = array<i32>} : memref<32x16xf32, #tpu.memory_space<vmem>>, vector<1x16xf32>,
      %get3A_2925 = vector.shape_cast %get3A_2924 : vector<1x16xf32> to vector<16xf32>
      %mul3A_2926 = arith.mulf %mul3A_2920, %get3A_2925 : vector<16xf32>
      %get3A_2927 = arith.constant 24 : i32
      %get3A_2928 = arith.index_cast %get3A_2927 : i32 to index
      %get3A_2929 = arith.constant 0 : index
      %get3A_2930 = tpu.vector_load %arg13[%get3A_2928, %get3A_2929] {strides = array<i32>} : memref<32x16xf32, #tpu.memory_space<vmem>>, vector<1x16xf32>,
      %get3A_2931 = vector.shape_cast %get3A_2930 : vector<1x16xf32> to vector<16xf32>
      %mul3A_2932 = arith.mulf %mul3A_2926, %get3A_2931 : vector<16xf32>
      %get3A_2933 = arith.constant 25 : i32
      %get3A_2934 = arith.index_cast %get3A_2933 : i32 to index
      %get3A_2935 = arith.constant 0 : index
      %get3A_2936 = tpu.vector_load %arg13[%get3A_2934, %get3A_2935] {strides = array<i32>} : memref<32x16xf32, #tpu.memory_space<vmem>>, vector<1x16xf32>,
      %get3A_2937 = vector.shape_cast %get3A_2936 : vector<1x16xf32> to vector<16xf32>
      %mul3A_2938 = arith.mulf %mul3A_2932, %get3A_2937 : vector<16xf32>
      %get3A_2939 = arith.constant 26 : i32
      %get3A_2940 = arith.index_cast %get3A_2939 : i32 to index
      %get3A_2941 = arith.constant 0 : index
      %get3A_2942 = tpu.vector_load %arg13[%get3A_2940, %get3A_2941] {strides = array<i32>} : memref<32x16xf32, #tpu.memory_space<vmem>>, vector<1x16xf32>,
      %get3A_2943 = vector.shape_cast %get3A_2942 : vector<1x16xf32> to vector<16xf32>
      %mul3A_2944 = arith.mulf %mul3A_2938, %get3A_2943 : vector<16xf32>
      %get3A_2945 = arith.constant 27 : i32
      %get3A_2946 = arith.index_cast %get3A_2945 : i32 to index
      %get3A_2947 = arith.constant 0 : index
      %get3A_2948 = tpu.vector_load %arg13[%get3A_2946, %get3A_2947] {strides = array<i32>} : memref<32x16xf32, #tpu.memory_space<vmem>>, vector<1x16xf32>,
      %get3A_2949 = vector.shape_cast %get3A_2948 : vector<1x16xf32> to vector<16xf32>
      %mul3A_2950 = arith.mulf %mul3A_2944, %get3A_2949 : vector<16xf32>
      %get3A_2951 = arith.constant 28 : i32
      %get3A_2952 = arith.index_cast %get3A_2951 : i32 to index
      %get3A_2953 = arith.constant 0 : index
      %get3A_2954 = tpu.vector_load %arg13[%get3A_2952, %get3A_2953] {strides = array<i32>} : memref<32x16xf32, #tpu.memory_space<vmem>>, vector<1x16xf32>,
      %get3A_2955 = vector.shape_cast %get3A_2954 : vector<1x16xf32> to vector<16xf32>
      %mul3A_2956 = arith.mulf %mul3A_2950, %get3A_2955 : vector<16xf32>
      %get3A_2957 = arith.constant 29 : i32
      %get3A_2958 = arith.index_cast %get3A_2957 : i32 to index
      %get3A_2959 = arith.constant 0 : index
      %get3A_2960 = tpu.vector_load %arg13[%get3A_2958, %get3A_2959] {strides = array<i32>} : memref<32x16xf32, #tpu.memory_space<vmem>>, vector<1x16xf32>,
      %get3A_2961 = vector.shape_cast %get3A_2960 : vector<1x16xf32> to vector<16xf32>
      %mul3A_2962 = arith.mulf %mul3A_2956, %get3A_2961 : vector<16xf32>
      %get3A_2963 = arith.constant 30 : i32
      %get3A_2964 = arith.index_cast %get3A_2963 : i32 to index
      %get3A_2965 = arith.constant 0 : index
      %get3A_2966 = tpu.vector_load %arg13[%get3A_2964, %get3A_2965] {strides = array<i32>} : memref<32x16xf32, #tpu.memory_space<vmem>>, vector<1x16xf32>,
      %get3A_2967 = vector.shape_cast %get3A_2966 : vector<1x16xf32> to vector<16xf32>
      %mul3A_2968 = arith.mulf %mul3A_2962, %get3A_2967 : vector<16xf32>
      %get3A_2969 = arith.constant 31 : i32
      %get3A_2970 = arith.index_cast %get3A_2969 : i32 to index
      %get3A_2971 = arith.constant 0 : index
      %get3A_2972 = tpu.vector_load %arg13[%get3A_2970, %get3A_2971] {strides = array<i32>} : memref<32x16xf32, #tpu.memory_space<vmem>>, vector<1x16xf32>,
      %get3A_2973 = vector.shape_cast %get3A_2972 : vector<1x16xf32> to vector<16xf32>
      %mul3A_2974 = arith.mulf %mul3A_2968, %get3A_2973 : vector<16xf32>
      %swap3A_2975 = arith.constant 0 : index
      %swap3A_2976 = tpu.vector_load %arg12[%swap3A_2975] {strides = array<i32>} : memref<16xf32, #tpu.memory_space<vmem>>, vector<16xf32>,
      %swap3A_2977 = vector.shape_cast %swap3A_2976 : vector<16xf32> to vector<16xf32>
      %swap3A_2978 = vector.shape_cast %mul3A_2974 : vector<16xf32> to vector<16xf32>
      tpu.vector_store %arg12[%swap3A_2975], %swap3A_2978 {strides = array<i32>} : memref<16xf32, #tpu.memory_space<vmem>>, vector<16xf32>,
      "tpu.region"() ({
        %run_scoped3A = tpu.sem_alloc : memref<!tpu.dma_semaphore, #tpu.memory_space<semaphore_mem>>
        tpu.enqueue_dma source(%arg12 : memref<16xf32, #tpu.memory_space<vmem>>) target(%arg6 : memref<16xf32, #tpu.memory_space<hbm>>) target_semaphore(%run_scoped3A : memref<!tpu.dma_semaphore, #tpu.memory_space<semaphore_mem>>)
        tpu.wait_dma2 semaphore(%run_scoped3A : memref<!tpu.dma_semaphore, #tpu.memory_space<semaphore_mem>>) src(%arg12 : memref<16xf32, #tpu.memory_space<vmem>>) dst(%arg6 : memref<16xf32, #tpu.memory_space<hbm>>)
        tpu.yield
      }) : () -> ()
    } else {
    }
    return
  }
}

</mosaic_0001>

<sc_bundles>
// kernel: kernel.3.cloned.1.call-start
scs
__scs_entry_jumppad:
0x0: {  	(pc) =	sbr.rel $0x88, $3  }
0x1: {  	(tag) =	ssettag $0x0;
	lr =	simm.s32 $0x1  }
0x2: {  	[smem:$0x3F9D] =	sst lr;
	_ =	strace $0xD0000000  }
0x3: {  	_ = 	snop  }
0x4: {  	_ = 	snop  }
0x5: {  	_ = 	snop  }
0x6: {  	_ = 	snop  }
0x7: {  	_ = 	snop  }
__scs_overlays_trampoline_lowered:
0x8: {  	[smem:$0x3FAC] =	sst s0  }
0x9: {  	[smem:$0x3FAD] =	sst s1  }
0xa: {  	[smem:$0x3FAE] =	sst s2  }
0xb: {  	[smem:$0x3FAF] =	sst s3  }
0xc: {  	[smem:$0x3FB0] =	sst s4  }
0xd: {  	[smem:$0x3FB1] =	sst s5  }
0xe: {  	[smem:$0x3FB2] =	sst s6  }
0xf: {  	[smem:$0x3FB3] =	sst s7  }
0x10: {  	[smem:$0x3FB4] =	sst s8  }
0x11: {  	[smem:$0x3FB5] =	sst s9;
	s0 =	simm.s32 @!p0 $0x0  }
0x12: {  	s1 =	sld [smem:$0x3F9B];
	s0 =	simm.s32 @p0 $0x1  }
0x13: {  	[smem:$0x3FB6] =	sst s0;
	s0 =	simm.s32 @!p1 $0x0  }
0x14: {  	s2 =	sld [smem:$0x3F9A];
	s0 =	simm.s32 @p1 $0x1  }
0x15: {  	[smem:$0x3FB7] =	sst s0;
	s0 =	simm.s32 @!p2 $0x0  }
0x16: {  	s3 =	sld [smem:$0x3FDB];
	s0 =	simm.s32 @p2 $0x1  }
0x17: {  	s4 =	simm.s32 $0x1BF5;
	[smem:$0x3FB9] =	sst s0  }
0x18: {  	s0 =	sld [smem:$0x3F9C];
	_ =	swait.ge [sflag:s4], $0x0  }
0x19: {  	s7 =	sld [smem:$0x3F9D]  }
0x1a: {  	s8 =	sadd.s32 $0xFFFFE003, lr  }
0x1b: {  	s9 =	sadd.s32 $0xFFFFFEF7, lr;
	s5 =	simm.s32 $0xFFFFFFFF;
	p2 =	slt.u32 s8, $0xFFFFF086  }
0x1c: {  	p1 =	slt.u32 s9, $0xF7A;
	s5 =	simm.s32 @!p2 $0x0  }
0x1d: {  	s5 =	simm.s32 @p1 $0x1;
	p0 =	seq.s32 s7, s2  }
0x1e: {  	s7 =	smul.u32 @!p0 $0xF7A, s2;
	p2 =	seq.s32 @!p0 s5, $0x0  }
0x1f: {  	s9 =	smul.u32 $0xF7A, s1;
	s8 =	simm.s32 @!p0 $0x1BF5;
	p2 =	por !p2, p0  }
0x20: {  	[sflag:s8] =	ssyncset.s32 @!p0 $0xFFFFF086;
	s6 =	sadd.s32 @!p0 s3, s7;
	s7 =	simm.s32 @!p0 $0x108  }
0x21: {  	s3 =	sadd.s32 s3, s9;
	s6 =	sadd.s32 @!p0 $0x88, s6;
	s7 =	simm.s32 @p2 $0x1082  }
0x22: {  	[simem:s7], [sflag:s8] =	dma.local @!p0 [hbm:s6], $0xF7A  }
0x23: {  	s9 =	sor.u32 $0xD0000000, s2;
	s6 =	simm.s32 $0x108;
	_ =	swait.ge @!p0 [sflag:s8], $0x0  }
0x24: {  	s3 =	sadd.s32 $0x88, s3;
	s6 =	simm.s32 @!p1 $0x1082;
	[sflag:s4] =	ssyncset.s32 $0xFFFFF086  }
0x25: {  	[simem:s6], [sflag:s4] =	dma.local [hbm:s3], $0xF7A  }
0x26: {  	[smem:$0x3F9D] =	sst s1;
	(tag) =	ssettag s2;
	_ =	strace s9  }
0x27: {  	s1 =	sld [smem:$0x3FAD]  }
0x28: {  	s2 =	sld [smem:$0x3FAE]  }
0x29: {  	s4 =	sld [smem:$0x3FB0]  }
0x2a: {  	p0 =	seq.s32 s5, $0x0;
	s5 =	sld [smem:$0x3FB1]  }
0x2b: {  	s6 =	sld [smem:$0x3FB2]  }
0x2c: {  	s7 =	sld [smem:$0x3FB3]  }
0x2d: {  	s3 =	simm.s32 $0x108;
	s8 =	sld [smem:$0x3FB4]  }
0x2e: {  	s3 =	simm.s32 @!p0 $0x1082;
	s9 =	sld [smem:$0x3FB5]  }
0x2f: {  	lr =	sadd.s32 s0, s3;
	s0 =	sld [smem:$0x3FAC]  }
0x30: {  	s3 =	sld [smem:$0x3FAF]  }
0x31: {  	[smem:$0x3FB8] =	sst s10  }
0x32: {  	s10 =	sld [smem:$0x3FB6];
	_ =	sdelay $0x3  }
0x33: {  	p0 =	seq.s32 s10, $0x1;
	s10 =	sld [smem:$0x3FB8];
	_ =	sdelay $0x3  }
0x34: {  	[smem:$0x3FB8] =	sst s10  }
0x35: {  	s10 =	sld [smem:$0x3FB7];
	_ =	sdelay $0x3  }
0x36: {  	p1 =	seq.s32 s10, $0x1;
	s10 =	sld [smem:$0x3FB8];
	_ =	sdelay $0x3  }
0x37: {  	[smem:$0x3FB8] =	sst s10  }
0x38: {  	s10 =	sld [smem:$0x3FB9]  }
0x39: {  	_ = 	snop;
	(pc) =	sbr.ind lr, $3  }
0x3a: {  	_ = 	snop  }
0x3b: {  	_ = 	snop  }
0x3c: {  	p2 =	seq.s32 s10, $0x1;
	s10 =	sld [smem:$0x3FB8]  }
0x3d: {  	_ =	shalt  }
0x3e: {  	_ =	shalt  }
0x3f: {  	_ =	shalt  }
0x40: {  	_ =	shalt  }
0x41: {  	_ =	shalt  }
0x42: {  	_ =	shalt  }
0x43: {  	_ =	shalt  }
0x44: {  	_ =	shalt  }
0x45: {  	_ =	shalt  }
0x46: {  	_ =	shalt  }
0x47: {  	_ =	shalt  }
0x48: {  	_ =	shalt  }
0x49: {  	_ =	shalt  }
0x4a: {  	_ =	shalt  }
0x4b: {  	_ =	shalt  }
0x4c: {  	_ =	shalt  }
0x4d: {  	_ =	shalt  }
0x4e: {  	_ =	shalt  }
0x4f: {  	_ =	shalt  }
0x50: {  	_ =	shalt  }
0x51: {  	_ =	shalt  }
0x52: {  	_ =	shalt  }
0x53: {  	_ =	shalt  }
0x54: {  	_ =	shalt  }
0x55: {  	_ =	shalt  }
0x56: {  	_ =	shalt  }
0x57: {  	_ =	shalt  }
0x58: {  	_ =	shalt  }
0x59: {  	_ =	shalt  }
0x5a: {  	_ =	shalt  }
0x5b: {  	_ =	shalt  }
0x5c: {  	_ =	shalt  }
0x5d: {  	_ =	shalt  }
0x5e: {  	_ =	shalt  }
0x5f: {  	_ =	shalt  }
0x60: {  	_ =	shalt  }
0x61: {  	_ =	shalt  }
0x62: {  	_ =	shalt  }
0x63: {  	_ =	shalt  }
0x64: {  	_ =	shalt  }
0x65: {  	_ =	shalt  }
0x66: {  	_ =	shalt  }
0x67: {  	_ =	shalt  }
0x68: {  	_ =	shalt  }
0x69: {  	_ =	shalt  }
0x6a: {  	_ =	shalt  }
0x6b: {  	_ =	shalt  }
0x6c: {  	_ =	shalt  }
0x6d: {  	_ =	shalt  }
0x6e: {  	_ =	shalt  }
0x6f: {  	_ =	shalt  }
0x70: {  	_ =	shalt  }
0x71: {  	_ =	shalt  }
0x72: {  	_ =	shalt  }
0x73: {  	_ =	shalt  }
0x74: {  	_ =	shalt  }
0x75: {  	_ =	shalt  }
0x76: {  	_ =	shalt  }
0x77: {  	_ =	shalt  }
0x78: {  	_ =	shalt  }
0x79: {  	_ =	shalt  }
0x7a: {  	_ =	shalt  }
0x7b: {  	_ =	shalt  }
0x7c: {  	_ =	shalt  }
0x7d: {  	_ =	shalt  }
0x7e: {  	_ =	shalt  }
0x7f: {  	_ =	shalt  }
0x80: {  	_ =	shalt  }
0x81: {  	_ =	shalt  }
0x82: {  	_ =	shalt  }
0x83: {  	_ =	shalt  }
0x84: {  	_ =	shalt  }
0x85: {  	_ =	shalt  }
0x86: {  	_ =	shalt  }
0x87: {  	_ =	shalt  }
.Lfunc_end0:
.L_simem_size_0:
called_computation_lowered:
.L_overlay_start_0:
0x88: {  	s0 =	sld [smem:$0x3FD9]  }
0x89: {  	s1 =	sld [smem:$0x3FFE];
	_ =	sdelay $0x3  }
0x8a: {  	s0 =	sadd.s32 s1, s0  }
0x8b: {  	[smem:$0x3FC4] =	sst s0  }
0x8c: {  	_ = 	snop  }
0x8d: {  	s0 =	sld [smem:$0x3FC9]  }
0x8e: {  	s16 =	sld [smem:$0x3FC8]  }
0x8f: {  	s2 =	sld [smem:$0x3FD0];
	(tm) =	ssettm $0x1  }
0x90: {  	s3 =	sld [smem:$0x3FFB];
	_ =	sdelay $0x3  }
0x91: {  	_ =	strace s3  }
0x92: {  	s3 =	sld [smem:$0x3FFC];
	_ =	sdelay $0x3  }
0x93: {  	_ =	strace s3  }
0x94: {  	s3 =	sld [smem:$0x3FFD];
	_ =	sdelay $0x3  }
0x95: {  	_ =	strace s3  }
0x96: {  	_ =	strace $0x8FFFFFFF  }
0x97: {  	s17 =	sld [smem:$0x3FDB];
	_ =	sdelay $0x1  }
0x98: {  	s4 =	simm.s32 $_scs_section_size  }
0x99: {  	s5 =	simm.s32 $_size__tile_overlayer_lowered;
	s6 =	simm.s32 $_tile_overlayer_lowered  }
0x9a: {  	s20 =	simm.s32 $0x1BFF;
	s19 =	sshll.u32 s6, $0x1;
	s3 =	sadd.s32 s4, s17  }
0x9b: {  	s7 =	simm.s32 $0x0;
	s18 =	sshll.u32 s5, $0x1;
	s5 =	sadd.s32 s19, s3  }
0x9c: {  	[timem:s7], [sflag:s20] =	dma.local [hbm:s5], s18  }
0x9d: {  	_ =	swait.ge [sflag:s20], s18  }
0x9e: {  	s4 =	ssub.s32 $0x0, s18;
	[sflag:s20] =	ssyncset.done $0x0  }
0x9f: {  	[sflag:s20] =	ssyncadd.s32 s4;
	_ =	sdelay $0x1  }
0xa0: {  	s21 =	simm.s32 $0x1B8B  }
0xa1: {  	_ =	swait.ge [sflag:s21], $0x1  }
0xa2: {  	[sflag:s21] =	ssyncset.done $0x0  }
0xa3: {  	s23 =	simm.s32 $0x1B8E;
	s22 =	sld [smem:$0x3FFE];
	[sflag:s21] =	ssyncadd.s32 $0xFFFFFFFF  }
0xa4: {  	s24 =	simm.s32 $execute0_lowered;
	[smem:$0x3FD2] =	sst s23  }
0xa5: {  	s5 =	sshll.u32 s24, $0x1;
	_ =	strace $0x80000046;
	[dreg:$0x1] =	wrdreg $0xFFFFFFFF  }
0xa6: {  	s25 =	simm.s32 $_size_execute0_lowered;
	s3 =	sadd.s32 s3, s5;
	[dreg:$0x0] =	wrdreg $0x0  }
0xa7: {  	s5 =	sshll.u32 s25, $0x1;
	[dreg:$0x2] =	wrdreg s3  }
0xa8: {  	[dreg:$0x3] =	wrdreg s5  }
0xa9: {  	[dreg:$0x4] =	wrdreg $0xC0  }
0xaa: {  	_ =	task [dreg:s7], $0x5FFFF  }
0xab: {  	[dreg:$0x1] =	wrdreg $0xFFFFFFFF  }
0xac: {  	[dreg:$0x0] =	wrdreg $0x60  }
0xad: {  	[dreg:$0x2] =	wrdreg s16  }
0xae: {  	[dreg:$0x3] =	wrdreg s0  }
0xaf: {  	[dreg:$0x4] =	wrdreg s22  }
0xb0: {  	[dreg:$0x5] =	wrdreg s2  }
0xb1: {  	[dreg:$0x6] =	wrdreg $0x75000  }
0xb2: {  	[dreg:$0x7] =	wrdreg $0x9  }
0xb3: {  	_ =	task.clear_ibuf [dreg:s7], $0x8FFFF;
	_ =	strace $0x90000046  }
0xb4: {  	s26 =	simm.s32 $0x9;
	_ =	strace $0x80000048  }
0xb5: {  	_ =	swait.ge [sflag:s26], $0x1  }
0xb6: {  	[sflag:s26] =	ssyncadd.s32 $0xFFFFFFFF  }
0xb7: {  	_ =	strace $0x90000048  }
0xb8: {  	_ =	sfence  }
0xb9: {  	s28 =	sld [smem:$0x0];
	_ =	sdelay $0x1  }
0xba: {  	s29 =	srdreg.scid  }
0xbb: {  	s30 =	sshll.u32 s29, $0xD;
	s31 =	sshrl.u32 s29, $0x2  }
0xbc: {  	s1 =	sand.u32 $0x1, s29;
	s2 =	sand.u32 $0x4000, s30;
	s0 =	sadd.s32 s31, s28  }
0xbd: {  	s1 =	sor.u32 s2, s1;
	s0 =	sshll.u32 s0, $0x11  }
0xbe: {  	s0 =	sor.u32 s0, s1  }
0xbf: {  	s0 =	sadd.s32 $0x8F2B, s0  }
0xc0: {  	[sflag:s0] =	ssyncadd.remote.s32 $0x1  }
0xc1: {  	_ =	sfence.sel $0xFFFF  }
0xc2: {  	[dreg:$0x0] =	wrdreg $0xFFFFFFFF;
	(pc) =	sbr.abs _section_cstart, $3  }
0xc3: {  	[dreg:$0x1] =	wrdreg $0xFFFFFFFF  }
0xc4: {  	_ =	task.clear_ibuf [dreg:s7], $0x2FFFF;
	_ =	strace $0x9FFFFFFF  }
0xc5: {  	(tm) =	ssettm $0x7FFFFFFF  }
tec
execute0_lowered:
.L_overlay_start_1:
0x0: {  	(tag) =	ssettag $0x1  }
0x1: {  	s12 =	rddreg [dreg:$0x0]  }
0x2: {  	s11 =	rddreg [dreg:$0x1]  }
0x3: {  	s5 =	rddreg [dreg:$0x2]  }
0x4: {  	s1 =	rddreg [dreg:$0x3]  }
0x5: {  	s4 =	rddreg [dreg:$0x4];
	s2 =	simm.s32 $0x0  }
0x6: {  	[smem:$0x7FF] =	sst s2  }
0x7: {  	s0 =	rddreg [dreg:$0x5];
	s3 =	sadd.s32 $0x600, s5;
	_ =	strace $0x80000047  }
0x8: {  	[tilespmem:s2], [sflag:$0x2] =	stream.linear.gather [hbm4b:s3+s2], $0x400, $0x38;
	[tilespmem:$0x7520] =	vst v63  }
0x9: {  	s3 =	simm.s32 $0x2  }
0xa: {  	_ =	swait.ge [sflag:s3], $0x400  }
0xb: {  	[sflag:s3] =	ssyncset.done $0x0  }
0xc: {  	[sflag:s3] =	ssyncadd.s32 $0xFFFFFC00  }
0xd: {  	v0 =	vld [tilespmem:$0x0];
	_ =	sdelay $0x4  }
0xe: {  	(v2sf) =	vpush v0, $0x0;
	_ =	sdelay $0x5  }
0xf: {  	(v2sf) =	vpush v0, $0x1;
	_ =	sdelay $0x8  }
0x10: {  	s6 =	spop (v2sf)  }
0x11: {  	s7 =	sshrl.u32 s6, $0x3  }
0x12: {  	s7 =	sand.u32 $0x1FFFFFF0, s7  }
0x13: {  	s5 =	sadd.s32 s7, s5  }
0x14: {  	s13 =	simm.s32 $0x400;
	s5 =	sadd.s32 $0x800, s5  }
0x15: {  	[tilespmem:s13], [sflag:$0x1] =	stream.linear.gather [hbm4b:s5+s2], $0x80, $0x38;
	[tilespmem:$0x7520] =	vst v63  }
0x16: {  	s8 =	spop (v2sf);
	s5 =	simm.s32 $0x1  }
0x17: {  	_ =	swait.ge [sflag:s5], $0x80  }
0x18: {  	[sflag:s5] =	ssyncset.done $0x0  }
0x19: {  	s14 =	sand.u32 $0x70, s6;
	[sflag:s5] =	ssyncadd.s32 $0xFFFFFF80  }
0x1a: {  	v57 =	vld [tilespmem:s14+$0x400];
	_ =	sdelay $0x4  }
0x1b: {  	(v2sf) =	vpush v57, $0xF  }
0x1c: {  	(v2sf) =	vpush v57, $0x0  }
0x1d: {  	(v2sf) =	vpush v57, $0x1  }
0x1e: {  	(v2sf) =	vpush v57, $0x2  }
0x1f: {  	(v2sf) =	vpush v57, $0x3  }
0x20: {  	(v2sf) =	vpush v57, $0x4  }
0x21: {  	(v2sf) =	vpush v57, $0x5  }
0x22: {  	(v2sf) =	vpush v57, $0x6  }
0x23: {  	(v2sf) =	vpush v57, $0x7  }
0x24: {  	(v2sf) =	vpush v57, $0x8  }
0x25: {  	(v2sf) =	vpush v57, $0x9  }
0x26: {  	(v2sf) =	vpush v57, $0xA;
	_ =	sdelay $0x1  }
0x27: {  	(v2sf) =	vpush v57, $0xB  }
0x28: {  	(v2sf) =	vpush v57, $0xC  }
0x29: {  	(v2sf) =	vpush v57, $0xD;
	s7 =	spop (v2sf)  }
0x2a: {  	s9 =	sand.u32 $0xF, s6;
	(v2sf) =	vpush v57, $0xE;
	s6 =	spop (v2sf)  }
0x2b: {  	p0 =	seq.s32 s9, $0x0;
	s10 =	spop (v2sf)  }
0x2c: {  	s7 =	smov.u32 @p0 s6;
	p0 =	seq.s32 s9, $0x1;
	s14 =	spop (v2sf)  }
0x2d: {  	s7 =	smov.u32 @p0 s10;
	p0 =	seq.s32 s9, $0x2;
	s6 =	spop (v2sf)  }
0x2e: {  	s7 =	smov.u32 @p0 s14;
	p0 =	seq.s32 s9, $0x3;
	s10 =	spop (v2sf)  }
0x2f: {  	s7 =	smov.u32 @p0 s6;
	p0 =	seq.s32 s9, $0x4;
	s14 =	spop (v2sf)  }
0x30: {  	s7 =	smov.u32 @p0 s10;
	p0 =	seq.s32 s9, $0x5;
	s6 =	spop (v2sf)  }
0x31: {  	s7 =	smov.u32 @p0 s14;
	p0 =	seq.s32 s9, $0x6;
	s10 =	spop (v2sf)  }
0x32: {  	s7 =	smov.u32 @p0 s6;
	p0 =	seq.s32 s9, $0x7;
	s14 =	spop (v2sf)  }
0x33: {  	s7 =	smov.u32 @p0 s10;
	p0 =	seq.s32 s9, $0x8;
	s6 =	spop (v2sf)  }
0x34: {  	s7 =	smov.u32 @p0 s14;
	p0 =	seq.s32 s9, $0x9;
	s10 =	spop (v2sf)  }
0x35: {  	s7 =	smov.u32 @p0 s6;
	p0 =	seq.s32 s9, $0xA;
	s6 =	stileid.u32  }
0x36: {  	s14 =	spop (v2sf);
	s7 =	smov.u32 @p0 s10;
	p0 =	seq.s32 s9, $0xB  }
0x37: {  	s15 =	spop (v2sf);
	s7 =	smov.u32 @p0 s14;
	p0 =	seq.s32 s9, $0xC  }
0x38: {  	s10 =	spop (v2sf);
	s7 =	smov.u32 @p0 s15;
	p0 =	seq.s32 s9, $0xD  }
0x39: {  	s7 =	smov.u32 @p0 s10;
	p0 =	seq.s32 s9, $0xE;
	s9 =	spop (v2sf)  }
0x3a: {  	s15 =	ssub.s32 $0x11, s6;
	s7 =	smov.u32 @p0 s9  }
0x3b: {  	p0 =	seq.s32 s6, $0x0;
	s10 =	sshrl.u32 s7, s15;
	s9 =	sshrl.u32 s7, $0x1  }
0x3c: {  	s17 =	simm.s32 $0x30D400;
	s9 =	simm.s32 @!p0 $0x0;
	s16 =	sand.u32 $0xFFFFF80, s10  }
0x3d: {  	s14 =	sadd.s32 s12, s16;
	s16 =	simm.s32 $0x480;
	s18 =	sand.u32 $0xFFFFF80, s9  }
0x3e: {  	[tilespmem:s16], [sflag:$0x1] =	stream.strided.gather [hbm4b:s14+s13], $0x2000, s17, s13, $0x38;
	[tilespmem:$0x7520] =	vst v63  }
0x3f: {  	s19 =	simm.s32 $0x2480;
	s20 =	sand.u32 $0xFFFFF80, s8;
	s12 =	sadd.s32 s12, s18  }
0x40: {  	[tilespmem:s19], [sflag:$0x1] =	stream.strided.gather [hbm4b:s12+s13], $0x2000, s17, s13, $0x38;
	[tilespmem:$0x7520] =	vst v63  }
0x41: {  	s21 =	simm.s32 $0xC3800;
	s22 =	simm.s32 $0x4480;
	s11 =	sadd.s32 s11, s20  }
0x42: {  	[tilespmem:s22], [sflag:$0x1] =	stream.strided.gather [hbm4b:s11+s13], $0x2000, s21, s13, $0x38;
	[tilespmem:$0x7520] =	vst v63  }
0x43: {  	_ =	swait.ge [sflag:s5], $0x2000  }
0x44: {  	[sflag:s5] =	ssyncset.done $0x0  }
0x45: {  	[sflag:s5] =	ssyncadd.s32 $0xFFFFE000  }
0x46: {  	_ =	swait.ge [sflag:s5], $0x2000  }
0x47: {  	[sflag:s5] =	ssyncset.done $0x0  }
0x48: {  	[sflag:s5] =	ssyncadd.s32 $0xFFFFE000  }
0x49: {  	_ =	swait.ge [sflag:s5], $0x2000  }
0x4a: {  	[sflag:s5] =	ssyncset.done $0x0  }
0x4b: {  	s23 =	sand.u32 $0x70, s8;
	[sflag:s5] =	ssyncadd.s32 $0xFFFFE000  }
0x4c: {  	s24 =	sand.u32 $0x70, s10;
	v7 =	vld [tilespmem:s23+$0x4480]  }
0x4d: {  	s25 =	sand.u32 $0x70, s9;
	v0 =	vld [tilespmem:s24+$0x480]  }
0x4e: {  	v5 =	vld [tilespmem:s25+$0x2480]  }
0x4f: {  	v9 =	vld [tilespmem:s23+$0x4500]  }
0x50: {  	v2 =	vld [tilespmem:s24+$0x500]  }
0x51: {  	v12 =	vld [tilespmem:s25+$0x2500]  }
0x52: {  	v19 =	vld [tilespmem:s23+$0x4580]  }
0x53: {  	v3 =	vld [tilespmem:s24+$0x580]  }
0x54: {  	v21 =	vld [tilespmem:s25+$0x2580]  }
0x55: {  	v24 =	vld [tilespmem:s23+$0x4600]  }
0x56: {  	v11 =	vld [tilespmem:s24+$0x600]  }
0x57: {  	v28 =	vld [tilespmem:s25+$0x2600]  }
0x58: {  	v32 =	vld [tilespmem:s23+$0x4680]  }
0x59: {  	v13 =	vld [tilespmem:s24+$0x680]  }
0x5a: {  	v53 =	vld [tilespmem:s25+$0x2680]  }
0x5b: {  	v57 =	vld [tilespmem:s23+$0x4700]  }
0x5c: {  	v46 =	vld [tilespmem:s24+$0x700]  }
0x5d: {  	v56 =	vld [tilespmem:s25+$0x2700]  }
0x5e: {  	v59 =	vld [tilespmem:s23+$0x4780]  }
0x5f: {  	v48 =	vld [tilespmem:s24+$0x780]  }
0x60: {  	v60 =	vld [tilespmem:s25+$0x2780]  }
0x61: {  	v23 =	vld [tilespmem:s23+$0x4800]  }
0x62: {  	v51 =	vld [tilespmem:s24+$0x800]  }
0x63: {  	v61 =	vld [tilespmem:s25+$0x2800]  }
0x64: {  	v26 =	vld [tilespmem:s23+$0x4880]  }
0x65: {  	v62 =	vld [tilespmem:s24+$0x880]  }
0x66: {  	v63 =	vld [tilespmem:s25+$0x2880]  }
0x67: {  	v39 =	vld [tilespmem:s23+$0x4900]  }
0x68: {  	v4 =	vld [tilespmem:s24+$0x900]  }
0x69: {  	v41 =	vld [tilespmem:s25+$0x2900]  }
0x6a: {  	v29 =	vld [tilespmem:s23+$0x4980]  }
0x6b: {  	v6 =	vld [tilespmem:s24+$0x980]  }
0x6c: {  	v54 =	vld [tilespmem:s25+$0x2980]  }
0x6d: {  	v33 =	vld [tilespmem:s23+$0x4A00]  }
0x6e: {  	v8 =	vld [tilespmem:s24+$0xA00]  }
0x6f: {  	v50 =	vld [tilespmem:s25+$0x2A00]  }
0x70: {  	v42 =	vld [tilespmem:s23+$0x4A80]  }
0x71: {  	v10 =	vld [tilespmem:s24+$0xA80]  }
0x72: {  	v43 =	vld [tilespmem:s25+$0x2A80]  }
0x73: {  	v37 =	vld [tilespmem:s23+$0x4B00]  }
0x74: {  	v14 =	vld [tilespmem:s24+$0xB00]  }
0x75: {  	v1 =	vld [tilespmem:s25+$0x2B00]  }
0x76: {  	v35 =	vld [tilespmem:s23+$0x4B80]  }
0x77: {  	v15 =	vld [tilespmem:s24+$0xB80]  }
0x78: {  	v58 =	vld [tilespmem:s25+$0x2B80]  }
0x79: {  	v31 =	vld [tilespmem:s23+$0x4C00]  }
0x7a: {  	v20 =	vld [tilespmem:s24+$0xC00]  }
0x7b: {  	v16 =	vld [tilespmem:s25+$0x2C00]  }
0x7c: {  	v27 =	vld [tilespmem:s23+$0x4C80]  }
0x7d: {  	v34 =	vld [tilespmem:s24+$0xC80]  }
0x7e: {  	v17 =	vld [tilespmem:s25+$0x2C80]  }
0x7f: {  	v22 =	vld [tilespmem:s23+$0x4D00]  }
0x80: {  	v18 =	vld [tilespmem:s25+$0x2D00]  }
0x81: {  	v55 =	vld [tilespmem:s24+$0xD80]  }
0x82: {  	v25 =	vld [tilespmem:s25+$0x2D80]  }
0x83: {  	v52 =	vld [tilespmem:s24+$0xE00]  }
0x84: {  	v30 =	vld [tilespmem:s25+$0x2E00]  }
0x85: {  	v49 =	vld [tilespmem:s24+$0xE80]  }
0x86: {  	v47 =	vld [tilespmem:s24+$0xF00]  }
0x87: {  	v36 =	vld [tilespmem:s25+$0x2F00]  }
0x88: {  	v44 =	vld [tilespmem:s24+$0xF80]  }
0x89: {  	v40 =	vld [tilespmem:s23+$0x5000];
	[tilespmem:$0x1FF50] =	vst v1  }
0x8a: {  	[tilespmem:$0x1FF60] =	vst v58;
	v58 =	vld [tilespmem:s24+$0xD00]  }
0x8b: {  	s26 =	sand.u32 $0xF, s10;
	[tilespmem:$0x1FF70] =	vst v16;
	v16 =	vld [tilespmem:s23+$0x4D80]  }
0x8c: {  	[tilespmem:$0x1FF80] =	vst v17;
	v17 =	vld [tilespmem:s23+$0x4E00];
	v1 =	vmov s26  }
0x8d: {  	[tilespmem:$0x1FF90] =	vst v18;
	v18 =	vld [tilespmem:s25+$0x2E80];
	v0 =	vperm.xlane v0, v1;
	v2 =	vperm.xlane v2, v1  }
0x8e: {  	v3 =	vperm.xlane v3, v1;
	v38 =	vperm.xlane v11, v1;
	v11 =	vld [tilespmem:s25+$0x2F80]  }
0x8f: {  	[tilespmem:$0x1FFA0] =	vst v25;
	v25 =	vld [tilespmem:s23+$0x4E80];
	v0 =	vmul.f32 v0, v7;
	v45 =	vmul.f32 v2, v9  }
0x90: {  	[tilespmem:$0x1FFB0] =	vst v30;
	v30 =	vld [tilespmem:s23+$0x4F00]  }
0x91: {  	[tilespmem:$0x1FFD0] =	vst v36;
	v36 =	vld [tilespmem:s23+$0x4F80];
	v3 =	vmul.f32 v3, v19;
	v0 =	vadd.f32 v45, v0  }
0x92: {  	[tilespmem:$0x1FFC0] =	vst v18;
	v18 =	vmul.f32 v38, v24;
	v38 =	vld [tilespmem:s25+$0x3000]  }
0x93: {  	v45 =	vld [tilespmem:s24+$0x1000];
	[tilespmem:$0x1FFE0] =	vst v11;
	v11 =	vperm.xlane v46, v1;
	v0 =	vadd.f32 v3, v0  }
0x94: {  	s28 =	sand.u32 $0xF, s9;
	v13 =	vperm.xlane v13, v1;
	v46 =	vld [tilespmem:s24+$0x1080]  }
0x95: {  	v2 =	vmul.f32 v11, v57;
	v11 =	vld [tilespmem:s23+$0x5100];
	v3 =	vadd.f32 v18, v0;
	v0 =	vmov s28  }
0x96: {  	v18 =	vmul.f32 v13, v32;
	v13 =	vld [tilespmem:s25+$0x3080];
	v5 =	vperm.xlane v5, v0  }
0x97: {  	v48 =	vperm.xlane v48, v1;
	[tilespmem:$0x1FFF0] =	vst v38;
	v38 =	vld [tilespmem:s23+$0x5080];
	v21 =	vperm.xlane v21, v0  }
0x98: {  	v18 =	vadd.f32 v18, v3;
	v3 =	vmul.f32 v5, v7;
	v7 =	vperm.xlane v12, v0;
	v5 =	vld [tilespmem:s24+$0x1100]  }
0x99: {  	v12 =	vmul.f32 v48, v59;
	v48 =	vperm.xlane v51, v1;
	v51 =	vld [tilespmem:s24+$0x1180]  }
0x9a: {  	v19 =	vmul.f32 v21, v19;
	v21 =	vld [tilespmem:s25+$0x3180]  }
0x9b: {  	v28 =	vperm.xlane v28, v0;
	v2 =	vadd.f32 v2, v18;
	v18 =	vld [tilespmem:s25+$0x3100]  }
0x9c: {  	v62 =	vperm.xlane v62, v1;
	v9 =	vmul.f32 v7, v9;
	v7 =	vld [tilespmem:s23+$0x5180]  }
0x9d: {  	v2 =	vadd.f32 v12, v2;
	v12 =	vmul.f32 v48, v23;
	v48 =	vmul.f32 v28, v24;
	v24 =	vld [tilespmem:s25+$0x3200]  }
0x9e: {  	v28 =	vld [tilespmem:s25+$0x3280];
	v3 =	vadd.f32 v9, v3  }
0x9f: {  	v4 =	vperm.xlane v4, v1;
	v9 =	vld [tilespmem:s23+$0x5200];
	v2 =	vadd.f32 v12, v2;
	v12 =	vmul.f32 v62, v26  }
0xa0: {  	v62 =	vperm.xlane v53, v0;
	v53 =	vld [tilespmem:s24+$0x1200];
	v3 =	vadd.f32 v19, v3  }
0xa1: {  	v6 =	vperm.xlane v6, v1;
	v4 =	vmul.f32 v4, v39;
	v19 =	vld [tilespmem:s23+$0x5300];
	v2 =	vadd.f32 v12, v2  }
0xa2: {  	v32 =	vmul.f32 v62, v32;
	v12 =	vld [tilespmem:s23+$0x5280];
	v3 =	vadd.f32 v48, v3;
	v48 =	vperm.xlane v56, v0  }
0xa3: {  	v62 =	vperm.xlane v8, v1;
	v56 =	vld [tilespmem:s24+$0x1280];
	v2 =	vadd.f32 v4, v2;
	v4 =	vmul.f32 v6, v29  }
0xa4: {  	v6 =	vld [tilespmem:s25+$0x3800];
	v3 =	vadd.f32 v32, v3;
	v48 =	vmul.f32 v48, v57;
	v57 =	vperm.xlane v60, v0  }
0xa5: {  	v60 =	vperm.xlane v10, v1;
	v32 =	vld [tilespmem:s25+$0x3300];
	v2 =	vadd.f32 v4, v2;
	v4 =	vmul.f32 v62, v33  }
0xa6: {  	v3 =	vadd.f32 v48, v3;
	v62 =	vmul.f32 v57, v59;
	v48 =	vperm.xlane v61, v0;
	v57 =	vld [tilespmem:s24+$0x1300]  }
0xa7: {  	v59 =	vmul.f32 v60, v42;
	v2 =	vadd.f32 v4, v2;
	v4 =	vld [tilespmem:s23+$0x5880]  }
0xa8: {  	v60 =	vperm.xlane v14, v1;
	v61 =	vmul.f32 v48, v23;
	v23 =	vld [tilespmem:s23+$0x5380]  }
0xa9: {  	v14 =	vperm.xlane v15, v1;
	v3 =	vadd.f32 v62, v3;
	v62 =	vperm.xlane v63, v0;
	v48 =	vld [tilespmem:s24+$0x1380]  }
0xaa: {  	v63 =	vmul.f32 v60, v37;
	v60 =	vperm.xlane v41, v0;
	v41 =	vld [tilespmem:s24+$0x1400];
	v2 =	vadd.f32 v59, v2  }
0xab: {  	v59 =	vld [tilespmem:s25+$0x3380];
	v3 =	vadd.f32 v61, v3;
	v15 =	vmul.f32 v62, v26;
	v61 =	vmul.f32 v14, v35  }
0xac: {  	v62 =	vperm.xlane v20, v1;
	v26 =	vld [tilespmem:s23+$0x5400];
	v14 =	vperm.xlane v54, v0  }
0xad: {  	v20 =	vperm.xlane v34, v1;
	v54 =	vperm.xlane v50, v0;
	v50 =	vld [tilespmem:s24+$0x1480];
	v2 =	vadd.f32 v63, v2  }
0xae: {  	v63 =	vmul.f32 v60, v39;
	v39 =	vld [tilespmem:s25+$0x3400];
	v3 =	vadd.f32 v15, v3;
	v15 =	vmul.f32 v62, v31  }
0xaf: {  	v34 =	vmul.f32 v14, v29;
	v29 =	vld [tilespmem:s23+$0x5480];
	v60 =	vmul.f32 v20, v27;
	v2 =	vadd.f32 v61, v2  }
0xb0: {  	v62 =	vmul.f32 v54, v33;
	v33 =	vld [tilespmem:s23+$0x5500];
	v61 =	vperm.xlane v58, v1;
	v3 =	vadd.f32 v63, v3  }
0xb1: {  	v63 =	vperm.xlane v43, v0;
	v43 =	vld [tilespmem:$0x1FF50];
	v2 =	vadd.f32 v15, v2;
	v15 =	vperm.xlane v55, v1  }
0xb2: {  	v55 =	vperm.xlane v52, v1;
	v52 =	vperm.xlane v47, v1;
	v47 =	vld [tilespmem:s24+$0x1600]  }
0xb3: {  	v14 =	vmul.f32 v61, v22;
	v2 =	vadd.f32 v60, v2;
	v60 =	vld [tilespmem:$0x1FF60]  }
0xb4: {  	v3 =	vadd.f32 v34, v3;
	v34 =	vld [tilespmem:s25+$0x3480]  }
0xb5: {  	v2 =	vadd.f32 v14, v2;
	v14 =	vld [tilespmem:$0x1FF70]  }
0xb6: {  	v20 =	vmul.f32 v63, v42;
	v42 =	vld [tilespmem:s25+$0x3500];
	v10 =	vperm.xlane v43, v0  }
0xb7: {  	v61 =	vmul.f32 v55, v17;
	v55 =	vld [tilespmem:$0x1FF80];
	v3 =	vadd.f32 v62, v3;
	v62 =	vperm.xlane v49, v1  }
0xb8: {  	v49 =	vld [tilespmem:s24+$0x1580];
	v58 =	vmul.f32 v10, v37;
	v10 =	vperm.xlane v60, v0  }
0xb9: {  	v54 =	vmul.f32 v15, v16;
	v15 =	vmul.f32 v62, v25;
	v62 =	vld [tilespmem:$0x1FF90]  }
0xba: {  	v43 =	vld [tilespmem:s24+$0x1500];
	v3 =	vadd.f32 v20, v3;
	v63 =	vmul.f32 v10, v35;
	v10 =	vperm.xlane v14, v0  }
0xbb: {  	v20 =	vld [tilespmem:s25+$0x3580];
	v2 =	vadd.f32 v54, v2  }
0xbc: {  	v3 =	vadd.f32 v58, v3;
	v54 =	vmul.f32 v10, v31;
	v10 =	vperm.xlane v55, v0;
	v55 =	vld [tilespmem:$0x1FFA0]  }
0xbd: {  	v37 =	vld [tilespmem:s23+$0x5580];
	v2 =	vadd.f32 v61, v2  }
0xbe: {  	v3 =	vadd.f32 v63, v3;
	v61 =	vmul.f32 v10, v27;
	v10 =	vperm.xlane v62, v0;
	v62 =	vld [tilespmem:$0x1FFB0]  }
0xbf: {  	v13 =	vperm.xlane v13, v0;
	v60 =	vperm.xlane v44, v1;
	v44 =	vld [tilespmem:s24+$0x1680]  }
0xc0: {  	v58 =	vmul.f32 v52, v30;
	v52 =	vperm.xlane v45, v1;
	v45 =	vld [tilespmem:s24+$0x1700];
	v3 =	vadd.f32 v54, v3  }
0xc1: {  	v35 =	vld [tilespmem:s23+$0x5600];
	v2 =	vadd.f32 v15, v2;
	v54 =	vmul.f32 v10, v22;
	v10 =	vperm.xlane v55, v0  }
0xc2: {  	v5 =	vperm.xlane v5, v1;
	v15 =	vld [tilespmem:s25+$0x3680];
	v63 =	vmul.f32 v60, v36;
	v3 =	vadd.f32 v61, v3  }
0xc3: {  	v31 =	vld [tilespmem:s25+$0x3600];
	v2 =	vadd.f32 v58, v2;
	v61 =	vmul.f32 v10, v16;
	v10 =	vperm.xlane v62, v0  }
0xc4: {  	v18 =	vperm.xlane v18, v0;
	v60 =	vperm.xlane v46, v1;
	v3 =	vadd.f32 v54, v3;
	v54 =	vld [tilespmem:$0x1FFD0]  }
0xc5: {  	v58 =	vmul.f32 v52, v40;
	v2 =	vadd.f32 v63, v2;
	v14 =	vmul.f32 v10, v17;
	v17 =	vld [tilespmem:$0x1FFC0]  }
0xc6: {  	v46 =	vmul.f32 v5, v11;
	v11 =	vmul.f32 v18, v11;
	v18 =	vld [tilespmem:s25+$0x3980]  }
0xc7: {  	v27 =	vld [tilespmem:s23+$0x5680];
	v63 =	vmul.f32 v60, v38;
	v2 =	vadd.f32 v58, v2  }
0xc8: {  	v13 =	vmul.f32 v13, v38;
	v38 =	vld [tilespmem:s24+$0x1980]  }
0xc9: {  	v51 =	vperm.xlane v51, v1;
	v22 =	vld [tilespmem:s23+$0x5700];
	v2 =	vadd.f32 v63, v2  }
0xca: {  	v3 =	vadd.f32 v61, v3;
	v61 =	vld [tilespmem:$0x1FFE0];
	v55 =	vperm.xlane v54, v0;
	v8 =	vperm.xlane v17, v0  }
0xcb: {  	v60 =	vperm.xlane v53, v1;
	v58 =	vmul.f32 v51, v7;
	v51 =	vld [tilespmem:s24+$0x1880]  }
0xcc: {  	v2 =	vadd.f32 v46, v2;
	v52 =	vmul.f32 v8, v25;
	v25 =	vmul.f32 v55, v30;
	v55 =	vld [tilespmem:$0x1FFF0]  }
0xcd: {  	v16 =	vld [tilespmem:s25+$0x3700];
	v3 =	vadd.f32 v14, v3  }
0xce: {  	v5 =	vmul.f32 v60, v9;
	v63 =	vperm.xlane v56, v1;
	v10 =	vld [tilespmem:s23+$0x5780];
	v2 =	vadd.f32 v58, v2  }
0xcf: {  	v60 =	vperm.xlane v57, v1;
	v46 =	vld [tilespmem:s24+$0x1800];
	v62 =	vperm.xlane v61, v0;
	v3 =	vadd.f32 v52, v3  }
0xd0: {  	v57 =	vperm.xlane v43, v1;
	v14 =	vld [tilespmem:s25+$0x3780];
	v58 =	vmul.f32 v63, v12;
	v2 =	vadd.f32 v5, v2  }
0xd1: {  	v17 =	vld [tilespmem:s24+$0x1780];
	v54 =	vmul.f32 v62, v36;
	v3 =	vadd.f32 v25, v3;
	v56 =	vperm.xlane v55, v0  }
0xd2: {  	v5 =	vadd.f32 v58, v2;
	v2 =	vld [tilespmem:s23+$0x5900];
	v36 =	vmul.f32 v60, v19;
	v62 =	vperm.xlane v48, v1  }
0xd3: {  	v58 =	vperm.xlane v28, v0;
	v28 =	vld [tilespmem:s24+$0x1B80];
	v3 =	vadd.f32 v54, v3;
	v61 =	vmul.f32 v56, v40  }
0xd4: {  	v8 =	vld [tilespmem:s23+$0x5800];
	v48 =	vperm.xlane v41, v1;
	v5 =	vadd.f32 v36, v5;
	v63 =	vmul.f32 v62, v23  }
0xd5: {  	v30 =	vld [tilespmem:s25+$0x3880];
	v60 =	vmul.f32 v57, v33;
	v57 =	vperm.xlane v34, v0;
	v3 =	vadd.f32 v61, v3  }
0xd6: {  	v34 =	vld [tilespmem:s23+$0x5C00];
	v53 =	vmul.f32 v48, v26;
	v5 =	vadd.f32 v63, v5;
	v54 =	vperm.xlane v50, v1  }
0xd7: {  	v52 =	vperm.xlane v21, v0;
	v36 =	vld [tilespmem:s25+$0x3A00];
	v62 =	vmul.f32 v58, v12;
	v13 =	vadd.f32 v13, v3  }
0xd8: {  	v12 =	vld [tilespmem:s23+$0x5A80];
	v48 =	vperm.xlane v59, v0;
	v21 =	vadd.f32 v53, v5;
	v56 =	vmul.f32 v54, v29  }
0xd9: {  	v25 =	vld [tilespmem:s24+$0x1900];
	v7 =	vmul.f32 v52, v7;
	v55 =	vperm.xlane v24, v0;
	v11 =	vadd.f32 v11, v13  }
0xda: {  	v63 =	vperm.xlane v32, v0;
	v32 =	vld [tilespmem:s24+$0x1A80];
	v61 =	vperm.xlane v49, v1;
	v21 =	vadd.f32 v56, v21  }
0xdb: {  	v52 =	vmul.f32 v48, v23;
	v23 =	vld [tilespmem:s24+$0x1B00];
	v9 =	vmul.f32 v55, v9;
	v7 =	vadd.f32 v7, v11  }
0xdc: {  	v43 =	vperm.xlane v47, v1;
	v48 =	vld [tilespmem:s24+$0x1C80];
	v41 =	vmul.f32 v61, v37;
	v21 =	vadd.f32 v60, v21  }
0xdd: {  	v6 =	vperm.xlane v6, v0;
	v24 =	vld [tilespmem:s25+$0x3D00];
	v7 =	vadd.f32 v9, v7  }
0xde: {  	v5 =	vld [tilespmem:s23+$0x5A00];
	v50 =	vperm.xlane v44, v1;
	v49 =	vmul.f32 v43, v35;
	v21 =	vadd.f32 v41, v21  }
0xdf: {  	v47 =	vmul.f32 v63, v19;
	v19 =	vld [tilespmem:s25+$0x3A80];
	v53 =	vperm.xlane v39, v0;
	v7 =	vadd.f32 v62, v7  }
0xe0: {  	v39 =	vld [tilespmem:s25+$0x3B00];
	v55 =	vperm.xlane v45, v1;
	v54 =	vmul.f32 v50, v27;
	v21 =	vadd.f32 v49, v21  }
0xe1: {  	v59 =	vmul.f32 v57, v29;
	v63 =	vperm.xlane v20, v0;
	v20 =	vld [tilespmem:s24+$0x1C00];
	v7 =	vadd.f32 v47, v7  }
0xe2: {  	v17 =	vperm.xlane v17, v1;
	v40 =	vld [tilespmem:s25+$0x3900];
	v58 =	vmul.f32 v55, v22;
	v21 =	vadd.f32 v54, v21  }
0xe3: {  	v45 =	vperm.xlane v31, v0;
	v31 =	vld [tilespmem:s23+$0x5C80];
	v56 =	vmul.f32 v53, v26;
	v7 =	vadd.f32 v52, v7  }
0xe4: {  	v17 =	vmul.f32 v17, v10;
	v29 =	vld [tilespmem:s25+$0x3B80];
	v61 =	vperm.xlane v46, v1;
	v21 =	vadd.f32 v58, v21  }
0xe5: {  	v50 =	vperm.xlane v15, v0;
	v15 =	vld [tilespmem:s25+$0x3C80];
	v60 =	vperm.xlane v42, v0;
	v7 =	vadd.f32 v56, v7  }
0xe6: {  	v43 =	vperm.xlane v51, v1;
	v3 =	vld [tilespmem:s23+$0x5980];
	v42 =	vmul.f32 v61, v8;
	v17 =	vadd.f32 v17, v21  }
0xe7: {  	v44 =	vmul.f32 v63, v37;
	v13 =	vld [tilespmem:s24+$0x1A00];
	v62 =	vmul.f32 v60, v33;
	v7 =	vadd.f32 v59, v7  }
0xe8: {  	v55 =	vld [tilespmem:s24+$0x1D00];
	v46 =	vmul.f32 v43, v4;
	v47 =	vperm.xlane v25, v1;
	v17 =	vadd.f32 v42, v17  }
0xe9: {  	v26 =	vld [tilespmem:s23+$0x5B80];
	v53 =	vmul.f32 v50, v27;
	v27 =	vperm.xlane v23, v1;
	v7 =	vadd.f32 v62, v7  }
0xea: {  	v23 =	vld [tilespmem:s25+$0x3E00];
	v51 =	vmul.f32 v47, v2;
	v52 =	vperm.xlane v38, v1;
	v17 =	vadd.f32 v46, v17  }
0xeb: {  	v6 =	vmul.f32 v6, v8;
	v50 =	vld [tilespmem:s24+$0x1F00];
	v49 =	vmul.f32 v45, v35;
	v7 =	vadd.f32 v44, v7  }
0xec: {  	v8 =	vld [tilespmem:s23+$0x5E80];
	v13 =	vperm.xlane v13, v1;
	v56 =	vmul.f32 v52, v3;
	v17 =	vadd.f32 v51, v17  }
0xed: {  	v41 =	vld [tilespmem:s23+$0x5B00];
	v54 =	vperm.xlane v16, v0;
	v7 =	vadd.f32 v49, v7  }
0xee: {  	v35 =	vld [tilespmem:s23+$0x5D00];
	v13 =	vmul.f32 v13, v5;
	v59 =	vperm.xlane v32, v1;
	v17 =	vadd.f32 v56, v17  }
0xef: {  	v45 =	vld [tilespmem:s24+$0x1E80];
	v57 =	vmul.f32 v54, v22;
	v58 =	vperm.xlane v14, v0;
	v7 =	vadd.f32 v53, v7  }
0xf0: {  	v30 =	vperm.xlane v30, v0;
	v33 =	vld [tilespmem:s25+$0x3C00];
	v63 =	vmul.f32 v59, v12;
	v62 =	vadd.f32 v13, v17  }
0xf1: {  	v16 =	vperm.xlane v55, v1;
	v60 =	vld [tilespmem:s24+$0x1D80];
	v61 =	vmul.f32 v58, v10;
	v7 =	vadd.f32 v57, v7  }
0xf2: {  	v37 =	vmul.f32 v27, v41;
	v14 =	vld [tilespmem:s23+$0x5D80];
	v38 =	vperm.xlane v28, v1;
	v11 =	vadd.f32 v63, v62  }
0xf3: {  	v48 =	vperm.xlane v48, v1;
	v54 =	vmul.f32 v16, v35;
	v16 =	vld [tilespmem:s23+$0x6000];
	v7 =	vadd.f32 v61, v7  }
0xf4: {  	v25 =	vld [tilespmem:s23+$0x6080];
	v43 =	vmul.f32 v38, v26;
	v44 =	vperm.xlane v20, v1;
	v11 =	vadd.f32 v37, v11  }
0xf5: {  	v4 =	vmul.f32 v30, v4;
	v10 =	vld [tilespmem:s25+$0x3D80];
	v42 =	vperm.xlane v40, v0;
	v6 =	vadd.f32 v6, v7  }
0xf6: {  	v21 =	vld [tilespmem:s23+$0x5E00];
	v58 =	vperm.xlane v39, v0;
	v47 =	vmul.f32 v44, v34;
	v11 =	vadd.f32 v43, v11  }
0xf7: {  	v2 =	vmul.f32 v42, v2;
	v46 =	vperm.xlane v18, v0;
	v32 =	vld [tilespmem:s24+$0x1E00];
	v4 =	vadd.f32 v4, v6  }
0xf8: {  	v39 =	vperm.xlane v24, v0;
	v24 =	vld [tilespmem:s23+$0x6300];
	v51 =	vmul.f32 v48, v31;
	v11 =	vadd.f32 v47, v11  }
0xf9: {  	v40 =	vld [tilespmem:s24+$0x2100];
	v3 =	vmul.f32 v46, v3;
	v49 =	vperm.xlane v36, v0;
	v2 =	vadd.f32 v2, v4  }
0xfa: {  	v55 =	vperm.xlane v60, v1;
	v60 =	vmul.f32 v58, v41;
	v58 =	vld [tilespmem:s24+$0x2280];
	v11 =	vadd.f32 v51, v11  }
0xfb: {  	v18 =	vld [tilespmem:s23+$0x5F00];
	v52 =	vmul.f32 v49, v5;
	v53 =	vperm.xlane v19, v0;
	v2 =	vadd.f32 v3, v2  }
0xfc: {  	v46 =	vld [tilespmem:s24+$0x2180];
	v59 =	vmul.f32 v55, v14;
	v9 =	vperm.xlane v32, v1;
	v11 =	vadd.f32 v54, v11  }
0xfd: {  	v56 =	vld [tilespmem:s24+$0x1F80];
	v57 =	vmul.f32 v53, v12;
	v2 =	vadd.f32 v52, v2  }
0xfe: {  	v62 =	vld [tilespmem:s24+$0x2000];
	v9 =	vmul.f32 v9, v21;
	v63 =	vperm.xlane v45, v1;
	v11 =	vadd.f32 v59, v11  }
0xff: {  	v5 =	vld [tilespmem:s23+$0x5F80];
	v61 =	vperm.xlane v29, v0;
	v2 =	vadd.f32 v57, v2  }
0x100: {  	v55 =	vld [tilespmem:s23+$0x6200];
	v30 =	vmul.f32 v63, v8;
	v6 =	vperm.xlane v50, v1;
	v9 =	vadd.f32 v9, v11  }
0x101: {  	v32 =	vld [tilespmem:s24+$0x2080];
	v29 =	vperm.xlane v33, v0;
	v28 =	vmul.f32 v61, v26;
	v2 =	vadd.f32 v60, v2  }
0x102: {  	v20 =	vld [tilespmem:s25+$0x4000];
	v37 =	vperm.xlane v56, v1;
	v6 =	vmul.f32 v6, v18;
	v9 =	vadd.f32 v30, v9  }
0x103: {  	v17 =	vld [tilespmem:s25+$0x3F00];
	v33 =	vmul.f32 v29, v34;
	v34 =	vperm.xlane v15, v0;
	v2 =	vadd.f32 v28, v2  }
0x104: {  	v19 =	vld [tilespmem:s23+$0x6100];
	v42 =	vperm.xlane v62, v1;
	v41 =	vmul.f32 v37, v5;
	v6 =	vadd.f32 v6, v9  }
0x105: {  	v44 =	vmul.f32 v39, v35;
	v49 =	vld [tilespmem:s23+$0x6180];
	v38 =	vmul.f32 v34, v31;
	v2 =	vadd.f32 v33, v2  }
0x106: {  	v48 =	vperm.xlane v32, v1;
	v7 =	vld [tilespmem:s25+$0x3E80];
	v47 =	vmul.f32 v42, v16;
	v6 =	vadd.f32 v41, v6  }
0x107: {  	v45 =	vperm.xlane v10, v0;
	v10 =	vperm.xlane v46, v1;
	v52 =	vld [tilespmem:s24+$0x2200];
	v2 =	vadd.f32 v38, v2  }
0x108: {  	v36 =	vld [tilespmem:s25+$0x4080];
	v53 =	vmul.f32 v48, v25;
	v54 =	vperm.xlane v40, v1;
	v6 =	vadd.f32 v47, v6  }
0x109: {  	v63 =	vld [tilespmem:s24+$0x2300];
	v51 =	vperm.xlane v23, v0;
	v50 =	vmul.f32 v45, v14;
	v2 =	vadd.f32 v44, v2  }
0x10a: {  	v12 =	vld [tilespmem:s25+$0x3F80];
	v62 =	vperm.xlane v17, v0;
	v59 =	vmul.f32 v54, v19;
	v6 =	vadd.f32 v53, v6  }
0x10b: {  	v56 =	vmul.f32 v51, v21;
	v57 =	vperm.xlane v7, v0;
	v60 =	vld [tilespmem:s23+$0x6280];
	v2 =	vadd.f32 v50, v2  }
0x10c: {  	v43 =	vld [tilespmem:s25+$0x4100];
	v17 =	vmul.f32 v10, v49;
	v21 =	vperm.xlane v52, v1;
	v6 =	vadd.f32 v59, v6  }
0x10d: {  	v32 =	vperm.xlane v20, v0;
	v61 =	vmul.f32 v57, v8;
	v28 =	vld [tilespmem:s24+$0x2380];
	v2 =	vadd.f32 v56, v2  }
0x10e: {  	v30 =	vld [tilespmem:s23+$0x6380];
	v7 =	vperm.xlane v58, v1;
	v29 =	vmul.f32 v21, v55;
	v6 =	vadd.f32 v17, v6  }
0x10f: {  	v26 =	vmul.f32 v62, v18;
	v27 =	vperm.xlane v12, v0;
	v33 =	vld [tilespmem:s24+$0x2400];
	v2 =	vadd.f32 v61, v2  }
0x110: {  	v8 =	vperm.xlane v63, v1;
	v7 =	vmul.f32 v7, v60;
	v6 =	vadd.f32 v29, v6  }
0x111: {  	v35 =	vperm.xlane v36, v0;
	v36 =	vld [tilespmem:s23+$0x6400];
	v31 =	vmul.f32 v27, v5;
	v2 =	vadd.f32 v26, v2  }
0x112: {  	v37 =	vld [tilespmem:s25+$0x4180];
	v8 =	vmul.f32 v8, v24;
	v12 =	vperm.xlane v28, v1;
	v6 =	vadd.f32 v7, v6  }
0x113: {  	s29 =	sshll.u32 s7, s6;
	v34 =	vmul.f32 v32, v16;
	v39 =	vperm.xlane v43, v0;
	v40 =	vld [tilespmem:s25+$0x4200];
	v2 =	vadd.f32 v31, v2  }
0x114: {  	s12 =	sand.u32 $0x10000, s29;
	v1 =	vperm.xlane v33, v1;
	v41 =	vmul.f32 v12, v30;
	v6 =	vadd.f32 v8, v6  }
0x115: {  	p1 =	seq.s32 s12, $0x0;
	s12 =	simm.s32 $0x1;
	v38 =	vmul.f32 v35, v25;
	v2 =	vadd.f32 v34, v2  }
0x116: {  	s12 =	simm.s32 @!p1 $0xFFFFFFFF;
	v43 =	vld [tilespmem:s25+$0x4280];
	v42 =	vmul.f32 v39, v19;
	v1 =	vmul.f32 v1, v36;
	v6 =	vadd.f32 v41, v6  }
0x117: {  	v44 =	vmov s12;
	v7 =	vperm.xlane v37, v0;
	v2 =	vadd.f32 v38, v2  }
0x118: {  	s8 =	sand.u32 $0xF, s8;
	v45 =	vld [tilespmem:s25+$0x4300];
	v5 =	vperm.xlane v40, v0;
	v46 =	vcvt.s32.f32 v44;
	v1 =	vadd.f32 v1, v6  }
0x119: {  	v47 =	vmov s8;
	v7 =	vmul.f32 v7, v49;
	v2 =	vadd.f32 v42, v2  }
0x11a: {  	v48 =	vld [tilespmem:s25+$0x4380];
	v6 =	vbroadcast v46, $0x0;
	v1 =	vperm.xlane v1, v47  }
0x11b: {  	v4 =	vperm.xlane v43, v0;
	v5 =	vmul.f32 v5, v55;
	v2 =	vadd.f32 v7, v2  }
0x11c: {  	v49 =	vld [tilespmem:s25+$0x4400];
	v1 =	vmul.f32 v1, v6  }
0x11d: {  	v3 =	vperm.xlane v45, v0;
	v4 =	vmul.f32 v4, v60;
	v2 =	vadd.f32 v5, v2  }
0x11e: {  	v1 =	vsub.f32 $0.0e+00, v1  }
0x11f: {  	v3 =	vmul.f32 v3, v24;
	v50 =	vperm.xlane v48, v0;
	v2 =	vadd.f32 v4, v2  }
0x120: {  	s7 =	sand.u32 $0x1, s7;
	v1 =	vmul.f32 $1.442695020e+00, v1  }
0x121: {  	p1 =	seq.s32 s7, $0x1;
	s7 =	simm.s32 $0xFFFFFFFF;
	v51 =	vmul.f32 v50, v30;
	v0 =	vperm.xlane v49, v0;
	v2 =	vadd.f32 v3, v2  }
0x122: {  	s7 =	simm.s32 @!p1 $0x1;
	(erf) = vpow2.f32 v1  }
0x123: {  	s7 =	simm.s32 @!p0 $0x1;
	v0 =	vmul.f32 v0, v36;
	v52 =	vadd.f32 v51, v2  }
0x124: {  	v53 =	vmov s7  }
0x125: {  	v54 =	vcvt.s32.f32 v53;
	v0 =	vadd.f32 v0, v52;
	_ =	sdelay $0x1  }
0x126: {  	v1 =	vbroadcast v54, $0x0;
	v0 =	vperm.xlane v0, v47;
	_ =	sdelay $0x1  }
0x127: {  	v0 =	vmul.f32 v0, v1;
	_ =	sdelay $0x1  }
0x128: {  	v55 =	vpop (erf);
	v0 =	vsub.f32 $0.0e+00, v0  }
0x129: {  	v1 =	vadd.f32 $1.000000000e+00, v55  }
0x12a: {  	v0 =	vmul.f32 $1.442695020e+00, v0  }
0x12b: {  	(erf) = vrcp.f32 v1  }
0x12c: {  	(erf) = vpow2.f32 v0;
	_ =	sdelay $0x7  }
0x12d: {  	v56 =	vpop (erf)  }
0x12e: {  	v57 =	vpop (erf)  }
0x12f: {  	p1 =	sgt.u32 s10, $0x1;
	s7 =	simm.s32 $0x1;
	v1 =	vadd.f32 $1.000000000e+00, v57  }
0x130: {  	s7 =	simm.s32 @!p1 $0x0  }
0x131: {  	v58 =	vmov s7;
	(erf) = vrcp.f32 v1  }
0x132: {  	p6 =	sgt.u32 s9, $0x1;
	v59 =	vcvt.s32.f32 v58  }
0x133: {  	p0 =	por !p0, !p6  }
0x134: {  	p0 =	por !p0, !p0;
	v1 =	vbroadcast v59, $0x0  }
0x135: {  	s5 =	simm.s32 @!p0 $0x0  }
0x136: {  	v60 =	vmov s5;
	v0 =	vmul.f32 v56, v1;
	v1 =	vsub.f32 $1.000000000e+00, v1  }
0x137: {  	v2 =	vcvt.s32.f32 v60  }
0x138: {  	v0 =	vadd.f32 v0, v1  }
0x139: {  	s30 =	sshll.u32 s6, $0x7;
	v61 =	vbroadcast v2, $0x0  }
0x13a: {  	s31 =	sadd.s32 s30, s4;
	s5 =	simm.s32 $0x6480;
	[tilespmem:$0x6480] =	vst v0;
	v62 =	vpop (erf)  }
0x13b: {  	v1 =	vsub.f32 $1.000000000e+00, v61;
	[spmem:s31] =	stream.linear.scatter [tilespmem:s5], [sflag:$0x2], $0x80, $0x38;
	v63 =	vmul.f32 v62, v61;
	[tilespmem:$0x7520] =	vst v63  }
0x13c: {  	_ =	swait.ge [sflag:s3], $0x80  }
0x13d: {  	[sflag:s3] =	ssyncset.done $0x0;
	v0 =	vadd.f32 v63, v1  }
0x13e: {  	[sflag:s3] =	ssyncadd.s32 $0xFFFFFF80  }
0x13f: {  	s7 =	sadd.s32 $0x800, s31;
	[tilespmem:$0x6480] =	vst v0  }
0x140: {  	[spmem:s7] =	stream.linear.scatter [tilespmem:s5], [sflag:$0x2], $0x80, $0x38;
	[tilespmem:$0x7520] =	vst v63  }
0x141: {  	_ =	swait.ge [sflag:s3], $0x80  }
0x142: {  	[sflag:s3] =	ssyncset.done $0x0  }
0x143: {  	[sflag:s3] =	ssyncadd.s32 $0xFFFFFF80  }
0x144: {  	p0 =	sne.s32 s6, $0x0;
	[bflag:$0x0] =	sbarrier.arrive $0xFFFF  }
0x145: {  	_ =	sfence.sel @p0 $0x180000  }
0x146: {  	[bflag:$0x0] =	sbarrier.arrive @p0 $0xFFFF  }
0x147: {  	_ =	strace @p0 $0x90000047  }
0x148: {  	[bflag:$0x2] =	sbarrier.arrive @p0 $0xFFFF  }
0x149: {  	_ =	shalt @p0  }
.LBB2_1:
0x14a: {  	s6 =	simm.s32 $0x6500  }
0x14b: {  	[tilespmem:s6], [sflag:$0x2] =	stream.linear.gather [spmem:s4], $0x1000, $0x38;
	[tilespmem:$0x7520] =	vst v63  }
0x14c: {  	_ =	swait.ge [sflag:s3], $0x1000  }
0x14d: {  	[sflag:s3] =	ssyncset.done $0x0  }
0x14e: {  	[sflag:s3] =	ssyncadd.s32 $0xFFFFF000  }
0x14f: {  	v0 =	vld [tilespmem:$0x6500]  }
0x150: {  	v1 =	vld [tilespmem:$0x6580];
	_ =	sdelay $0x1  }
0x151: {  	v2 =	vld [tilespmem:$0x6600];
	_ =	sdelay $0x1  }
0x152: {  	v3 =	vld [tilespmem:$0x6680]  }
0x153: {  	v0 =	vmul.f32 v1, v0  }
0x154: {  	v36 =	vld [tilespmem:$0x6700]  }
0x155: {  	v0 =	vmul.f32 v2, v0  }
0x156: {  	v37 =	vld [tilespmem:$0x6780]  }
0x157: {  	v0 =	vmul.f32 v3, v0  }
0x158: {  	v38 =	vld [tilespmem:$0x6800]  }
0x159: {  	v0 =	vmul.f32 v36, v0  }
0x15a: {  	v39 =	vld [tilespmem:$0x6880]  }
0x15b: {  	v0 =	vmul.f32 v37, v0  }
0x15c: {  	v40 =	vld [tilespmem:$0x6900]  }
0x15d: {  	v0 =	vmul.f32 v38, v0  }
0x15e: {  	v41 =	vld [tilespmem:$0x6980]  }
0x15f: {  	v0 =	vmul.f32 v39, v0  }
0x160: {  	v42 =	vld [tilespmem:$0x6A00]  }
0x161: {  	v0 =	vmul.f32 v40, v0  }
0x162: {  	v43 =	vld [tilespmem:$0x6A80]  }
0x163: {  	v0 =	vmul.f32 v41, v0  }
0x164: {  	v44 =	vld [tilespmem:$0x6B00]  }
0x165: {  	v0 =	vmul.f32 v42, v0  }
0x166: {  	v45 =	vld [tilespmem:$0x6B80]  }
0x167: {  	v0 =	vmul.f32 v43, v0  }
0x168: {  	v46 =	vld [tilespmem:$0x6C00]  }
0x169: {  	v0 =	vmul.f32 v44, v0  }
0x16a: {  	v47 =	vld [tilespmem:$0x6C80]  }
0x16b: {  	v0 =	vmul.f32 v45, v0  }
0x16c: {  	v48 =	vld [tilespmem:$0x6D00]  }
0x16d: {  	v0 =	vmul.f32 v46, v0  }
0x16e: {  	v49 =	vld [tilespmem:$0x6D80]  }
0x16f: {  	v0 =	vmul.f32 v47, v0  }
0x170: {  	v50 =	vld [tilespmem:$0x6E00]  }
0x171: {  	v0 =	vmul.f32 v48, v0  }
0x172: {  	v51 =	vld [tilespmem:$0x6E80]  }
0x173: {  	v0 =	vmul.f32 v49, v0  }
0x174: {  	v52 =	vld [tilespmem:$0x6F00]  }
0x175: {  	v0 =	vmul.f32 v50, v0  }
0x176: {  	v53 =	vld [tilespmem:$0x6F80]  }
0x177: {  	v0 =	vmul.f32 v51, v0  }
0x178: {  	v54 =	vld [tilespmem:$0x7000]  }
0x179: {  	v0 =	vmul.f32 v52, v0  }
0x17a: {  	v55 =	vld [tilespmem:$0x7080]  }
0x17b: {  	v0 =	vmul.f32 v53, v0  }
0x17c: {  	v56 =	vld [tilespmem:$0x7100]  }
0x17d: {  	v0 =	vmul.f32 v54, v0  }
0x17e: {  	v57 =	vld [tilespmem:$0x7180]  }
0x17f: {  	v0 =	vmul.f32 v55, v0  }
0x180: {  	v58 =	vld [tilespmem:$0x7200]  }
0x181: {  	v0 =	vmul.f32 v56, v0  }
0x182: {  	v59 =	vld [tilespmem:$0x7280]  }
0x183: {  	v0 =	vmul.f32 v57, v0  }
0x184: {  	v60 =	vld [tilespmem:$0x7300]  }
0x185: {  	v0 =	vmul.f32 v58, v0  }
0x186: {  	v61 =	vld [tilespmem:$0x7380]  }
0x187: {  	v0 =	vmul.f32 v59, v0  }
0x188: {  	v62 =	vld [tilespmem:$0x7400]  }
0x189: {  	v0 =	vmul.f32 v60, v0  }
0x18a: {  	v63 =	vld [tilespmem:$0x7480]  }
0x18b: {  	v0 =	vmul.f32 v61, v0;
	_ =	sdelay $0x1  }
0x18c: {  	v0 =	vmul.f32 v62, v0;
	_ =	sdelay $0x1  }
0x18d: {  	v0 =	vmul.f32 v63, v0;
	_ =	sdelay $0x1  }
0x18e: {  	[tilespmem:$0x6480] =	vst v0  }
0x18f: {  	[hbm4b:s1+s2] =	stream.linear.scatter [tilespmem:s5], [sflag:$0x2], $0x80, $0x38;
	[tilespmem:$0x7520] =	vst v63  }
0x190: {  	_ =	swait.ge [sflag:s3], $0x80  }
0x191: {  	[sflag:s3] =	ssyncset.done $0x0  }
0x192: {  	[sflag:s3] =	ssyncadd.s32 $0xFFFFFF80  }
0x193: {  	_ =	sfence.sel $0x180000  }
0x194: {  	[bflag:$0x0] =	sbarrier.arrive $0xFFFF  }
0x195: {  	_ =	strace $0x90000047  }
0x196: {  	s0 =	sadd.s32 $0x100000, s0;
	[bflag:$0x2] =	sbarrier.arrive $0xFFFF  }
0x197: {  	[sflag:s0] =	ssyncadd.tile.s32 $0x1;
	_ =	shalt  }
.Lfunc_end2:
_tile_overlayer_lowered:
.L_overlay_start_2:
0x198: {  	(tag) =	ssettag $0x2  }
0x199: {  	s0 =	rddreg [dreg:$0x0];
	s2 =	stileid.u32  }
0x19a: {  	s1 =	rddreg [dreg:$0x1];
	p0 =	sne.s32 s2, $0x0  }
0x19b: {  	s3 =	rddreg [dreg:$0x2];
	[bflag:$0x3] =	sbarrier.arrive $0xFFFF;
	s2 =	simm.s32 @!p0 $0x1C02  }
0x19c: {  	[timem:s3], [sflag:s2] =	dma.local @!p0 [hbm:s0], s1  }
0x19d: {  	s0 =	simm.s32 @!p0 $0x2  }
0x19e: {  	_ =	swait.ge @!p0 [sflag:s0], s1  }
0x19f: {  	s1 =	ssub.s32 @!p0 $0x0, s1;
	[sflag:s0] =	ssyncset.done @!p0 $0x0  }
0x1a0: {  	[sflag:s0] =	ssyncadd.s32 @!p0 s1  }
0x1a1: {  	[bflag:$0x3] =	sbarrier.arrive $0xFFFF  }
0x1a2: {  	_ =	shalt  }

</sc_bundles>
